<compile_context>
chip_gen: v7x
topology: tpu7x:2x2x1
jax: 0.10.2.dev20260603
libtpu: 0.0.44.dev20260713+nightly
codegen_flags: <defaults>
</compile_context>

<pallas_src>
import functools

import jax
import jax.numpy as jnp
from jax import lax
from jax.experimental import pallas as pl
from jax.experimental.pallas import tpu as pltpu
from jax.experimental.pallas import tpu_sc as plsc

_H = 64
_NC = 2
_NS = 16
_NW = _NC * _NS
_CHUNK = 400
_BLK = 4096
_SC_ROWS = 307200


def _proj_body(emb_ref, w_ref, b_ref, out_ref):
    out_ref[...] = lax.dot_general(
        emb_ref[...], w_ref[...], (((1,), (1,)), ((), ())),
        preferred_element_type=jnp.float32) + b_ref[...]


def _tc_body(p_ref, x_ref, t_ref, out_ref):
    tv = t_ref[0, 0, :]
    onehot = (tv[:, None] == lax.broadcasted_iota(jnp.int32, (1, _H), 1)
              ).astype(jnp.float32)
    e = lax.dot_general(onehot, p_ref[...], (((1,), (0,)), ((), ())),
                        preferred_element_type=jnp.float32)
    out_ref[...] = x_ref[...] + e


def _tc_call(p, x2, t1):
    n_rows = x2.shape[0]
    blk0 = _SC_ROWS // _BLK
    n_blocks = n_rows // _BLK - blk0
    return pl.pallas_call(
        _tc_body,
        grid=(n_blocks,),
        in_specs=[
            pl.BlockSpec((_H, _H), lambda i: (0, 0)),
            pl.BlockSpec((_BLK, _H), lambda i: (blk0 + i, 0)),
            pl.BlockSpec((1, 1, _BLK), lambda i: (blk0 + i, 0, 0)),
        ],
        out_specs=pl.BlockSpec((_BLK, _H), lambda i: (i, 0)),
        out_shape=jax.ShapeDtypeStruct((n_rows - _SC_ROWS, _H), jnp.float32),
    )(p, x2, t1.reshape(n_rows // _BLK, 1, _BLK))


def _make_sc_call(n_rows: int, sc_rows: int):
    rows_per_w = sc_rows // _NW
    n_chunks = rows_per_w // _CHUNK
    assert n_chunks % 2 == 0

    def _sc_body(p_hbm, x_hbm, t_hbm, out_hbm,
                 p_v, t0, t1, buf0, buf1, isem0, isem1, osem0, osem1):
        wid = lax.axis_index("s") * _NC + lax.axis_index("c")
        base = wid * rows_per_w
        pltpu.sync_copy(p_hbm, p_v)
        slots = ((t0, buf0, isem0, osem0), (t1, buf1, isem1, osem1))

        def start_in(g, sl):
            start = base + g * _CHUNK
            t_v, buf, isem, _ = slots[sl]
            pltpu.async_copy(t_hbm.at[pl.ds(start, _CHUNK)], t_v, isem)
            pltpu.async_copy(x_hbm.at[pl.ds(start, _CHUNK)], buf, isem)

        def wait_in(sl):
            t_v, buf, isem, _ = slots[sl]
            pltpu.make_async_copy(t_hbm.at[pl.ds(0, _CHUNK)], t_v, isem).wait()
            pltpu.make_async_copy(x_hbm.at[pl.ds(0, _CHUNK)], buf, isem).wait()

        def start_out(g, sl):
            start = base + g * _CHUNK
            _, buf, _, osem = slots[sl]
            pltpu.async_copy(buf, out_hbm.at[pl.ds(start, _CHUNK)], osem)

        def wait_out(sl):
            _, buf, _, osem = slots[sl]
            pltpu.make_async_copy(
                buf, out_hbm.at[pl.ds(0, _CHUNK)], osem).wait()

        def compute(sl):
            t_v, buf, _, _ = slots[sl]

            @plsc.parallel_loop(0, _CHUNK, 16)
            def _rows(i):
                tvec = t_v[pl.ds(i, 16)]
                for h in range(2):
                    vals = []
                    for k in range(8 * h, 8 * h + 8):
                        ti = tvec[k]
                        vals.append([p_v[ti, pl.ds(cg * 16, 16)]
                                     for cg in range(_H // 16)])
                    for k in range(8 * h, 8 * h + 8):
                        for cg in range(_H // 16):
                            plsc.addupdate(
                                buf.at[i + k, pl.ds(cg * 16, 16)],
                                vals[k - 8 * h][cg])

        start_in(0, 0)
        start_in(1, 1)

        def pair_body(gp, carry):
            g = gp * 2
            for sl in range(2):
                wait_in(sl)
                compute(sl)
                start_out(g + sl, sl)

                @pl.when(gp + 1 < n_chunks // 2)
                def _():
                    wait_out(sl)
                    start_in(g + sl + 2, sl)

            return carry

        lax.fori_loop(0, n_chunks // 2, pair_body, 0)
        wait_out(0)
        wait_out(1)

    return pl.kernel(
        _sc_body,
        out_type=jax.ShapeDtypeStruct((n_rows, _H), jnp.float32),
        mesh=plsc.VectorSubcoreMesh(core_axis_name="c", subcore_axis_name="s"),
        scratch_types=[
            pltpu.VMEM((_H, _H), jnp.float32),
            pltpu.VMEM((_CHUNK,), jnp.int32),
            pltpu.VMEM((_CHUNK,), jnp.int32),
            pltpu.VMEM((_CHUNK, _H), jnp.float32),
            pltpu.VMEM((_CHUNK, _H), jnp.float32),
            pltpu.SemaphoreType.DMA,
            pltpu.SemaphoreType.DMA,
            pltpu.SemaphoreType.DMA,
            pltpu.SemaphoreType.DMA,
        ],
    )


def kernel(x, t, emb_table, W, b):
    batch, hist, h = x.shape
    n_rows = batch * hist
    p = pl.pallas_call(
        _proj_body,
        out_shape=jax.ShapeDtypeStruct((_H, _H), jnp.float32),
    )(emb_table, W, b.reshape(1, _H))
    x2 = x.reshape(n_rows, h)
    t1 = t.reshape(n_rows)
    out_sc = _make_sc_call(n_rows, _SC_ROWS)(p, x2, t1)
    out_tc = _tc_call(p, x2, t1)
    out = lax.dynamic_update_slice(out_sc, out_tc, (_SC_ROWS, 0))
    return out.reshape(x.shape)

# --- scband reference (transcript-rebuilt; emitter-appended) ---
"""Pipeline reference for scband-rte-24223615550269 (READ-ONLY COPY).

The authoritative reference and input builder live on the scoring server;
editing this copy changes nothing except your own understanding.
"""

import jax, jax.numpy as jnp
import numpy as np
import math

HIDDEN_DIM = 64
MAX_ENCODE = 64
BATCH = 16384
HIST = 50

def _build_emb_table():
    # Faithful translation of the module __init__ sinusoidal overwrite.
    # position = arange(0, max_encode, step=hidden_dim) -> length ceil(64/64)=1
    position = jnp.arange(0.0, MAX_ENCODE, HIDDEN_DIM)[:, None]  # [1, 1]
    generate_sin = jnp.exp(jnp.arange(0, HIDDEN_DIM, 2).astype(jnp.float32) * -(math.log(10000.0) / HIDDEN_DIM))  # [32]
    emb = jnp.zeros((MAX_ENCODE, HIDDEN_DIM), dtype=jnp.float32)
    sin_part = jnp.sin(position * generate_sin) / math.sqrt(HIDDEN_DIM)  # [1, 32], broadcasts over rows
    cos_part = jnp.cos(position * generate_sin) / math.sqrt(HIDDEN_DIM)  # [1, 32]
    emb = emb.at[:, 0::2].set(jnp.broadcast_to(sin_part, (MAX_ENCODE, HIDDEN_DIM // 2)))
    emb = emb.at[:, 1::2].set(jnp.broadcast_to(cos_part, (MAX_ENCODE, HIDDEN_DIM // 2)))
    return emb

def setup_inputs(seed: int = 0) -> dict:
    key = jax.random.key(seed)
    k1, k2, k3, k4 = jax.random.split(key, 4)
    x = jax.random.normal(k1, (BATCH, HIST, HIDDEN_DIM), dtype=jnp.float32)
    t = jax.random.randint(k2, (BATCH, HIST), 0, MAX_ENCODE, dtype=jnp.int32)
    emb_table = _build_emb_table()
    bound = 1.0 / math.sqrt(HIDDEN_DIM)
    W = jax.random.uniform(k3, (HIDDEN_DIM, HIDDEN_DIM), dtype=jnp.float32, minval=-bound, maxval=bound)
    b = jax.random.uniform(k4, (HIDDEN_DIM,), dtype=jnp.float32, minval=-bound, maxval=bound)
    return {"x": x, "t": t, "emb_table": emb_table, "W": W, "b": b}

def reference(x, t, emb_table, W, b):
    # forward: x + Linear(Embedding(t))
    e = jnp.take(emb_table, t, axis=0)           # [B, L, H] gather
    return x + jnp.dot(e, W.T) + b               # residual add

if __name__ == "__main__":
    import jax
    _d = setup_inputs()
    print(jax.jit(kernel)(*tuple(_d.values())))

</pallas_src>

<mosaic_0001>
#map = affine_map<(d0, d1) -> (0, 0)>
#map1 = affine_map<(d0, d1) -> (0)>
module attributes {stable_mosaic.version = 14 : i64} {
  func.func @_sc_body(%arg0: i32, %arg1: i32, %arg2: memref<64x64xf32, #tpu.memory_space<hbm>>, %arg3: memref<819200x64xf32, #tpu.memory_space<hbm>>, %arg4: memref<819200xi32, #tpu.memory_space<hbm>>, %arg5: memref<819200x64xf32, #tpu.memory_space<hbm>>, %arg6: memref<64x64xf32, #tpu.memory_space<vmem>>, %arg7: memref<400xi32, #tpu.memory_space<vmem>>, %arg8: memref<400xi32, #tpu.memory_space<vmem>>, %arg9: memref<400x64xf32, #tpu.memory_space<vmem>>, %arg10: memref<400x64xf32, #tpu.memory_space<vmem>>, %arg11: memref<!tpu.dma_semaphore, #tpu.memory_space<semaphore_mem>>, %arg12: memref<!tpu.dma_semaphore, #tpu.memory_space<semaphore_mem>>, %arg13: memref<!tpu.dma_semaphore, #tpu.memory_space<semaphore_mem>>, %arg14: memref<!tpu.dma_semaphore, #tpu.memory_space<semaphore_mem>>) attributes {dimension_semantics = [#tpu.dimension_semantics<core_parallel>, #tpu.dimension_semantics<subcore_parallel>], iteration_bounds = array<i64: 2, 16>, scalar_prefetch = 0 : i64, scratch_operands = 9 : i64, tpu.core_type = #tpu.core_type<sc_vector_subcore>, window_params = [{transform_indices = #map}, {transform_indices = #map}, {transform_indices = #map1}, {transform_indices = #map}]} {
    %mul3A = arith.constant 2 : i32
    %mul3A_0 = arith.muli %arg1, %mul3A : i32
    %add3A = arith.addi %mul3A_0, %arg0 : i32
    %mul3A_1 = arith.constant 9600 : i32
    %mul3A_2 = arith.muli %add3A, %mul3A_1 : i32
    "tpu.region"() ({
      %run_scoped3A = tpu.sem_alloc : memref<!tpu.dma_semaphore, #tpu.memory_space<semaphore_mem>>
      tpu.enqueue_dma source(%arg2 : memref<64x64xf32, #tpu.memory_space<hbm>>) target(%arg6 : memref<64x64xf32, #tpu.memory_space<vmem>>) target_semaphore(%run_scoped3A : memref<!tpu.dma_semaphore, #tpu.memory_space<semaphore_mem>>)
      tpu.wait_dma2 semaphore(%run_scoped3A : memref<!tpu.dma_semaphore, #tpu.memory_space<semaphore_mem>>) src(%arg2 : memref<64x64xf32, #tpu.memory_space<hbm>>) dst(%arg6 : memref<64x64xf32, #tpu.memory_space<vmem>>)
      tpu.yield
    }) : () -> ()
    %add3A_3 = arith.constant 0 : i32
    %add3A_4 = arith.addi %mul3A_2, %add3A_3 : i32
    %dma_start3A = tpu.memref_slice %arg4[%add3A_4] : memref<819200xi32, #tpu.memory_space<hbm>> -> memref<400xi32, #tpu.memory_space<hbm>>
    %dma_start3A_5 = tpu.memref_slice %arg4[%add3A_4] : memref<819200xi32, #tpu.memory_space<hbm>> -> memref<400xi32, #tpu.memory_space<hbm>>
    tpu.enqueue_dma source(%dma_start3A_5 : memref<400xi32, #tpu.memory_space<hbm>>) target(%arg7 : memref<400xi32, #tpu.memory_space<vmem>>) target_semaphore(%arg11 : memref<!tpu.dma_semaphore, #tpu.memory_space<semaphore_mem>>)
    %dma_start3A_6 = arith.constant 0 : i32
    %dma_start3A_7 = tpu.memref_slice %arg3[%add3A_4, %dma_start3A_6] : memref<819200x64xf32, #tpu.memory_space<hbm>> -> memref<400x64xf32, #tpu.memory_space<hbm>>
    %dma_start3A_8 = arith.constant 0 : i32
    %dma_start3A_9 = tpu.memref_slice %arg3[%add3A_4, %dma_start3A_8] : memref<819200x64xf32, #tpu.memory_space<hbm>> -> memref<400x64xf32, #tpu.memory_space<hbm>>
    tpu.enqueue_dma source(%dma_start3A_9 : memref<400x64xf32, #tpu.memory_space<hbm>>) target(%arg9 : memref<400x64xf32, #tpu.memory_space<vmem>>) target_semaphore(%arg11 : memref<!tpu.dma_semaphore, #tpu.memory_space<semaphore_mem>>)
    %add3A_10 = arith.constant 400 : i32
    %add3A_11 = arith.addi %mul3A_2, %add3A_10 : i32
    %dma_start3A_12 = tpu.memref_slice %arg4[%add3A_11] : memref<819200xi32, #tpu.memory_space<hbm>> -> memref<400xi32, #tpu.memory_space<hbm>>
    %dma_start3A_13 = tpu.memref_slice %arg4[%add3A_11] : memref<819200xi32, #tpu.memory_space<hbm>> -> memref<400xi32, #tpu.memory_space<hbm>>
    tpu.enqueue_dma source(%dma_start3A_13 : memref<400xi32, #tpu.memory_space<hbm>>) target(%arg8 : memref<400xi32, #tpu.memory_space<vmem>>) target_semaphore(%arg12 : memref<!tpu.dma_semaphore, #tpu.memory_space<semaphore_mem>>)
    %dma_start3A_14 = arith.constant 0 : i32
    %dma_start3A_15 = tpu.memref_slice %arg3[%add3A_11, %dma_start3A_14] : memref<819200x64xf32, #tpu.memory_space<hbm>> -> memref<400x64xf32, #tpu.memory_space<hbm>>
    %dma_start3A_16 = arith.constant 0 : i32
    %dma_start3A_17 = tpu.memref_slice %arg3[%add3A_11, %dma_start3A_16] : memref<819200x64xf32, #tpu.memory_space<hbm>> -> memref<400x64xf32, #tpu.memory_space<hbm>>
    tpu.enqueue_dma source(%dma_start3A_17 : memref<400x64xf32, #tpu.memory_space<hbm>>) target(%arg10 : memref<400x64xf32, #tpu.memory_space<vmem>>) target_semaphore(%arg12 : memref<!tpu.dma_semaphore, #tpu.memory_space<semaphore_mem>>)
    %scan3A = arith.constant 0 : i32
    %scan3A_18 = arith.constant 0 : i32
    %scan3A_19 = arith.constant 12 : i32
    %scan3A_20 = arith.addi %scan3A_18, %scan3A_19 : i32
    %scan3A_21 = arith.constant 1 : i32
    scf.for %scan3A_34 = %scan3A_18 to %scan3A_20 step %scan3A_21  : i32 {
      %mul3A_35 = arith.constant 2 : i32
      %mul3A_36 = arith.muli %scan3A_34, %mul3A_35 : i32
      %dma_wait3A_37 = arith.constant 0 : i32
      %dma_wait3A_38 = tpu.memref_slice %arg4[%dma_wait3A_37] : memref<819200xi32, #tpu.memory_space<hbm>> -> memref<400xi32, #tpu.memory_space<hbm>>
      %dma_wait3A_39 = arith.constant 0 : i32
      %dma_wait3A_40 = tpu.memref_slice %arg4[%dma_wait3A_39] : memref<819200xi32, #tpu.memory_space<hbm>> -> memref<400xi32, #tpu.memory_space<hbm>>
      tpu.wait_dma2 semaphore(%arg11 : memref<!tpu.dma_semaphore, #tpu.memory_space<semaphore_mem>>) src(%dma_wait3A_40 : memref<400xi32, #tpu.memory_space<hbm>>) dst(%arg7 : memref<400xi32, #tpu.memory_space<vmem>>)
      %dma_wait3A_41 = arith.constant 0 : i32
      %dma_wait3A_42 = arith.constant 0 : i32
      %dma_wait3A_43 = tpu.memref_slice %arg3[%dma_wait3A_41, %dma_wait3A_42] : memref<819200x64xf32, #tpu.memory_space<hbm>> -> memref<400x64xf32, #tpu.memory_space<hbm>>
      %dma_wait3A_44 = arith.constant 0 : i32
      %dma_wait3A_45 = arith.constant 0 : i32
      %dma_wait3A_46 = tpu.memref_slice %arg3[%dma_wait3A_44, %dma_wait3A_45] : memref<819200x64xf32, #tpu.memory_space<hbm>> -> memref<400x64xf32, #tpu.memory_space<hbm>>
      tpu.wait_dma2 semaphore(%arg11 : memref<!tpu.dma_semaphore, #tpu.memory_space<semaphore_mem>>) src(%dma_wait3A_46 : memref<400x64xf32, #tpu.memory_space<hbm>>) dst(%arg9 : memref<400x64xf32, #tpu.memory_space<vmem>>)
      %parallel_loop3A = arith.constant 0 : i32
      %parallel_loop3A_47 = arith.constant 400 : i32
      %parallel_loop3A_48 = arith.constant 16 : i32
      scf.for %parallel_loop3A_91 = %parallel_loop3A to %parallel_loop3A_47 step %parallel_loop3A_48  : i32 {
        %parallel_loop3A_92 = arith.index_cast %parallel_loop3A_91 : i32 to index
        %parallel_loop3A_93 = tpu.vector_load %arg7[%parallel_loop3A_92] {strides = array<i32>} : memref<400xi32, #tpu.memory_space<vmem>>, vector<16xi32>,
        %parallel_loop3A_94 = vector.shape_cast %parallel_loop3A_93 : vector<16xi32> to vector<16xi32>
        %parallel_loop3A_95 = vector.extract_strided_slice %parallel_loop3A_94 {offsets = [0], sizes = [1], strides = [1]} : vector<16xi32> to vector<1xi32>
        %parallel_loop3A_96 = vector.extract %parallel_loop3A_95[0] : i32 from vector<1xi32>
        %parallel_loop3A_97 = arith.index_cast %parallel_loop3A_96 : i32 to index
        %parallel_loop3A_98 = arith.constant 0 : index
        %parallel_loop3A_99 = tpu.vector_load %arg6[%parallel_loop3A_97, %parallel_loop3A_98] {strides = array<i32>} : memref<64x64xf32, #tpu.memory_space<vmem>>, vector<1x16xf32>,
        %parallel_loop3A_100 = vector.shape_cast %parallel_loop3A_99 : vector<1x16xf32> to vector<16xf32>
        %parallel_loop3A_101 = arith.index_cast %parallel_loop3A_96 : i32 to index
        %parallel_loop3A_102 = arith.constant 16 : index
        %parallel_loop3A_103 = tpu.vector_load %arg6[%parallel_loop3A_101, %parallel_loop3A_102] {strides = array<i32>} : memref<64x64xf32, #tpu.memory_space<vmem>>, vector<1x16xf32>,
        %parallel_loop3A_104 = vector.shape_cast %parallel_loop3A_103 : vector<1x16xf32> to vector<16xf32>
        %parallel_loop3A_105 = arith.index_cast %parallel_loop3A_96 : i32 to index
        %parallel_loop3A_106 = arith.constant 32 : index
        %parallel_loop3A_107 = tpu.vector_load %arg6[%parallel_loop3A_105, %parallel_loop3A_106] {strides = array<i32>} : memref<64x64xf32, #tpu.memory_space<vmem>>, vector<1x16xf32>,
        %parallel_loop3A_108 = vector.shape_cast %parallel_loop3A_107 : vector<1x16xf32> to vector<16xf32>
        %parallel_loop3A_109 = arith.index_cast %parallel_loop3A_96 : i32 to index
        %parallel_loop3A_110 = arith.constant 48 : index
        %parallel_loop3A_111 = tpu.vector_load %arg6[%parallel_loop3A_109, %parallel_loop3A_110] {strides = array<i32>} : memref<64x64xf32, #tpu.memory_space<vmem>>, vector<1x16xf32>,
        %parallel_loop3A_112 = vector.shape_cast %parallel_loop3A_111 : vector<1x16xf32> to vector<16xf32>
        %parallel_loop3A_113 = vector.extract_strided_slice %parallel_loop3A_94 {offsets = [1], sizes = [1], strides = [1]} : vector<16xi32> to vector<1xi32>
        %parallel_loop3A_114 = vector.extract %parallel_loop3A_113[0] : i32 from vector<1xi32>
        %parallel_loop3A_115 = arith.index_cast %parallel_loop3A_114 : i32 to index
        %parallel_loop3A_116 = arith.constant 0 : index
        %parallel_loop3A_117 = tpu.vector_load %arg6[%parallel_loop3A_115, %parallel_loop3A_116] {strides = array<i32>} : memref<64x64xf32, #tpu.memory_space<vmem>>, vector<1x16xf32>,
        %parallel_loop3A_118 = vector.shape_cast %parallel_loop3A_117 : vector<1x16xf32> to vector<16xf32>
        %parallel_loop3A_119 = arith.index_cast %parallel_loop3A_114 : i32 to index
        %parallel_loop3A_120 = arith.constant 16 : index
        %parallel_loop3A_121 = tpu.vector_load %arg6[%parallel_loop3A_119, %parallel_loop3A_120] {strides = array<i32>} : memref<64x64xf32, #tpu.memory_space<vmem>>, vector<1x16xf32>,
        %parallel_loop3A_122 = vector.shape_cast %parallel_loop3A_121 : vector<1x16xf32> to vector<16xf32>
        %parallel_loop3A_123 = arith.index_cast %parallel_loop3A_114 : i32 to index
        %parallel_loop3A_124 = arith.constant 32 : index
        %parallel_loop3A_125 = tpu.vector_load %arg6[%parallel_loop3A_123, %parallel_loop3A_124] {strides = array<i32>} : memref<64x64xf32, #tpu.memory_space<vmem>>, vector<1x16xf32>,
        %parallel_loop3A_126 = vector.shape_cast %parallel_loop3A_125 : vector<1x16xf32> to vector<16xf32>
        %parallel_loop3A_127 = arith.index_cast %parallel_loop3A_114 : i32 to index
        %parallel_loop3A_128 = arith.constant 48 : index
        %parallel_loop3A_129 = tpu.vector_load %arg6[%parallel_loop3A_127, %parallel_loop3A_128] {strides = array<i32>} : memref<64x64xf32, #tpu.memory_space<vmem>>, vector<1x16xf32>,
        %parallel_loop3A_130 = vector.shape_cast %parallel_loop3A_129 : vector<1x16xf32> to vector<16xf32>
        %parallel_loop3A_131 = vector.extract_strided_slice %parallel_loop3A_94 {offsets = [2], sizes = [1], strides = [1]} : vector<16xi32> to vector<1xi32>
        %parallel_loop3A_132 = vector.extract %parallel_loop3A_131[0] : i32 from vector<1xi32>
        %parallel_loop3A_133 = arith.index_cast %parallel_loop3A_132 : i32 to index
        %parallel_loop3A_134 = arith.constant 0 : index
        %parallel_loop3A_135 = tpu.vector_load %arg6[%parallel_loop3A_133, %parallel_loop3A_134] {strides = array<i32>} : memref<64x64xf32, #tpu.memory_space<vmem>>, vector<1x16xf32>,
        %parallel_loop3A_136 = vector.shape_cast %parallel_loop3A_135 : vector<1x16xf32> to vector<16xf32>
        %parallel_loop3A_137 = arith.index_cast %parallel_loop3A_132 : i32 to index
        %parallel_loop3A_138 = arith.constant 16 : index
        %parallel_loop3A_139 = tpu.vector_load %arg6[%parallel_loop3A_137, %parallel_loop3A_138] {strides = array<i32>} : memref<64x64xf32, #tpu.memory_space<vmem>>, vector<1x16xf32>,
        %parallel_loop3A_140 = vector.shape_cast %parallel_loop3A_139 : vector<1x16xf32> to vector<16xf32>
        %parallel_loop3A_141 = arith.index_cast %parallel_loop3A_132 : i32 to index
        %parallel_loop3A_142 = arith.constant 32 : index
        %parallel_loop3A_143 = tpu.vector_load %arg6[%parallel_loop3A_141, %parallel_loop3A_142] {strides = array<i32>} : memref<64x64xf32, #tpu.memory_space<vmem>>, vector<1x16xf32>,
        %parallel_loop3A_144 = vector.shape_cast %parallel_loop3A_143 : vector<1x16xf32> to vector<16xf32>
        %parallel_loop3A_145 = arith.index_cast %parallel_loop3A_132 : i32 to index
        %parallel_loop3A_146 = arith.constant 48 : index
        %parallel_loop3A_147 = tpu.vector_load %arg6[%parallel_loop3A_145, %parallel_loop3A_146] {strides = array<i32>} : memref<64x64xf32, #tpu.memory_space<vmem>>, vector<1x16xf32>,
        %parallel_loop3A_148 = vector.shape_cast %parallel_loop3A_147 : vector<1x16xf32> to vector<16xf32>
        %parallel_loop3A_149 = vector.extract_strided_slice %parallel_loop3A_94 {offsets = [3], sizes = [1], strides = [1]} : vector<16xi32> to vector<1xi32>
        %parallel_loop3A_150 = vector.extract %parallel_loop3A_149[0] : i32 from vector<1xi32>
        %parallel_loop3A_151 = arith.index_cast %parallel_loop3A_150 : i32 to index
        %parallel_loop3A_152 = arith.constant 0 : index
        %parallel_loop3A_153 = tpu.vector_load %arg6[%parallel_loop3A_151, %parallel_loop3A_152] {strides = array<i32>} : memref<64x64xf32, #tpu.memory_space<vmem>>, vector<1x16xf32>,
        %parallel_loop3A_154 = vector.shape_cast %parallel_loop3A_153 : vector<1x16xf32> to vector<16xf32>
        %parallel_loop3A_155 = arith.index_cast %parallel_loop3A_150 : i32 to index
        %parallel_loop3A_156 = arith.constant 16 : index
        %parallel_loop3A_157 = tpu.vector_load %arg6[%parallel_loop3A_155, %parallel_loop3A_156] {strides = array<i32>} : memref<64x64xf32, #tpu.memory_space<vmem>>, vector<1x16xf32>,
        %parallel_loop3A_158 = vector.shape_cast %parallel_loop3A_157 : vector<1x16xf32> to vector<16xf32>
        %parallel_loop3A_159 = arith.index_cast %parallel_loop3A_150 : i32 to index
        %parallel_loop3A_160 = arith.constant 32 : index
        %parallel_loop3A_161 = tpu.vector_load %arg6[%parallel_loop3A_159, %parallel_loop3A_160] {strides = array<i32>} : memref<64x64xf32, #tpu.memory_space<vmem>>, vector<1x16xf32>,
        %parallel_loop3A_162 = vector.shape_cast %parallel_loop3A_161 : vector<1x16xf32> to vector<16xf32>
        %parallel_loop3A_163 = arith.index_cast %parallel_loop3A_150 : i32 to index
        %parallel_loop3A_164 = arith.constant 48 : index
        %parallel_loop3A_165 = tpu.vector_load %arg6[%parallel_loop3A_163, %parallel_loop3A_164] {strides = array<i32>} : memref<64x64xf32, #tpu.memory_space<vmem>>, vector<1x16xf32>,
        %parallel_loop3A_166 = vector.shape_cast %parallel_loop3A_165 : vector<1x16xf32> to vector<16xf32>
        %parallel_loop3A_167 = vector.extract_strided_slice %parallel_loop3A_94 {offsets = [4], sizes = [1], strides = [1]} : vector<16xi32> to vector<1xi32>
        %parallel_loop3A_168 = vector.extract %parallel_loop3A_167[0] : i32 from vector<1xi32>
        %parallel_loop3A_169 = arith.index_cast %parallel_loop3A_168 : i32 to index
        %parallel_loop3A_170 = arith.constant 0 : index
        %parallel_loop3A_171 = tpu.vector_load %arg6[%parallel_loop3A_169, %parallel_loop3A_170] {strides = array<i32>} : memref<64x64xf32, #tpu.memory_space<vmem>>, vector<1x16xf32>,
        %parallel_loop3A_172 = vector.shape_cast %parallel_loop3A_171 : vector<1x16xf32> to vector<16xf32>
        %parallel_loop3A_173 = arith.index_cast %parallel_loop3A_168 : i32 to index
        %parallel_loop3A_174 = arith.constant 16 : index
        %parallel_loop3A_175 = tpu.vector_load %arg6[%parallel_loop3A_173, %parallel_loop3A_174] {strides = array<i32>} : memref<64x64xf32, #tpu.memory_space<vmem>>, vector<1x16xf32>,
        %parallel_loop3A_176 = vector.shape_cast %parallel_loop3A_175 : vector<1x16xf32> to vector<16xf32>
        %parallel_loop3A_177 = arith.index_cast %parallel_loop3A_168 : i32 to index
        %parallel_loop3A_178 = arith.constant 32 : index
        %parallel_loop3A_179 = tpu.vector_load %arg6[%parallel_loop3A_177, %parallel_loop3A_178] {strides = array<i32>} : memref<64x64xf32, #tpu.memory_space<vmem>>, vector<1x16xf32>,
        %parallel_loop3A_180 = vector.shape_cast %parallel_loop3A_179 : vector<1x16xf32> to vector<16xf32>
        %parallel_loop3A_181 = arith.index_cast %parallel_loop3A_168 : i32 to index
        %parallel_loop3A_182 = arith.constant 48 : index
        %parallel_loop3A_183 = tpu.vector_load %arg6[%parallel_loop3A_181, %parallel_loop3A_182] {strides = array<i32>} : memref<64x64xf32, #tpu.memory_space<vmem>>, vector<1x16xf32>,
        %parallel_loop3A_184 = vector.shape_cast %parallel_loop3A_183 : vector<1x16xf32> to vector<16xf32>
        %parallel_loop3A_185 = vector.extract_strided_slice %parallel_loop3A_94 {offsets = [5], sizes = [1], strides = [1]} : vector<16xi32> to vector<1xi32>
        %parallel_loop3A_186 = vector.extract %parallel_loop3A_185[0] : i32 from vector<1xi32>
        %parallel_loop3A_187 = arith.index_cast %parallel_loop3A_186 : i32 to index
        %parallel_loop3A_188 = arith.constant 0 : index
        %parallel_loop3A_189 = tpu.vector_load %arg6[%parallel_loop3A_187, %parallel_loop3A_188] {strides = array<i32>} : memref<64x64xf32, #tpu.memory_space<vmem>>, vector<1x16xf32>,
        %parallel_loop3A_190 = vector.shape_cast %parallel_loop3A_189 : vector<1x16xf32> to vector<16xf32>
        %parallel_loop3A_191 = arith.index_cast %parallel_loop3A_186 : i32 to index
        %parallel_loop3A_192 = arith.constant 16 : index
        %parallel_loop3A_193 = tpu.vector_load %arg6[%parallel_loop3A_191, %parallel_loop3A_192] {strides = array<i32>} : memref<64x64xf32, #tpu.memory_space<vmem>>, vector<1x16xf32>,
        %parallel_loop3A_194 = vector.shape_cast %parallel_loop3A_193 : vector<1x16xf32> to vector<16xf32>
        %parallel_loop3A_195 = arith.index_cast %parallel_loop3A_186 : i32 to index
        %parallel_loop3A_196 = arith.constant 32 : index
        %parallel_loop3A_197 = tpu.vector_load %arg6[%parallel_loop3A_195, %parallel_loop3A_196] {strides = array<i32>} : memref<64x64xf32, #tpu.memory_space<vmem>>, vector<1x16xf32>,
        %parallel_loop3A_198 = vector.shape_cast %parallel_loop3A_197 : vector<1x16xf32> to vector<16xf32>
        %parallel_loop3A_199 = arith.index_cast %parallel_loop3A_186 : i32 to index
        %parallel_loop3A_200 = arith.constant 48 : index
        %parallel_loop3A_201 = tpu.vector_load %arg6[%parallel_loop3A_199, %parallel_loop3A_200] {strides = array<i32>} : memref<64x64xf32, #tpu.memory_space<vmem>>, vector<1x16xf32>,
        %parallel_loop3A_202 = vector.shape_cast %parallel_loop3A_201 : vector<1x16xf32> to vector<16xf32>
        %parallel_loop3A_203 = vector.extract_strided_slice %parallel_loop3A_94 {offsets = [6], sizes = [1], strides = [1]} : vector<16xi32> to vector<1xi32>
        %parallel_loop3A_204 = vector.extract %parallel_loop3A_203[0] : i32 from vector<1xi32>
        %parallel_loop3A_205 = arith.index_cast %parallel_loop3A_204 : i32 to index
        %parallel_loop3A_206 = arith.constant 0 : index
        %parallel_loop3A_207 = tpu.vector_load %arg6[%parallel_loop3A_205, %parallel_loop3A_206] {strides = array<i32>} : memref<64x64xf32, #tpu.memory_space<vmem>>, vector<1x16xf32>,
        %parallel_loop3A_208 = vector.shape_cast %parallel_loop3A_207 : vector<1x16xf32> to vector<16xf32>
        %parallel_loop3A_209 = arith.index_cast %parallel_loop3A_204 : i32 to index
        %parallel_loop3A_210 = arith.constant 16 : index
        %parallel_loop3A_211 = tpu.vector_load %arg6[%parallel_loop3A_209, %parallel_loop3A_210] {strides = array<i32>} : memref<64x64xf32, #tpu.memory_space<vmem>>, vector<1x16xf32>,
        %parallel_loop3A_212 = vector.shape_cast %parallel_loop3A_211 : vector<1x16xf32> to vector<16xf32>
        %parallel_loop3A_213 = arith.index_cast %parallel_loop3A_204 : i32 to index
        %parallel_loop3A_214 = arith.constant 32 : index
        %parallel_loop3A_215 = tpu.vector_load %arg6[%parallel_loop3A_213, %parallel_loop3A_214] {strides = array<i32>} : memref<64x64xf32, #tpu.memory_space<vmem>>, vector<1x16xf32>,
        %parallel_loop3A_216 = vector.shape_cast %parallel_loop3A_215 : vector<1x16xf32> to vector<16xf32>
        %parallel_loop3A_217 = arith.index_cast %parallel_loop3A_204 : i32 to index
        %parallel_loop3A_218 = arith.constant 48 : index
        %parallel_loop3A_219 = tpu.vector_load %arg6[%parallel_loop3A_217, %parallel_loop3A_218] {strides = array<i32>} : memref<64x64xf32, #tpu.memory_space<vmem>>, vector<1x16xf32>,
        %parallel_loop3A_220 = vector.shape_cast %parallel_loop3A_219 : vector<1x16xf32> to vector<16xf32>
        %parallel_loop3A_221 = vector.extract_strided_slice %parallel_loop3A_94 {offsets = [7], sizes = [1], strides = [1]} : vector<16xi32> to vector<1xi32>
        %parallel_loop3A_222 = vector.extract %parallel_loop3A_221[0] : i32 from vector<1xi32>
        %parallel_loop3A_223 = arith.index_cast %parallel_loop3A_222 : i32 to index
        %parallel_loop3A_224 = arith.constant 0 : index
        %parallel_loop3A_225 = tpu.vector_load %arg6[%parallel_loop3A_223, %parallel_loop3A_224] {strides = array<i32>} : memref<64x64xf32, #tpu.memory_space<vmem>>, vector<1x16xf32>,
        %parallel_loop3A_226 = vector.shape_cast %parallel_loop3A_225 : vector<1x16xf32> to vector<16xf32>
        %parallel_loop3A_227 = arith.index_cast %parallel_loop3A_222 : i32 to index
        %parallel_loop3A_228 = arith.constant 16 : index
        %parallel_loop3A_229 = tpu.vector_load %arg6[%parallel_loop3A_227, %parallel_loop3A_228] {strides = array<i32>} : memref<64x64xf32, #tpu.memory_space<vmem>>, vector<1x16xf32>,
        %parallel_loop3A_230 = vector.shape_cast %parallel_loop3A_229 : vector<1x16xf32> to vector<16xf32>
        %parallel_loop3A_231 = arith.index_cast %parallel_loop3A_222 : i32 to index
        %parallel_loop3A_232 = arith.constant 32 : index
        %parallel_loop3A_233 = tpu.vector_load %arg6[%parallel_loop3A_231, %parallel_loop3A_232] {strides = array<i32>} : memref<64x64xf32, #tpu.memory_space<vmem>>, vector<1x16xf32>,
        %parallel_loop3A_234 = vector.shape_cast %parallel_loop3A_233 : vector<1x16xf32> to vector<16xf32>
        %parallel_loop3A_235 = arith.index_cast %parallel_loop3A_222 : i32 to index
        %parallel_loop3A_236 = arith.constant 48 : index
        %parallel_loop3A_237 = tpu.vector_load %arg6[%parallel_loop3A_235, %parallel_loop3A_236] {strides = array<i32>} : memref<64x64xf32, #tpu.memory_space<vmem>>, vector<1x16xf32>,
        %parallel_loop3A_238 = vector.shape_cast %parallel_loop3A_237 : vector<1x16xf32> to vector<16xf32>
        %parallel_loop3A_239 = arith.constant 0 : i32
        %parallel_loop3A_240 = arith.addi %parallel_loop3A_91, %parallel_loop3A_239 : i32
        %parallel_loop3A_241 = arith.index_cast %parallel_loop3A_240 : i32 to index
        %parallel_loop3A_242 = arith.constant 0 : index
        %parallel_loop3A_243 = tpu.vector_load %arg9[%parallel_loop3A_241, %parallel_loop3A_242] {strides = array<i32>} : memref<400x64xf32, #tpu.memory_space<vmem>>, vector<1x16xf32>,
        %parallel_loop3A_244 = vector.shape_cast %parallel_loop3A_243 : vector<1x16xf32> to vector<16xf32>
        %parallel_loop3A_245 = vector.shape_cast %parallel_loop3A_100 : vector<16xf32> to vector<1x16xf32>
        tpu.vector_store %arg9[%parallel_loop3A_241, %parallel_loop3A_242], %parallel_loop3A_245 {add = true, strides = array<i32>} : memref<400x64xf32, #tpu.memory_space<vmem>>, vector<1x16xf32>,
        %parallel_loop3A_246 = arith.constant 0 : i32
        %parallel_loop3A_247 = arith.addi %parallel_loop3A_91, %parallel_loop3A_246 : i32
        %parallel_loop3A_248 = arith.index_cast %parallel_loop3A_247 : i32 to index
        %parallel_loop3A_249 = arith.constant 16 : index
        %parallel_loop3A_250 = tpu.vector_load %arg9[%parallel_loop3A_248, %parallel_loop3A_249] {strides = array<i32>} : memref<400x64xf32, #tpu.memory_space<vmem>>, vector<1x16xf32>,
        %parallel_loop3A_251 = vector.shape_cast %parallel_loop3A_250 : vector<1x16xf32> to vector<16xf32>
        %parallel_loop3A_252 = vector.shape_cast %parallel_loop3A_104 : vector<16xf32> to vector<1x16xf32>
        tpu.vector_store %arg9[%parallel_loop3A_248, %parallel_loop3A_249], %parallel_loop3A_252 {add = true, strides = array<i32>} : memref<400x64xf32, #tpu.memory_space<vmem>>, vector<1x16xf32>,
        %parallel_loop3A_253 = arith.constant 0 : i32
        %parallel_loop3A_254 = arith.addi %parallel_loop3A_91, %parallel_loop3A_253 : i32
        %parallel_loop3A_255 = arith.index_cast %parallel_loop3A_254 : i32 to index
        %parallel_loop3A_256 = arith.constant 32 : index
        %parallel_loop3A_257 = tpu.vector_load %arg9[%parallel_loop3A_255, %parallel_loop3A_256] {strides = array<i32>} : memref<400x64xf32, #tpu.memory_space<vmem>>, vector<1x16xf32>,
        %parallel_loop3A_258 = vector.shape_cast %parallel_loop3A_257 : vector<1x16xf32> to vector<16xf32>
        %parallel_loop3A_259 = vector.shape_cast %parallel_loop3A_108 : vector<16xf32> to vector<1x16xf32>
        tpu.vector_store %arg9[%parallel_loop3A_255, %parallel_loop3A_256], %parallel_loop3A_259 {add = true, strides = array<i32>} : memref<400x64xf32, #tpu.memory_space<vmem>>, vector<1x16xf32>,
        %parallel_loop3A_260 = arith.constant 0 : i32
        %parallel_loop3A_261 = arith.addi %parallel_loop3A_91, %parallel_loop3A_260 : i32
        %parallel_loop3A_262 = arith.index_cast %parallel_loop3A_261 : i32 to index
        %parallel_loop3A_263 = arith.constant 48 : index
        %parallel_loop3A_264 = tpu.vector_load %arg9[%parallel_loop3A_262, %parallel_loop3A_263] {strides = array<i32>} : memref<400x64xf32, #tpu.memory_space<vmem>>, vector<1x16xf32>,
        %parallel_loop3A_265 = vector.shape_cast %parallel_loop3A_264 : vector<1x16xf32> to vector<16xf32>
        %parallel_loop3A_266 = vector.shape_cast %parallel_loop3A_112 : vector<16xf32> to vector<1x16xf32>
        tpu.vector_store %arg9[%parallel_loop3A_262, %parallel_loop3A_263], %parallel_loop3A_266 {add = true, strides = array<i32>} : memref<400x64xf32, #tpu.memory_space<vmem>>, vector<1x16xf32>,
        %parallel_loop3A_267 = arith.constant 1 : i32
        %parallel_loop3A_268 = arith.addi %parallel_loop3A_91, %parallel_loop3A_267 : i32
        %parallel_loop3A_269 = arith.index_cast %parallel_loop3A_268 : i32 to index
        %parallel_loop3A_270 = arith.constant 0 : index
        %parallel_loop3A_271 = tpu.vector_load %arg9[%parallel_loop3A_269, %parallel_loop3A_270] {strides = array<i32>} : memref<400x64xf32, #tpu.memory_space<vmem>>, vector<1x16xf32>,
        %parallel_loop3A_272 = vector.shape_cast %parallel_loop3A_271 : vector<1x16xf32> to vector<16xf32>
        %parallel_loop3A_273 = vector.shape_cast %parallel_loop3A_118 : vector<16xf32> to vector<1x16xf32>
        tpu.vector_store %arg9[%parallel_loop3A_269, %parallel_loop3A_270], %parallel_loop3A_273 {add = true, strides = array<i32>} : memref<400x64xf32, #tpu.memory_space<vmem>>, vector<1x16xf32>,
        %parallel_loop3A_274 = arith.constant 1 : i32
        %parallel_loop3A_275 = arith.addi %parallel_loop3A_91, %parallel_loop3A_274 : i32
        %parallel_loop3A_276 = arith.index_cast %parallel_loop3A_275 : i32 to index
        %parallel_loop3A_277 = arith.constant 16 : index
        %parallel_loop3A_278 = tpu.vector_load %arg9[%parallel_loop3A_276, %parallel_loop3A_277] {strides = array<i32>} : memref<400x64xf32, #tpu.memory_space<vmem>>, vector<1x16xf32>,
        %parallel_loop3A_279 = vector.shape_cast %parallel_loop3A_278 : vector<1x16xf32> to vector<16xf32>
        %parallel_loop3A_280 = vector.shape_cast %parallel_loop3A_122 : vector<16xf32> to vector<1x16xf32>
        tpu.vector_store %arg9[%parallel_loop3A_276, %parallel_loop3A_277], %parallel_loop3A_280 {add = true, strides = array<i32>} : memref<400x64xf32, #tpu.memory_space<vmem>>, vector<1x16xf32>,
        %parallel_loop3A_281 = arith.constant 1 : i32
        %parallel_loop3A_282 = arith.addi %parallel_loop3A_91, %parallel_loop3A_281 : i32
        %parallel_loop3A_283 = arith.index_cast %parallel_loop3A_282 : i32 to index
        %parallel_loop3A_284 = arith.constant 32 : index
        %parallel_loop3A_285 = tpu.vector_load %arg9[%parallel_loop3A_283, %parallel_loop3A_284] {strides = array<i32>} : memref<400x64xf32, #tpu.memory_space<vmem>>, vector<1x16xf32>,
        %parallel_loop3A_286 = vector.shape_cast %parallel_loop3A_285 : vector<1x16xf32> to vector<16xf32>
        %parallel_loop3A_287 = vector.shape_cast %parallel_loop3A_126 : vector<16xf32> to vector<1x16xf32>
        tpu.vector_store %arg9[%parallel_loop3A_283, %parallel_loop3A_284], %parallel_loop3A_287 {add = true, strides = array<i32>} : memref<400x64xf32, #tpu.memory_space<vmem>>, vector<1x16xf32>,
        %parallel_loop3A_288 = arith.constant 1 : i32
        %parallel_loop3A_289 = arith.addi %parallel_loop3A_91, %parallel_loop3A_288 : i32
        %parallel_loop3A_290 = arith.index_cast %parallel_loop3A_289 : i32 to index
        %parallel_loop3A_291 = arith.constant 48 : index
        %parallel_loop3A_292 = tpu.vector_load %arg9[%parallel_loop3A_290, %parallel_loop3A_291] {strides = array<i32>} : memref<400x64xf32, #tpu.memory_space<vmem>>, vector<1x16xf32>,
        %parallel_loop3A_293 = vector.shape_cast %parallel_loop3A_292 : vector<1x16xf32> to vector<16xf32>
        %parallel_loop3A_294 = vector.shape_cast %parallel_loop3A_130 : vector<16xf32> to vector<1x16xf32>
        tpu.vector_store %arg9[%parallel_loop3A_290, %parallel_loop3A_291], %parallel_loop3A_294 {add = true, strides = array<i32>} : memref<400x64xf32, #tpu.memory_space<vmem>>, vector<1x16xf32>,
        %parallel_loop3A_295 = arith.constant 2 : i32
        %parallel_loop3A_296 = arith.addi %parallel_loop3A_91, %parallel_loop3A_295 : i32
        %parallel_loop3A_297 = arith.index_cast %parallel_loop3A_296 : i32 to index
        %parallel_loop3A_298 = arith.constant 0 : index
        %parallel_loop3A_299 = tpu.vector_load %arg9[%parallel_loop3A_297, %parallel_loop3A_298] {strides = array<i32>} : memref<400x64xf32, #tpu.memory_space<vmem>>, vector<1x16xf32>,
        %parallel_loop3A_300 = vector.shape_cast %parallel_loop3A_299 : vector<1x16xf32> to vector<16xf32>
        %parallel_loop3A_301 = vector.shape_cast %parallel_loop3A_136 : vector<16xf32> to vector<1x16xf32>
        tpu.vector_store %arg9[%parallel_loop3A_297, %parallel_loop3A_298], %parallel_loop3A_301 {add = true, strides = array<i32>} : memref<400x64xf32, #tpu.memory_space<vmem>>, vector<1x16xf32>,
        %parallel_loop3A_302 = arith.constant 2 : i32
        %parallel_loop3A_303 = arith.addi %parallel_loop3A_91, %parallel_loop3A_302 : i32
        %parallel_loop3A_304 = arith.index_cast %parallel_loop3A_303 : i32 to index
        %parallel_loop3A_305 = arith.constant 16 : index
        %parallel_loop3A_306 = tpu.vector_load %arg9[%parallel_loop3A_304, %parallel_loop3A_305] {strides = array<i32>} : memref<400x64xf32, #tpu.memory_space<vmem>>, vector<1x16xf32>,
        %parallel_loop3A_307 = vector.shape_cast %parallel_loop3A_306 : vector<1x16xf32> to vector<16xf32>
        %parallel_loop3A_308 = vector.shape_cast %parallel_loop3A_140 : vector<16xf32> to vector<1x16xf32>
        tpu.vector_store %arg9[%parallel_loop3A_304, %parallel_loop3A_305], %parallel_loop3A_308 {add = true, strides = array<i32>} : memref<400x64xf32, #tpu.memory_space<vmem>>, vector<1x16xf32>,
        %parallel_loop3A_309 = arith.constant 2 : i32
        %parallel_loop3A_310 = arith.addi %parallel_loop3A_91, %parallel_loop3A_309 : i32
        %parallel_loop3A_311 = arith.index_cast %parallel_loop3A_310 : i32 to index
        %parallel_loop3A_312 = arith.constant 32 : index
        %parallel_loop3A_313 = tpu.vector_load %arg9[%parallel_loop3A_311, %parallel_loop3A_312] {strides = array<i32>} : memref<400x64xf32, #tpu.memory_space<vmem>>, vector<1x16xf32>,
        %parallel_loop3A_314 = vector.shape_cast %parallel_loop3A_313 : vector<1x16xf32> to vector<16xf32>
        %parallel_loop3A_315 = vector.shape_cast %parallel_loop3A_144 : vector<16xf32> to vector<1x16xf32>
        tpu.vector_store %arg9[%parallel_loop3A_311, %parallel_loop3A_312], %parallel_loop3A_315 {add = true, strides = array<i32>} : memref<400x64xf32, #tpu.memory_space<vmem>>, vector<1x16xf32>,
        %parallel_loop3A_316 = arith.constant 2 : i32
        %parallel_loop3A_317 = arith.addi %parallel_loop3A_91, %parallel_loop3A_316 : i32
        %parallel_loop3A_318 = arith.index_cast %parallel_loop3A_317 : i32 to index
        %parallel_loop3A_319 = arith.constant 48 : index
        %parallel_loop3A_320 = tpu.vector_load %arg9[%parallel_loop3A_318, %parallel_loop3A_319] {strides = array<i32>} : memref<400x64xf32, #tpu.memory_space<vmem>>, vector<1x16xf32>,
        %parallel_loop3A_321 = vector.shape_cast %parallel_loop3A_320 : vector<1x16xf32> to vector<16xf32>
        %parallel_loop3A_322 = vector.shape_cast %parallel_loop3A_148 : vector<16xf32> to vector<1x16xf32>
        tpu.vector_store %arg9[%parallel_loop3A_318, %parallel_loop3A_319], %parallel_loop3A_322 {add = true, strides = array<i32>} : memref<400x64xf32, #tpu.memory_space<vmem>>, vector<1x16xf32>,
        %parallel_loop3A_323 = arith.constant 3 : i32
        %parallel_loop3A_324 = arith.addi %parallel_loop3A_91, %parallel_loop3A_323 : i32
        %parallel_loop3A_325 = arith.index_cast %parallel_loop3A_324 : i32 to index
        %parallel_loop3A_326 = arith.constant 0 : index
        %parallel_loop3A_327 = tpu.vector_load %arg9[%parallel_loop3A_325, %parallel_loop3A_326] {strides = array<i32>} : memref<400x64xf32, #tpu.memory_space<vmem>>, vector<1x16xf32>,
        %parallel_loop3A_328 = vector.shape_cast %parallel_loop3A_327 : vector<1x16xf32> to vector<16xf32>
        %parallel_loop3A_329 = vector.shape_cast %parallel_loop3A_154 : vector<16xf32> to vector<1x16xf32>
        tpu.vector_store %arg9[%parallel_loop3A_325, %parallel_loop3A_326], %parallel_loop3A_329 {add = true, strides = array<i32>} : memref<400x64xf32, #tpu.memory_space<vmem>>, vector<1x16xf32>,
        %parallel_loop3A_330 = arith.constant 3 : i32
        %parallel_loop3A_331 = arith.addi %parallel_loop3A_91, %parallel_loop3A_330 : i32
        %parallel_loop3A_332 = arith.index_cast %parallel_loop3A_331 : i32 to index
        %parallel_loop3A_333 = arith.constant 16 : index
        %parallel_loop3A_334 = tpu.vector_load %arg9[%parallel_loop3A_332, %parallel_loop3A_333] {strides = array<i32>} : memref<400x64xf32, #tpu.memory_space<vmem>>, vector<1x16xf32>,
        %parallel_loop3A_335 = vector.shape_cast %parallel_loop3A_334 : vector<1x16xf32> to vector<16xf32>
        %parallel_loop3A_336 = vector.shape_cast %parallel_loop3A_158 : vector<16xf32> to vector<1x16xf32>
        tpu.vector_store %arg9[%parallel_loop3A_332, %parallel_loop3A_333], %parallel_loop3A_336 {add = true, strides = array<i32>} : memref<400x64xf32, #tpu.memory_space<vmem>>, vector<1x16xf32>,
        %parallel_loop3A_337 = arith.constant 3 : i32
        %parallel_loop3A_338 = arith.addi %parallel_loop3A_91, %parallel_loop3A_337 : i32
        %parallel_loop3A_339 = arith.index_cast %parallel_loop3A_338 : i32 to index
        %parallel_loop3A_340 = arith.constant 32 : index
        %parallel_loop3A_341 = tpu.vector_load %arg9[%parallel_loop3A_339, %parallel_loop3A_340] {strides = array<i32>} : memref<400x64xf32, #tpu.memory_space<vmem>>, vector<1x16xf32>,
        %parallel_loop3A_342 = vector.shape_cast %parallel_loop3A_341 : vector<1x16xf32> to vector<16xf32>
        %parallel_loop3A_343 = vector.shape_cast %parallel_loop3A_162 : vector<16xf32> to vector<1x16xf32>
        tpu.vector_store %arg9[%parallel_loop3A_339, %parallel_loop3A_340], %parallel_loop3A_343 {add = true, strides = array<i32>} : memref<400x64xf32, #tpu.memory_space<vmem>>, vector<1x16xf32>,
        %parallel_loop3A_344 = arith.constant 3 : i32
        %parallel_loop3A_345 = arith.addi %parallel_loop3A_91, %parallel_loop3A_344 : i32
        %parallel_loop3A_346 = arith.index_cast %parallel_loop3A_345 : i32 to index
        %parallel_loop3A_347 = arith.constant 48 : index
        %parallel_loop3A_348 = tpu.vector_load %arg9[%parallel_loop3A_346, %parallel_loop3A_347] {strides = array<i32>} : memref<400x64xf32, #tpu.memory_space<vmem>>, vector<1x16xf32>,
        %parallel_loop3A_349 = vector.shape_cast %parallel_loop3A_348 : vector<1x16xf32> to vector<16xf32>
        %parallel_loop3A_350 = vector.shape_cast %parallel_loop3A_166 : vector<16xf32> to vector<1x16xf32>
        tpu.vector_store %arg9[%parallel_loop3A_346, %parallel_loop3A_347], %parallel_loop3A_350 {add = true, strides = array<i32>} : memref<400x64xf32, #tpu.memory_space<vmem>>, vector<1x16xf32>,
        %parallel_loop3A_351 = arith.constant 4 : i32
        %parallel_loop3A_352 = arith.addi %parallel_loop3A_91, %parallel_loop3A_351 : i32
        %parallel_loop3A_353 = arith.index_cast %parallel_loop3A_352 : i32 to index
        %parallel_loop3A_354 = arith.constant 0 : index
        %parallel_loop3A_355 = tpu.vector_load %arg9[%parallel_loop3A_353, %parallel_loop3A_354] {strides = array<i32>} : memref<400x64xf32, #tpu.memory_space<vmem>>, vector<1x16xf32>,
        %parallel_loop3A_356 = vector.shape_cast %parallel_loop3A_355 : vector<1x16xf32> to vector<16xf32>
        %parallel_loop3A_357 = vector.shape_cast %parallel_loop3A_172 : vector<16xf32> to vector<1x16xf32>
        tpu.vector_store %arg9[%parallel_loop3A_353, %parallel_loop3A_354], %parallel_loop3A_357 {add = true, strides = array<i32>} : memref<400x64xf32, #tpu.memory_space<vmem>>, vector<1x16xf32>,
        %parallel_loop3A_358 = arith.constant 4 : i32
        %parallel_loop3A_359 = arith.addi %parallel_loop3A_91, %parallel_loop3A_358 : i32
        %parallel_loop3A_360 = arith.index_cast %parallel_loop3A_359 : i32 to index
        %parallel_loop3A_361 = arith.constant 16 : index
        %parallel_loop3A_362 = tpu.vector_load %arg9[%parallel_loop3A_360, %parallel_loop3A_361] {strides = array<i32>} : memref<400x64xf32, #tpu.memory_space<vmem>>, vector<1x16xf32>,
        %parallel_loop3A_363 = vector.shape_cast %parallel_loop3A_362 : vector<1x16xf32> to vector<16xf32>
        %parallel_loop3A_364 = vector.shape_cast %parallel_loop3A_176 : vector<16xf32> to vector<1x16xf32>
        tpu.vector_store %arg9[%parallel_loop3A_360, %parallel_loop3A_361], %parallel_loop3A_364 {add = true, strides = array<i32>} : memref<400x64xf32, #tpu.memory_space<vmem>>, vector<1x16xf32>,
        %parallel_loop3A_365 = arith.constant 4 : i32
        %parallel_loop3A_366 = arith.addi %parallel_loop3A_91, %parallel_loop3A_365 : i32
        %parallel_loop3A_367 = arith.index_cast %parallel_loop3A_366 : i32 to index
        %parallel_loop3A_368 = arith.constant 32 : index
        %parallel_loop3A_369 = tpu.vector_load %arg9[%parallel_loop3A_367, %parallel_loop3A_368] {strides = array<i32>} : memref<400x64xf32, #tpu.memory_space<vmem>>, vector<1x16xf32>,
        %parallel_loop3A_370 = vector.shape_cast %parallel_loop3A_369 : vector<1x16xf32> to vector<16xf32>
        %parallel_loop3A_371 = vector.shape_cast %parallel_loop3A_180 : vector<16xf32> to vector<1x16xf32>
        tpu.vector_store %arg9[%parallel_loop3A_367, %parallel_loop3A_368], %parallel_loop3A_371 {add = true, strides = array<i32>} : memref<400x64xf32, #tpu.memory_space<vmem>>, vector<1x16xf32>,
        %parallel_loop3A_372 = arith.constant 4 : i32
        %parallel_loop3A_373 = arith.addi %parallel_loop3A_91, %parallel_loop3A_372 : i32
        %parallel_loop3A_374 = arith.index_cast %parallel_loop3A_373 : i32 to index
        %parallel_loop3A_375 = arith.constant 48 : index
        %parallel_loop3A_376 = tpu.vector_load %arg9[%parallel_loop3A_374, %parallel_loop3A_375] {strides = array<i32>} : memref<400x64xf32, #tpu.memory_space<vmem>>, vector<1x16xf32>,
        %parallel_loop3A_377 = vector.shape_cast %parallel_loop3A_376 : vector<1x16xf32> to vector<16xf32>
        %parallel_loop3A_378 = vector.shape_cast %parallel_loop3A_184 : vector<16xf32> to vector<1x16xf32>
        tpu.vector_store %arg9[%parallel_loop3A_374, %parallel_loop3A_375], %parallel_loop3A_378 {add = true, strides = array<i32>} : memref<400x64xf32, #tpu.memory_space<vmem>>, vector<1x16xf32>,
        %parallel_loop3A_379 = arith.constant 5 : i32
        %parallel_loop3A_380 = arith.addi %parallel_loop3A_91, %parallel_loop3A_379 : i32
        %parallel_loop3A_381 = arith.index_cast %parallel_loop3A_380 : i32 to index
        %parallel_loop3A_382 = arith.constant 0 : index
        %parallel_loop3A_383 = tpu.vector_load %arg9[%parallel_loop3A_381, %parallel_loop3A_382] {strides = array<i32>} : memref<400x64xf32, #tpu.memory_space<vmem>>, vector<1x16xf32>,
        %parallel_loop3A_384 = vector.shape_cast %parallel_loop3A_383 : vector<1x16xf32> to vector<16xf32>
        %parallel_loop3A_385 = vector.shape_cast %parallel_loop3A_190 : vector<16xf32> to vector<1x16xf32>
        tpu.vector_store %arg9[%parallel_loop3A_381, %parallel_loop3A_382], %parallel_loop3A_385 {add = true, strides = array<i32>} : memref<400x64xf32, #tpu.memory_space<vmem>>, vector<1x16xf32>,
        %parallel_loop3A_386 = arith.constant 5 : i32
        %parallel_loop3A_387 = arith.addi %parallel_loop3A_91, %parallel_loop3A_386 : i32
        %parallel_loop3A_388 = arith.index_cast %parallel_loop3A_387 : i32 to index
        %parallel_loop3A_389 = arith.constant 16 : index
        %parallel_loop3A_390 = tpu.vector_load %arg9[%parallel_loop3A_388, %parallel_loop3A_389] {strides = array<i32>} : memref<400x64xf32, #tpu.memory_space<vmem>>, vector<1x16xf32>,
        %parallel_loop3A_391 = vector.shape_cast %parallel_loop3A_390 : vector<1x16xf32> to vector<16xf32>
        %parallel_loop3A_392 = vector.shape_cast %parallel_loop3A_194 : vector<16xf32> to vector<1x16xf32>
        tpu.vector_store %arg9[%parallel_loop3A_388, %parallel_loop3A_389], %parallel_loop3A_392 {add = true, strides = array<i32>} : memref<400x64xf32, #tpu.memory_space<vmem>>, vector<1x16xf32>,
        %parallel_loop3A_393 = arith.constant 5 : i32
        %parallel_loop3A_394 = arith.addi %parallel_loop3A_91, %parallel_loop3A_393 : i32
        %parallel_loop3A_395 = arith.index_cast %parallel_loop3A_394 : i32 to index
        %parallel_loop3A_396 = arith.constant 32 : index
        %parallel_loop3A_397 = tpu.vector_load %arg9[%parallel_loop3A_395, %parallel_loop3A_396] {strides = array<i32>} : memref<400x64xf32, #tpu.memory_space<vmem>>, vector<1x16xf32>,
        %parallel_loop3A_398 = vector.shape_cast %parallel_loop3A_397 : vector<1x16xf32> to vector<16xf32>
        %parallel_loop3A_399 = vector.shape_cast %parallel_loop3A_198 : vector<16xf32> to vector<1x16xf32>
        tpu.vector_store %arg9[%parallel_loop3A_395, %parallel_loop3A_396], %parallel_loop3A_399 {add = true, strides = array<i32>} : memref<400x64xf32, #tpu.memory_space<vmem>>, vector<1x16xf32>,
        %parallel_loop3A_400 = arith.constant 5 : i32
        %parallel_loop3A_401 = arith.addi %parallel_loop3A_91, %parallel_loop3A_400 : i32
        %parallel_loop3A_402 = arith.index_cast %parallel_loop3A_401 : i32 to index
        %parallel_loop3A_403 = arith.constant 48 : index
        %parallel_loop3A_404 = tpu.vector_load %arg9[%parallel_loop3A_402, %parallel_loop3A_403] {strides = array<i32>} : memref<400x64xf32, #tpu.memory_space<vmem>>, vector<1x16xf32>,
        %parallel_loop3A_405 = vector.shape_cast %parallel_loop3A_404 : vector<1x16xf32> to vector<16xf32>
        %parallel_loop3A_406 = vector.shape_cast %parallel_loop3A_202 : vector<16xf32> to vector<1x16xf32>
        tpu.vector_store %arg9[%parallel_loop3A_402, %parallel_loop3A_403], %parallel_loop3A_406 {add = true, strides = array<i32>} : memref<400x64xf32, #tpu.memory_space<vmem>>, vector<1x16xf32>,
        %parallel_loop3A_407 = arith.constant 6 : i32
        %parallel_loop3A_408 = arith.addi %parallel_loop3A_91, %parallel_loop3A_407 : i32
        %parallel_loop3A_409 = arith.index_cast %parallel_loop3A_408 : i32 to index
        %parallel_loop3A_410 = arith.constant 0 : index
        %parallel_loop3A_411 = tpu.vector_load %arg9[%parallel_loop3A_409, %parallel_loop3A_410] {strides = array<i32>} : memref<400x64xf32, #tpu.memory_space<vmem>>, vector<1x16xf32>,
        %parallel_loop3A_412 = vector.shape_cast %parallel_loop3A_411 : vector<1x16xf32> to vector<16xf32>
        %parallel_loop3A_413 = vector.shape_cast %parallel_loop3A_208 : vector<16xf32> to vector<1x16xf32>
        tpu.vector_store %arg9[%parallel_loop3A_409, %parallel_loop3A_410], %parallel_loop3A_413 {add = true, strides = array<i32>} : memref<400x64xf32, #tpu.memory_space<vmem>>, vector<1x16xf32>,
        %parallel_loop3A_414 = arith.constant 6 : i32
        %parallel_loop3A_415 = arith.addi %parallel_loop3A_91, %parallel_loop3A_414 : i32
        %parallel_loop3A_416 = arith.index_cast %parallel_loop3A_415 : i32 to index
        %parallel_loop3A_417 = arith.constant 16 : index
        %parallel_loop3A_418 = tpu.vector_load %arg9[%parallel_loop3A_416, %parallel_loop3A_417] {strides = array<i32>} : memref<400x64xf32, #tpu.memory_space<vmem>>, vector<1x16xf32>,
        %parallel_loop3A_419 = vector.shape_cast %parallel_loop3A_418 : vector<1x16xf32> to vector<16xf32>
        %parallel_loop3A_420 = vector.shape_cast %parallel_loop3A_212 : vector<16xf32> to vector<1x16xf32>
        tpu.vector_store %arg9[%parallel_loop3A_416, %parallel_loop3A_417], %parallel_loop3A_420 {add = true, strides = array<i32>} : memref<400x64xf32, #tpu.memory_space<vmem>>, vector<1x16xf32>,
        %parallel_loop3A_421 = arith.constant 6 : i32
        %parallel_loop3A_422 = arith.addi %parallel_loop3A_91, %parallel_loop3A_421 : i32
        %parallel_loop3A_423 = arith.index_cast %parallel_loop3A_422 : i32 to index
        %parallel_loop3A_424 = arith.constant 32 : index
        %parallel_loop3A_425 = tpu.vector_load %arg9[%parallel_loop3A_423, %parallel_loop3A_424] {strides = array<i32>} : memref<400x64xf32, #tpu.memory_space<vmem>>, vector<1x16xf32>,
        %parallel_loop3A_426 = vector.shape_cast %parallel_loop3A_425 : vector<1x16xf32> to vector<16xf32>
        %parallel_loop3A_427 = vector.shape_cast %parallel_loop3A_216 : vector<16xf32> to vector<1x16xf32>
        tpu.vector_store %arg9[%parallel_loop3A_423, %parallel_loop3A_424], %parallel_loop3A_427 {add = true, strides = array<i32>} : memref<400x64xf32, #tpu.memory_space<vmem>>, vector<1x16xf32>,
        %parallel_loop3A_428 = arith.constant 6 : i32
        %parallel_loop3A_429 = arith.addi %parallel_loop3A_91, %parallel_loop3A_428 : i32
        %parallel_loop3A_430 = arith.index_cast %parallel_loop3A_429 : i32 to index
        %parallel_loop3A_431 = arith.constant 48 : index
        %parallel_loop3A_432 = tpu.vector_load %arg9[%parallel_loop3A_430, %parallel_loop3A_431] {strides = array<i32>} : memref<400x64xf32, #tpu.memory_space<vmem>>, vector<1x16xf32>,
        %parallel_loop3A_433 = vector.shape_cast %parallel_loop3A_432 : vector<1x16xf32> to vector<16xf32>
        %parallel_loop3A_434 = vector.shape_cast %parallel_loop3A_220 : vector<16xf32> to vector<1x16xf32>
        tpu.vector_store %arg9[%parallel_loop3A_430, %parallel_loop3A_431], %parallel_loop3A_434 {add = true, strides = array<i32>} : memref<400x64xf32, #tpu.memory_space<vmem>>, vector<1x16xf32>,
        %parallel_loop3A_435 = arith.constant 7 : i32
        %parallel_loop3A_436 = arith.addi %parallel_loop3A_91, %parallel_loop3A_435 : i32
        %parallel_loop3A_437 = arith.index_cast %parallel_loop3A_436 : i32 to index
        %parallel_loop3A_438 = arith.constant 0 : index
        %parallel_loop3A_439 = tpu.vector_load %arg9[%parallel_loop3A_437, %parallel_loop3A_438] {strides = array<i32>} : memref<400x64xf32, #tpu.memory_space<vmem>>, vector<1x16xf32>,
        %parallel_loop3A_440 = vector.shape_cast %parallel_loop3A_439 : vector<1x16xf32> to vector<16xf32>
        %parallel_loop3A_441 = vector.shape_cast %parallel_loop3A_226 : vector<16xf32> to vector<1x16xf32>
        tpu.vector_store %arg9[%parallel_loop3A_437, %parallel_loop3A_438], %parallel_loop3A_441 {add = true, strides = array<i32>} : memref<400x64xf32, #tpu.memory_space<vmem>>, vector<1x16xf32>,
        %parallel_loop3A_442 = arith.constant 7 : i32
        %parallel_loop3A_443 = arith.addi %parallel_loop3A_91, %parallel_loop3A_442 : i32
        %parallel_loop3A_444 = arith.index_cast %parallel_loop3A_443 : i32 to index
        %parallel_loop3A_445 = arith.constant 16 : index
        %parallel_loop3A_446 = tpu.vector_load %arg9[%parallel_loop3A_444, %parallel_loop3A_445] {strides = array<i32>} : memref<400x64xf32, #tpu.memory_space<vmem>>, vector<1x16xf32>,
        %parallel_loop3A_447 = vector.shape_cast %parallel_loop3A_446 : vector<1x16xf32> to vector<16xf32>
        %parallel_loop3A_448 = vector.shape_cast %parallel_loop3A_230 : vector<16xf32> to vector<1x16xf32>
        tpu.vector_store %arg9[%parallel_loop3A_444, %parallel_loop3A_445], %parallel_loop3A_448 {add = true, strides = array<i32>} : memref<400x64xf32, #tpu.memory_space<vmem>>, vector<1x16xf32>,
        %parallel_loop3A_449 = arith.constant 7 : i32
        %parallel_loop3A_450 = arith.addi %parallel_loop3A_91, %parallel_loop3A_449 : i32
        %parallel_loop3A_451 = arith.index_cast %parallel_loop3A_450 : i32 to index
        %parallel_loop3A_452 = arith.constant 32 : index
        %parallel_loop3A_453 = tpu.vector_load %arg9[%parallel_loop3A_451, %parallel_loop3A_452] {strides = array<i32>} : memref<400x64xf32, #tpu.memory_space<vmem>>, vector<1x16xf32>,
        %parallel_loop3A_454 = vector.shape_cast %parallel_loop3A_453 : vector<1x16xf32> to vector<16xf32>
        %parallel_loop3A_455 = vector.shape_cast %parallel_loop3A_234 : vector<16xf32> to vector<1x16xf32>
        tpu.vector_store %arg9[%parallel_loop3A_451, %parallel_loop3A_452], %parallel_loop3A_455 {add = true, strides = array<i32>} : memref<400x64xf32, #tpu.memory_space<vmem>>, vector<1x16xf32>,
        %parallel_loop3A_456 = arith.constant 7 : i32
        %parallel_loop3A_457 = arith.addi %parallel_loop3A_91, %parallel_loop3A_456 : i32
        %parallel_loop3A_458 = arith.index_cast %parallel_loop3A_457 : i32 to index
        %parallel_loop3A_459 = arith.constant 48 : index
        %parallel_loop3A_460 = tpu.vector_load %arg9[%parallel_loop3A_458, %parallel_loop3A_459] {strides = array<i32>} : memref<400x64xf32, #tpu.memory_space<vmem>>, vector<1x16xf32>,
        %parallel_loop3A_461 = vector.shape_cast %parallel_loop3A_460 : vector<1x16xf32> to vector<16xf32>
        %parallel_loop3A_462 = vector.shape_cast %parallel_loop3A_238 : vector<16xf32> to vector<1x16xf32>
        tpu.vector_store %arg9[%parallel_loop3A_458, %parallel_loop3A_459], %parallel_loop3A_462 {add = true, strides = array<i32>} : memref<400x64xf32, #tpu.memory_space<vmem>>, vector<1x16xf32>,
        %parallel_loop3A_463 = vector.extract_strided_slice %parallel_loop3A_94 {offsets = [8], sizes = [1], strides = [1]} : vector<16xi32> to vector<1xi32>
        %parallel_loop3A_464 = vector.extract %parallel_loop3A_463[0] : i32 from vector<1xi32>
        %parallel_loop3A_465 = arith.index_cast %parallel_loop3A_464 : i32 to index
        %parallel_loop3A_466 = arith.constant 0 : index
        %parallel_loop3A_467 = tpu.vector_load %arg6[%parallel_loop3A_465, %parallel_loop3A_466] {strides = array<i32>} : memref<64x64xf32, #tpu.memory_space<vmem>>, vector<1x16xf32>,
        %parallel_loop3A_468 = vector.shape_cast %parallel_loop3A_467 : vector<1x16xf32> to vector<16xf32>
        %parallel_loop3A_469 = arith.index_cast %parallel_loop3A_464 : i32 to index
        %parallel_loop3A_470 = arith.constant 16 : index
        %parallel_loop3A_471 = tpu.vector_load %arg6[%parallel_loop3A_469, %parallel_loop3A_470] {strides = array<i32>} : memref<64x64xf32, #tpu.memory_space<vmem>>, vector<1x16xf32>,
        %parallel_loop3A_472 = vector.shape_cast %parallel_loop3A_471 : vector<1x16xf32> to vector<16xf32>
        %parallel_loop3A_473 = arith.index_cast %parallel_loop3A_464 : i32 to index
        %parallel_loop3A_474 = arith.constant 32 : index
        %parallel_loop3A_475 = tpu.vector_load %arg6[%parallel_loop3A_473, %parallel_loop3A_474] {strides = array<i32>} : memref<64x64xf32, #tpu.memory_space<vmem>>, vector<1x16xf32>,
        %parallel_loop3A_476 = vector.shape_cast %parallel_loop3A_475 : vector<1x16xf32> to vector<16xf32>
        %parallel_loop3A_477 = arith.index_cast %parallel_loop3A_464 : i32 to index
        %parallel_loop3A_478 = arith.constant 48 : index
        %parallel_loop3A_479 = tpu.vector_load %arg6[%parallel_loop3A_477, %parallel_loop3A_478] {strides = array<i32>} : memref<64x64xf32, #tpu.memory_space<vmem>>, vector<1x16xf32>,
        %parallel_loop3A_480 = vector.shape_cast %parallel_loop3A_479 : vector<1x16xf32> to vector<16xf32>
        %parallel_loop3A_481 = vector.extract_strided_slice %parallel_loop3A_94 {offsets = [9], sizes = [1], strides = [1]} : vector<16xi32> to vector<1xi32>
        %parallel_loop3A_482 = vector.extract %parallel_loop3A_481[0] : i32 from vector<1xi32>
        %parallel_loop3A_483 = arith.index_cast %parallel_loop3A_482 : i32 to index
        %parallel_loop3A_484 = arith.constant 0 : index
        %parallel_loop3A_485 = tpu.vector_load %arg6[%parallel_loop3A_483, %parallel_loop3A_484] {strides = array<i32>} : memref<64x64xf32, #tpu.memory_space<vmem>>, vector<1x16xf32>,
        %parallel_loop3A_486 = vector.shape_cast %parallel_loop3A_485 : vector<1x16xf32> to vector<16xf32>
        %parallel_loop3A_487 = arith.index_cast %parallel_loop3A_482 : i32 to index
        %parallel_loop3A_488 = arith.constant 16 : index
        %parallel_loop3A_489 = tpu.vector_load %arg6[%parallel_loop3A_487, %parallel_loop3A_488] {strides = array<i32>} : memref<64x64xf32, #tpu.memory_space<vmem>>, vector<1x16xf32>,
        %parallel_loop3A_490 = vector.shape_cast %parallel_loop3A_489 : vector<1x16xf32> to vector<16xf32>
        %parallel_loop3A_491 = arith.index_cast %parallel_loop3A_482 : i32 to index
        %parallel_loop3A_492 = arith.constant 32 : index
        %parallel_loop3A_493 = tpu.vector_load %arg6[%parallel_loop3A_491, %parallel_loop3A_492] {strides = array<i32>} : memref<64x64xf32, #tpu.memory_space<vmem>>, vector<1x16xf32>,
        %parallel_loop3A_494 = vector.shape_cast %parallel_loop3A_493 : vector<1x16xf32> to vector<16xf32>
        %parallel_loop3A_495 = arith.index_cast %parallel_loop3A_482 : i32 to index
        %parallel_loop3A_496 = arith.constant 48 : index
        %parallel_loop3A_497 = tpu.vector_load %arg6[%parallel_loop3A_495, %parallel_loop3A_496] {strides = array<i32>} : memref<64x64xf32, #tpu.memory_space<vmem>>, vector<1x16xf32>,
        %parallel_loop3A_498 = vector.shape_cast %parallel_loop3A_497 : vector<1x16xf32> to vector<16xf32>
        %parallel_loop3A_499 = vector.extract_strided_slice %parallel_loop3A_94 {offsets = [10], sizes = [1], strides = [1]} : vector<16xi32> to vector<1xi32>
        %parallel_loop3A_500 = vector.extract %parallel_loop3A_499[0] : i32 from vector<1xi32>
        %parallel_loop3A_501 = arith.index_cast %parallel_loop3A_500 : i32 to index
        %parallel_loop3A_502 = arith.constant 0 : index
        %parallel_loop3A_503 = tpu.vector_load %arg6[%parallel_loop3A_501, %parallel_loop3A_502] {strides = array<i32>} : memref<64x64xf32, #tpu.memory_space<vmem>>, vector<1x16xf32>,
        %parallel_loop3A_504 = vector.shape_cast %parallel_loop3A_503 : vector<1x16xf32> to vector<16xf32>
        %parallel_loop3A_505 = arith.index_cast %parallel_loop3A_500 : i32 to index
        %parallel_loop3A_506 = arith.constant 16 : index
        %parallel_loop3A_507 = tpu.vector_load %arg6[%parallel_loop3A_505, %parallel_loop3A_506] {strides = array<i32>} : memref<64x64xf32, #tpu.memory_space<vmem>>, vector<1x16xf32>,
        %parallel_loop3A_508 = vector.shape_cast %parallel_loop3A_507 : vector<1x16xf32> to vector<16xf32>
        %parallel_loop3A_509 = arith.index_cast %parallel_loop3A_500 : i32 to index
        %parallel_loop3A_510 = arith.constant 32 : index
        %parallel_loop3A_511 = tpu.vector_load %arg6[%parallel_loop3A_509, %parallel_loop3A_510] {strides = array<i32>} : memref<64x64xf32, #tpu.memory_space<vmem>>, vector<1x16xf32>,
        %parallel_loop3A_512 = vector.shape_cast %parallel_loop3A_511 : vector<1x16xf32> to vector<16xf32>
        %parallel_loop3A_513 = arith.index_cast %parallel_loop3A_500 : i32 to index
        %parallel_loop3A_514 = arith.constant 48 : index
        %parallel_loop3A_515 = tpu.vector_load %arg6[%parallel_loop3A_513, %parallel_loop3A_514] {strides = array<i32>} : memref<64x64xf32, #tpu.memory_space<vmem>>, vector<1x16xf32>,
        %parallel_loop3A_516 = vector.shape_cast %parallel_loop3A_515 : vector<1x16xf32> to vector<16xf32>
        %parallel_loop3A_517 = vector.extract_strided_slice %parallel_loop3A_94 {offsets = [11], sizes = [1], strides = [1]} : vector<16xi32> to vector<1xi32>
        %parallel_loop3A_518 = vector.extract %parallel_loop3A_517[0] : i32 from vector<1xi32>
        %parallel_loop3A_519 = arith.index_cast %parallel_loop3A_518 : i32 to index
        %parallel_loop3A_520 = arith.constant 0 : index
        %parallel_loop3A_521 = tpu.vector_load %arg6[%parallel_loop3A_519, %parallel_loop3A_520] {strides = array<i32>} : memref<64x64xf32, #tpu.memory_space<vmem>>, vector<1x16xf32>,
        %parallel_loop3A_522 = vector.shape_cast %parallel_loop3A_521 : vector<1x16xf32> to vector<16xf32>
        %parallel_loop3A_523 = arith.index_cast %parallel_loop3A_518 : i32 to index
        %parallel_loop3A_524 = arith.constant 16 : index
        %parallel_loop3A_525 = tpu.vector_load %arg6[%parallel_loop3A_523, %parallel_loop3A_524] {strides = array<i32>} : memref<64x64xf32, #tpu.memory_space<vmem>>, vector<1x16xf32>,
        %parallel_loop3A_526 = vector.shape_cast %parallel_loop3A_525 : vector<1x16xf32> to vector<16xf32>
        %parallel_loop3A_527 = arith.index_cast %parallel_loop3A_518 : i32 to index
        %parallel_loop3A_528 = arith.constant 32 : index
        %parallel_loop3A_529 = tpu.vector_load %arg6[%parallel_loop3A_527, %parallel_loop3A_528] {strides = array<i32>} : memref<64x64xf32, #tpu.memory_space<vmem>>, vector<1x16xf32>,
        %parallel_loop3A_530 = vector.shape_cast %parallel_loop3A_529 : vector<1x16xf32> to vector<16xf32>
        %parallel_loop3A_531 = arith.index_cast %parallel_loop3A_518 : i32 to index
        %parallel_loop3A_532 = arith.constant 48 : index
        %parallel_loop3A_533 = tpu.vector_load %arg6[%parallel_loop3A_531, %parallel_loop3A_532] {strides = array<i32>} : memref<64x64xf32, #tpu.memory_space<vmem>>, vector<1x16xf32>,
        %parallel_loop3A_534 = vector.shape_cast %parallel_loop3A_533 : vector<1x16xf32> to vector<16xf32>
        %parallel_loop3A_535 = vector.extract_strided_slice %parallel_loop3A_94 {offsets = [12], sizes = [1], strides = [1]} : vector<16xi32> to vector<1xi32>
        %parallel_loop3A_536 = vector.extract %parallel_loop3A_535[0] : i32 from vector<1xi32>
        %parallel_loop3A_537 = arith.index_cast %parallel_loop3A_536 : i32 to index
        %parallel_loop3A_538 = arith.constant 0 : index
        %parallel_loop3A_539 = tpu.vector_load %arg6[%parallel_loop3A_537, %parallel_loop3A_538] {strides = array<i32>} : memref<64x64xf32, #tpu.memory_space<vmem>>, vector<1x16xf32>,
        %parallel_loop3A_540 = vector.shape_cast %parallel_loop3A_539 : vector<1x16xf32> to vector<16xf32>
        %parallel_loop3A_541 = arith.index_cast %parallel_loop3A_536 : i32 to index
        %parallel_loop3A_542 = arith.constant 16 : index
        %parallel_loop3A_543 = tpu.vector_load %arg6[%parallel_loop3A_541, %parallel_loop3A_542] {strides = array<i32>} : memref<64x64xf32, #tpu.memory_space<vmem>>, vector<1x16xf32>,
        %parallel_loop3A_544 = vector.shape_cast %parallel_loop3A_543 : vector<1x16xf32> to vector<16xf32>
        %parallel_loop3A_545 = arith.index_cast %parallel_loop3A_536 : i32 to index
        %parallel_loop3A_546 = arith.constant 32 : index
        %parallel_loop3A_547 = tpu.vector_load %arg6[%parallel_loop3A_545, %parallel_loop3A_546] {strides = array<i32>} : memref<64x64xf32, #tpu.memory_space<vmem>>, vector<1x16xf32>,
        %parallel_loop3A_548 = vector.shape_cast %parallel_loop3A_547 : vector<1x16xf32> to vector<16xf32>
        %parallel_loop3A_549 = arith.index_cast %parallel_loop3A_536 : i32 to index
        %parallel_loop3A_550 = arith.constant 48 : index
        %parallel_loop3A_551 = tpu.vector_load %arg6[%parallel_loop3A_549, %parallel_loop3A_550] {strides = array<i32>} : memref<64x64xf32, #tpu.memory_space<vmem>>, vector<1x16xf32>,
        %parallel_loop3A_552 = vector.shape_cast %parallel_loop3A_551 : vector<1x16xf32> to vector<16xf32>
        %parallel_loop3A_553 = vector.extract_strided_slice %parallel_loop3A_94 {offsets = [13], sizes = [1], strides = [1]} : vector<16xi32> to vector<1xi32>
        %parallel_loop3A_554 = vector.extract %parallel_loop3A_553[0] : i32 from vector<1xi32>
        %parallel_loop3A_555 = arith.index_cast %parallel_loop3A_554 : i32 to index
        %parallel_loop3A_556 = arith.constant 0 : index
        %parallel_loop3A_557 = tpu.vector_load %arg6[%parallel_loop3A_555, %parallel_loop3A_556] {strides = array<i32>} : memref<64x64xf32, #tpu.memory_space<vmem>>, vector<1x16xf32>,
        %parallel_loop3A_558 = vector.shape_cast %parallel_loop3A_557 : vector<1x16xf32> to vector<16xf32>
        %parallel_loop3A_559 = arith.index_cast %parallel_loop3A_554 : i32 to index
        %parallel_loop3A_560 = arith.constant 16 : index
        %parallel_loop3A_561 = tpu.vector_load %arg6[%parallel_loop3A_559, %parallel_loop3A_560] {strides = array<i32>} : memref<64x64xf32, #tpu.memory_space<vmem>>, vector<1x16xf32>,
        %parallel_loop3A_562 = vector.shape_cast %parallel_loop3A_561 : vector<1x16xf32> to vector<16xf32>
        %parallel_loop3A_563 = arith.index_cast %parallel_loop3A_554 : i32 to index
        %parallel_loop3A_564 = arith.constant 32 : index
        %parallel_loop3A_565 = tpu.vector_load %arg6[%parallel_loop3A_563, %parallel_loop3A_564] {strides = array<i32>} : memref<64x64xf32, #tpu.memory_space<vmem>>, vector<1x16xf32>,
        %parallel_loop3A_566 = vector.shape_cast %parallel_loop3A_565 : vector<1x16xf32> to vector<16xf32>
        %parallel_loop3A_567 = arith.index_cast %parallel_loop3A_554 : i32 to index
        %parallel_loop3A_568 = arith.constant 48 : index
        %parallel_loop3A_569 = tpu.vector_load %arg6[%parallel_loop3A_567, %parallel_loop3A_568] {strides = array<i32>} : memref<64x64xf32, #tpu.memory_space<vmem>>, vector<1x16xf32>,
        %parallel_loop3A_570 = vector.shape_cast %parallel_loop3A_569 : vector<1x16xf32> to vector<16xf32>
        %parallel_loop3A_571 = vector.extract_strided_slice %parallel_loop3A_94 {offsets = [14], sizes = [1], strides = [1]} : vector<16xi32> to vector<1xi32>
        %parallel_loop3A_572 = vector.extract %parallel_loop3A_571[0] : i32 from vector<1xi32>
        %parallel_loop3A_573 = arith.index_cast %parallel_loop3A_572 : i32 to index
        %parallel_loop3A_574 = arith.constant 0 : index
        %parallel_loop3A_575 = tpu.vector_load %arg6[%parallel_loop3A_573, %parallel_loop3A_574] {strides = array<i32>} : memref<64x64xf32, #tpu.memory_space<vmem>>, vector<1x16xf32>,
        %parallel_loop3A_576 = vector.shape_cast %parallel_loop3A_575 : vector<1x16xf32> to vector<16xf32>
        %parallel_loop3A_577 = arith.index_cast %parallel_loop3A_572 : i32 to index
        %parallel_loop3A_578 = arith.constant 16 : index
        %parallel_loop3A_579 = tpu.vector_load %arg6[%parallel_loop3A_577, %parallel_loop3A_578] {strides = array<i32>} : memref<64x64xf32, #tpu.memory_space<vmem>>, vector<1x16xf32>,
        %parallel_loop3A_580 = vector.shape_cast %parallel_loop3A_579 : vector<1x16xf32> to vector<16xf32>
        %parallel_loop3A_581 = arith.index_cast %parallel_loop3A_572 : i32 to index
        %parallel_loop3A_582 = arith.constant 32 : index
        %parallel_loop3A_583 = tpu.vector_load %arg6[%parallel_loop3A_581, %parallel_loop3A_582] {strides = array<i32>} : memref<64x64xf32, #tpu.memory_space<vmem>>, vector<1x16xf32>,
        %parallel_loop3A_584 = vector.shape_cast %parallel_loop3A_583 : vector<1x16xf32> to vector<16xf32>
        %parallel_loop3A_585 = arith.index_cast %parallel_loop3A_572 : i32 to index
        %parallel_loop3A_586 = arith.constant 48 : index
        %parallel_loop3A_587 = tpu.vector_load %arg6[%parallel_loop3A_585, %parallel_loop3A_586] {strides = array<i32>} : memref<64x64xf32, #tpu.memory_space<vmem>>, vector<1x16xf32>,
        %parallel_loop3A_588 = vector.shape_cast %parallel_loop3A_587 : vector<1x16xf32> to vector<16xf32>
        %parallel_loop3A_589 = vector.extract_strided_slice %parallel_loop3A_94 {offsets = [15], sizes = [1], strides = [1]} : vector<16xi32> to vector<1xi32>
        %parallel_loop3A_590 = vector.extract %parallel_loop3A_589[0] : i32 from vector<1xi32>
        %parallel_loop3A_591 = arith.index_cast %parallel_loop3A_590 : i32 to index
        %parallel_loop3A_592 = arith.constant 0 : index
        %parallel_loop3A_593 = tpu.vector_load %arg6[%parallel_loop3A_591, %parallel_loop3A_592] {strides = array<i32>} : memref<64x64xf32, #tpu.memory_space<vmem>>, vector<1x16xf32>,
        %parallel_loop3A_594 = vector.shape_cast %parallel_loop3A_593 : vector<1x16xf32> to vector<16xf32>
        %parallel_loop3A_595 = arith.index_cast %parallel_loop3A_590 : i32 to index
        %parallel_loop3A_596 = arith.constant 16 : index
        %parallel_loop3A_597 = tpu.vector_load %arg6[%parallel_loop3A_595, %parallel_loop3A_596] {strides = array<i32>} : memref<64x64xf32, #tpu.memory_space<vmem>>, vector<1x16xf32>,
        %parallel_loop3A_598 = vector.shape_cast %parallel_loop3A_597 : vector<1x16xf32> to vector<16xf32>
        %parallel_loop3A_599 = arith.index_cast %parallel_loop3A_590 : i32 to index
        %parallel_loop3A_600 = arith.constant 32 : index
        %parallel_loop3A_601 = tpu.vector_load %arg6[%parallel_loop3A_599, %parallel_loop3A_600] {strides = array<i32>} : memref<64x64xf32, #tpu.memory_space<vmem>>, vector<1x16xf32>,
        %parallel_loop3A_602 = vector.shape_cast %parallel_loop3A_601 : vector<1x16xf32> to vector<16xf32>
        %parallel_loop3A_603 = arith.index_cast %parallel_loop3A_590 : i32 to index
        %parallel_loop3A_604 = arith.constant 48 : index
        %parallel_loop3A_605 = tpu.vector_load %arg6[%parallel_loop3A_603, %parallel_loop3A_604] {strides = array<i32>} : memref<64x64xf32, #tpu.memory_space<vmem>>, vector<1x16xf32>,
        %parallel_loop3A_606 = vector.shape_cast %parallel_loop3A_605 : vector<1x16xf32> to vector<16xf32>
        %parallel_loop3A_607 = arith.constant 8 : i32
        %parallel_loop3A_608 = arith.addi %parallel_loop3A_91, %parallel_loop3A_607 : i32
        %parallel_loop3A_609 = arith.index_cast %parallel_loop3A_608 : i32 to index
        %parallel_loop3A_610 = arith.constant 0 : index
        %parallel_loop3A_611 = tpu.vector_load %arg9[%parallel_loop3A_609, %parallel_loop3A_610] {strides = array<i32>} : memref<400x64xf32, #tpu.memory_space<vmem>>, vector<1x16xf32>,
        %parallel_loop3A_612 = vector.shape_cast %parallel_loop3A_611 : vector<1x16xf32> to vector<16xf32>
        %parallel_loop3A_613 = vector.shape_cast %parallel_loop3A_468 : vector<16xf32> to vector<1x16xf32>
        tpu.vector_store %arg9[%parallel_loop3A_609, %parallel_loop3A_610], %parallel_loop3A_613 {add = true, strides = array<i32>} : memref<400x64xf32, #tpu.memory_space<vmem>>, vector<1x16xf32>,
        %parallel_loop3A_614 = arith.constant 8 : i32
        %parallel_loop3A_615 = arith.addi %parallel_loop3A_91, %parallel_loop3A_614 : i32
        %parallel_loop3A_616 = arith.index_cast %parallel_loop3A_615 : i32 to index
        %parallel_loop3A_617 = arith.constant 16 : index
        %parallel_loop3A_618 = tpu.vector_load %arg9[%parallel_loop3A_616, %parallel_loop3A_617] {strides = array<i32>} : memref<400x64xf32, #tpu.memory_space<vmem>>, vector<1x16xf32>,
        %parallel_loop3A_619 = vector.shape_cast %parallel_loop3A_618 : vector<1x16xf32> to vector<16xf32>
        %parallel_loop3A_620 = vector.shape_cast %parallel_loop3A_472 : vector<16xf32> to vector<1x16xf32>
        tpu.vector_store %arg9[%parallel_loop3A_616, %parallel_loop3A_617], %parallel_loop3A_620 {add = true, strides = array<i32>} : memref<400x64xf32, #tpu.memory_space<vmem>>, vector<1x16xf32>,
        %parallel_loop3A_621 = arith.constant 8 : i32
        %parallel_loop3A_622 = arith.addi %parallel_loop3A_91, %parallel_loop3A_621 : i32
        %parallel_loop3A_623 = arith.index_cast %parallel_loop3A_622 : i32 to index
        %parallel_loop3A_624 = arith.constant 32 : index
        %parallel_loop3A_625 = tpu.vector_load %arg9[%parallel_loop3A_623, %parallel_loop3A_624] {strides = array<i32>} : memref<400x64xf32, #tpu.memory_space<vmem>>, vector<1x16xf32>,
        %parallel_loop3A_626 = vector.shape_cast %parallel_loop3A_625 : vector<1x16xf32> to vector<16xf32>
        %parallel_loop3A_627 = vector.shape_cast %parallel_loop3A_476 : vector<16xf32> to vector<1x16xf32>
        tpu.vector_store %arg9[%parallel_loop3A_623, %parallel_loop3A_624], %parallel_loop3A_627 {add = true, strides = array<i32>} : memref<400x64xf32, #tpu.memory_space<vmem>>, vector<1x16xf32>,
        %parallel_loop3A_628 = arith.constant 8 : i32
        %parallel_loop3A_629 = arith.addi %parallel_loop3A_91, %parallel_loop3A_628 : i32
        %parallel_loop3A_630 = arith.index_cast %parallel_loop3A_629 : i32 to index
        %parallel_loop3A_631 = arith.constant 48 : index
        %parallel_loop3A_632 = tpu.vector_load %arg9[%parallel_loop3A_630, %parallel_loop3A_631] {strides = array<i32>} : memref<400x64xf32, #tpu.memory_space<vmem>>, vector<1x16xf32>,
        %parallel_loop3A_633 = vector.shape_cast %parallel_loop3A_632 : vector<1x16xf32> to vector<16xf32>
        %parallel_loop3A_634 = vector.shape_cast %parallel_loop3A_480 : vector<16xf32> to vector<1x16xf32>
        tpu.vector_store %arg9[%parallel_loop3A_630, %parallel_loop3A_631], %parallel_loop3A_634 {add = true, strides = array<i32>} : memref<400x64xf32, #tpu.memory_space<vmem>>, vector<1x16xf32>,
        %parallel_loop3A_635 = arith.constant 9 : i32
        %parallel_loop3A_636 = arith.addi %parallel_loop3A_91, %parallel_loop3A_635 : i32
        %parallel_loop3A_637 = arith.index_cast %parallel_loop3A_636 : i32 to index
        %parallel_loop3A_638 = arith.constant 0 : index
        %parallel_loop3A_639 = tpu.vector_load %arg9[%parallel_loop3A_637, %parallel_loop3A_638] {strides = array<i32>} : memref<400x64xf32, #tpu.memory_space<vmem>>, vector<1x16xf32>,
        %parallel_loop3A_640 = vector.shape_cast %parallel_loop3A_639 : vector<1x16xf32> to vector<16xf32>
        %parallel_loop3A_641 = vector.shape_cast %parallel_loop3A_486 : vector<16xf32> to vector<1x16xf32>
        tpu.vector_store %arg9[%parallel_loop3A_637, %parallel_loop3A_638], %parallel_loop3A_641 {add = true, strides = array<i32>} : memref<400x64xf32, #tpu.memory_space<vmem>>, vector<1x16xf32>,
        %parallel_loop3A_642 = arith.constant 9 : i32
        %parallel_loop3A_643 = arith.addi %parallel_loop3A_91, %parallel_loop3A_642 : i32
        %parallel_loop3A_644 = arith.index_cast %parallel_loop3A_643 : i32 to index
        %parallel_loop3A_645 = arith.constant 16 : index
        %parallel_loop3A_646 = tpu.vector_load %arg9[%parallel_loop3A_644, %parallel_loop3A_645] {strides = array<i32>} : memref<400x64xf32, #tpu.memory_space<vmem>>, vector<1x16xf32>,
        %parallel_loop3A_647 = vector.shape_cast %parallel_loop3A_646 : vector<1x16xf32> to vector<16xf32>
        %parallel_loop3A_648 = vector.shape_cast %parallel_loop3A_490 : vector<16xf32> to vector<1x16xf32>
        tpu.vector_store %arg9[%parallel_loop3A_644, %parallel_loop3A_645], %parallel_loop3A_648 {add = true, strides = array<i32>} : memref<400x64xf32, #tpu.memory_space<vmem>>, vector<1x16xf32>,
        %parallel_loop3A_649 = arith.constant 9 : i32
        %parallel_loop3A_650 = arith.addi %parallel_loop3A_91, %parallel_loop3A_649 : i32
        %parallel_loop3A_651 = arith.index_cast %parallel_loop3A_650 : i32 to index
        %parallel_loop3A_652 = arith.constant 32 : index
        %parallel_loop3A_653 = tpu.vector_load %arg9[%parallel_loop3A_651, %parallel_loop3A_652] {strides = array<i32>} : memref<400x64xf32, #tpu.memory_space<vmem>>, vector<1x16xf32>,
        %parallel_loop3A_654 = vector.shape_cast %parallel_loop3A_653 : vector<1x16xf32> to vector<16xf32>
        %parallel_loop3A_655 = vector.shape_cast %parallel_loop3A_494 : vector<16xf32> to vector<1x16xf32>
        tpu.vector_store %arg9[%parallel_loop3A_651, %parallel_loop3A_652], %parallel_loop3A_655 {add = true, strides = array<i32>} : memref<400x64xf32, #tpu.memory_space<vmem>>, vector<1x16xf32>,
        %parallel_loop3A_656 = arith.constant 9 : i32
        %parallel_loop3A_657 = arith.addi %parallel_loop3A_91, %parallel_loop3A_656 : i32
        %parallel_loop3A_658 = arith.index_cast %parallel_loop3A_657 : i32 to index
        %parallel_loop3A_659 = arith.constant 48 : index
        %parallel_loop3A_660 = tpu.vector_load %arg9[%parallel_loop3A_658, %parallel_loop3A_659] {strides = array<i32>} : memref<400x64xf32, #tpu.memory_space<vmem>>, vector<1x16xf32>,
        %parallel_loop3A_661 = vector.shape_cast %parallel_loop3A_660 : vector<1x16xf32> to vector<16xf32>
        %parallel_loop3A_662 = vector.shape_cast %parallel_loop3A_498 : vector<16xf32> to vector<1x16xf32>
        tpu.vector_store %arg9[%parallel_loop3A_658, %parallel_loop3A_659], %parallel_loop3A_662 {add = true, strides = array<i32>} : memref<400x64xf32, #tpu.memory_space<vmem>>, vector<1x16xf32>,
        %parallel_loop3A_663 = arith.constant 10 : i32
        %parallel_loop3A_664 = arith.addi %parallel_loop3A_91, %parallel_loop3A_663 : i32
        %parallel_loop3A_665 = arith.index_cast %parallel_loop3A_664 : i32 to index
        %parallel_loop3A_666 = arith.constant 0 : index
        %parallel_loop3A_667 = tpu.vector_load %arg9[%parallel_loop3A_665, %parallel_loop3A_666] {strides = array<i32>} : memref<400x64xf32, #tpu.memory_space<vmem>>, vector<1x16xf32>,
        %parallel_loop3A_668 = vector.shape_cast %parallel_loop3A_667 : vector<1x16xf32> to vector<16xf32>
        %parallel_loop3A_669 = vector.shape_cast %parallel_loop3A_504 : vector<16xf32> to vector<1x16xf32>
        tpu.vector_store %arg9[%parallel_loop3A_665, %parallel_loop3A_666], %parallel_loop3A_669 {add = true, strides = array<i32>} : memref<400x64xf32, #tpu.memory_space<vmem>>, vector<1x16xf32>,
        %parallel_loop3A_670 = arith.constant 10 : i32
        %parallel_loop3A_671 = arith.addi %parallel_loop3A_91, %parallel_loop3A_670 : i32
        %parallel_loop3A_672 = arith.index_cast %parallel_loop3A_671 : i32 to index
        %parallel_loop3A_673 = arith.constant 16 : index
        %parallel_loop3A_674 = tpu.vector_load %arg9[%parallel_loop3A_672, %parallel_loop3A_673] {strides = array<i32>} : memref<400x64xf32, #tpu.memory_space<vmem>>, vector<1x16xf32>,
        %parallel_loop3A_675 = vector.shape_cast %parallel_loop3A_674 : vector<1x16xf32> to vector<16xf32>
        %parallel_loop3A_676 = vector.shape_cast %parallel_loop3A_508 : vector<16xf32> to vector<1x16xf32>
        tpu.vector_store %arg9[%parallel_loop3A_672, %parallel_loop3A_673], %parallel_loop3A_676 {add = true, strides = array<i32>} : memref<400x64xf32, #tpu.memory_space<vmem>>, vector<1x16xf32>,
        %parallel_loop3A_677 = arith.constant 10 : i32
        %parallel_loop3A_678 = arith.addi %parallel_loop3A_91, %parallel_loop3A_677 : i32
        %parallel_loop3A_679 = arith.index_cast %parallel_loop3A_678 : i32 to index
        %parallel_loop3A_680 = arith.constant 32 : index
        %parallel_loop3A_681 = tpu.vector_load %arg9[%parallel_loop3A_679, %parallel_loop3A_680] {strides = array<i32>} : memref<400x64xf32, #tpu.memory_space<vmem>>, vector<1x16xf32>,
        %parallel_loop3A_682 = vector.shape_cast %parallel_loop3A_681 : vector<1x16xf32> to vector<16xf32>
        %parallel_loop3A_683 = vector.shape_cast %parallel_loop3A_512 : vector<16xf32> to vector<1x16xf32>
        tpu.vector_store %arg9[%parallel_loop3A_679, %parallel_loop3A_680], %parallel_loop3A_683 {add = true, strides = array<i32>} : memref<400x64xf32, #tpu.memory_space<vmem>>, vector<1x16xf32>,
        %parallel_loop3A_684 = arith.constant 10 : i32
        %parallel_loop3A_685 = arith.addi %parallel_loop3A_91, %parallel_loop3A_684 : i32
        %parallel_loop3A_686 = arith.index_cast %parallel_loop3A_685 : i32 to index
        %parallel_loop3A_687 = arith.constant 48 : index
        %parallel_loop3A_688 = tpu.vector_load %arg9[%parallel_loop3A_686, %parallel_loop3A_687] {strides = array<i32>} : memref<400x64xf32, #tpu.memory_space<vmem>>, vector<1x16xf32>,
        %parallel_loop3A_689 = vector.shape_cast %parallel_loop3A_688 : vector<1x16xf32> to vector<16xf32>
        %parallel_loop3A_690 = vector.shape_cast %parallel_loop3A_516 : vector<16xf32> to vector<1x16xf32>
        tpu.vector_store %arg9[%parallel_loop3A_686, %parallel_loop3A_687], %parallel_loop3A_690 {add = true, strides = array<i32>} : memref<400x64xf32, #tpu.memory_space<vmem>>, vector<1x16xf32>,
        %parallel_loop3A_691 = arith.constant 11 : i32
        %parallel_loop3A_692 = arith.addi %parallel_loop3A_91, %parallel_loop3A_691 : i32
        %parallel_loop3A_693 = arith.index_cast %parallel_loop3A_692 : i32 to index
        %parallel_loop3A_694 = arith.constant 0 : index
        %parallel_loop3A_695 = tpu.vector_load %arg9[%parallel_loop3A_693, %parallel_loop3A_694] {strides = array<i32>} : memref<400x64xf32, #tpu.memory_space<vmem>>, vector<1x16xf32>,
        %parallel_loop3A_696 = vector.shape_cast %parallel_loop3A_695 : vector<1x16xf32> to vector<16xf32>
        %parallel_loop3A_697 = vector.shape_cast %parallel_loop3A_522 : vector<16xf32> to vector<1x16xf32>
        tpu.vector_store %arg9[%parallel_loop3A_693, %parallel_loop3A_694], %parallel_loop3A_697 {add = true, strides = array<i32>} : memref<400x64xf32, #tpu.memory_space<vmem>>, vector<1x16xf32>,
        %parallel_loop3A_698 = arith.constant 11 : i32
        %parallel_loop3A_699 = arith.addi %parallel_loop3A_91, %parallel_loop3A_698 : i32
        %parallel_loop3A_700 = arith.index_cast %parallel_loop3A_699 : i32 to index
        %parallel_loop3A_701 = arith.constant 16 : index
        %parallel_loop3A_702 = tpu.vector_load %arg9[%parallel_loop3A_700, %parallel_loop3A_701] {strides = array<i32>} : memref<400x64xf32, #tpu.memory_space<vmem>>, vector<1x16xf32>,
        %parallel_loop3A_703 = vector.shape_cast %parallel_loop3A_702 : vector<1x16xf32> to vector<16xf32>
        %parallel_loop3A_704 = vector.shape_cast %parallel_loop3A_526 : vector<16xf32> to vector<1x16xf32>
        tpu.vector_store %arg9[%parallel_loop3A_700, %parallel_loop3A_701], %parallel_loop3A_704 {add = true, strides = array<i32>} : memref<400x64xf32, #tpu.memory_space<vmem>>, vector<1x16xf32>,
        %parallel_loop3A_705 = arith.constant 11 : i32
        %parallel_loop3A_706 = arith.addi %parallel_loop3A_91, %parallel_loop3A_705 : i32
        %parallel_loop3A_707 = arith.index_cast %parallel_loop3A_706 : i32 to index
        %parallel_loop3A_708 = arith.constant 32 : index
        %parallel_loop3A_709 = tpu.vector_load %arg9[%parallel_loop3A_707, %parallel_loop3A_708] {strides = array<i32>} : memref<400x64xf32, #tpu.memory_space<vmem>>, vector<1x16xf32>,
        %parallel_loop3A_710 = vector.shape_cast %parallel_loop3A_709 : vector<1x16xf32> to vector<16xf32>
        %parallel_loop3A_711 = vector.shape_cast %parallel_loop3A_530 : vector<16xf32> to vector<1x16xf32>
        tpu.vector_store %arg9[%parallel_loop3A_707, %parallel_loop3A_708], %parallel_loop3A_711 {add = true, strides = array<i32>} : memref<400x64xf32, #tpu.memory_space<vmem>>, vector<1x16xf32>,
        %parallel_loop3A_712 = arith.constant 11 : i32
        %parallel_loop3A_713 = arith.addi %parallel_loop3A_91, %parallel_loop3A_712 : i32
        %parallel_loop3A_714 = arith.index_cast %parallel_loop3A_713 : i32 to index
        %parallel_loop3A_715 = arith.constant 48 : index
        %parallel_loop3A_716 = tpu.vector_load %arg9[%parallel_loop3A_714, %parallel_loop3A_715] {strides = array<i32>} : memref<400x64xf32, #tpu.memory_space<vmem>>, vector<1x16xf32>,
        %parallel_loop3A_717 = vector.shape_cast %parallel_loop3A_716 : vector<1x16xf32> to vector<16xf32>
        %parallel_loop3A_718 = vector.shape_cast %parallel_loop3A_534 : vector<16xf32> to vector<1x16xf32>
        tpu.vector_store %arg9[%parallel_loop3A_714, %parallel_loop3A_715], %parallel_loop3A_718 {add = true, strides = array<i32>} : memref<400x64xf32, #tpu.memory_space<vmem>>, vector<1x16xf32>,
        %parallel_loop3A_719 = arith.constant 12 : i32
        %parallel_loop3A_720 = arith.addi %parallel_loop3A_91, %parallel_loop3A_719 : i32
        %parallel_loop3A_721 = arith.index_cast %parallel_loop3A_720 : i32 to index
        %parallel_loop3A_722 = arith.constant 0 : index
        %parallel_loop3A_723 = tpu.vector_load %arg9[%parallel_loop3A_721, %parallel_loop3A_722] {strides = array<i32>} : memref<400x64xf32, #tpu.memory_space<vmem>>, vector<1x16xf32>,
        %parallel_loop3A_724 = vector.shape_cast %parallel_loop3A_723 : vector<1x16xf32> to vector<16xf32>
        %parallel_loop3A_725 = vector.shape_cast %parallel_loop3A_540 : vector<16xf32> to vector<1x16xf32>
        tpu.vector_store %arg9[%parallel_loop3A_721, %parallel_loop3A_722], %parallel_loop3A_725 {add = true, strides = array<i32>} : memref<400x64xf32, #tpu.memory_space<vmem>>, vector<1x16xf32>,
        %parallel_loop3A_726 = arith.constant 12 : i32
        %parallel_loop3A_727 = arith.addi %parallel_loop3A_91, %parallel_loop3A_726 : i32
        %parallel_loop3A_728 = arith.index_cast %parallel_loop3A_727 : i32 to index
        %parallel_loop3A_729 = arith.constant 16 : index
        %parallel_loop3A_730 = tpu.vector_load %arg9[%parallel_loop3A_728, %parallel_loop3A_729] {strides = array<i32>} : memref<400x64xf32, #tpu.memory_space<vmem>>, vector<1x16xf32>,
        %parallel_loop3A_731 = vector.shape_cast %parallel_loop3A_730 : vector<1x16xf32> to vector<16xf32>
        %parallel_loop3A_732 = vector.shape_cast %parallel_loop3A_544 : vector<16xf32> to vector<1x16xf32>
        tpu.vector_store %arg9[%parallel_loop3A_728, %parallel_loop3A_729], %parallel_loop3A_732 {add = true, strides = array<i32>} : memref<400x64xf32, #tpu.memory_space<vmem>>, vector<1x16xf32>,
        %parallel_loop3A_733 = arith.constant 12 : i32
        %parallel_loop3A_734 = arith.addi %parallel_loop3A_91, %parallel_loop3A_733 : i32
        %parallel_loop3A_735 = arith.index_cast %parallel_loop3A_734 : i32 to index
        %parallel_loop3A_736 = arith.constant 32 : index
        %parallel_loop3A_737 = tpu.vector_load %arg9[%parallel_loop3A_735, %parallel_loop3A_736] {strides = array<i32>} : memref<400x64xf32, #tpu.memory_space<vmem>>, vector<1x16xf32>,
        %parallel_loop3A_738 = vector.shape_cast %parallel_loop3A_737 : vector<1x16xf32> to vector<16xf32>
        %parallel_loop3A_739 = vector.shape_cast %parallel_loop3A_548 : vector<16xf32> to vector<1x16xf32>
        tpu.vector_store %arg9[%parallel_loop3A_735, %parallel_loop3A_736], %parallel_loop3A_739 {add = true, strides = array<i32>} : memref<400x64xf32, #tpu.memory_space<vmem>>, vector<1x16xf32>,
        %parallel_loop3A_740 = arith.constant 12 : i32
        %parallel_loop3A_741 = arith.addi %parallel_loop3A_91, %parallel_loop3A_740 : i32
        %parallel_loop3A_742 = arith.index_cast %parallel_loop3A_741 : i32 to index
        %parallel_loop3A_743 = arith.constant 48 : index
        %parallel_loop3A_744 = tpu.vector_load %arg9[%parallel_loop3A_742, %parallel_loop3A_743] {strides = array<i32>} : memref<400x64xf32, #tpu.memory_space<vmem>>, vector<1x16xf32>,
        %parallel_loop3A_745 = vector.shape_cast %parallel_loop3A_744 : vector<1x16xf32> to vector<16xf32>
        %parallel_loop3A_746 = vector.shape_cast %parallel_loop3A_552 : vector<16xf32> to vector<1x16xf32>
        tpu.vector_store %arg9[%parallel_loop3A_742, %parallel_loop3A_743], %parallel_loop3A_746 {add = true, strides = array<i32>} : memref<400x64xf32, #tpu.memory_space<vmem>>, vector<1x16xf32>,
        %parallel_loop3A_747 = arith.constant 13 : i32
        %parallel_loop3A_748 = arith.addi %parallel_loop3A_91, %parallel_loop3A_747 : i32
        %parallel_loop3A_749 = arith.index_cast %parallel_loop3A_748 : i32 to index
        %parallel_loop3A_750 = arith.constant 0 : index
        %parallel_loop3A_751 = tpu.vector_load %arg9[%parallel_loop3A_749, %parallel_loop3A_750] {strides = array<i32>} : memref<400x64xf32, #tpu.memory_space<vmem>>, vector<1x16xf32>,
        %parallel_loop3A_752 = vector.shape_cast %parallel_loop3A_751 : vector<1x16xf32> to vector<16xf32>
        %parallel_loop3A_753 = vector.shape_cast %parallel_loop3A_558 : vector<16xf32> to vector<1x16xf32>
        tpu.vector_store %arg9[%parallel_loop3A_749, %parallel_loop3A_750], %parallel_loop3A_753 {add = true, strides = array<i32>} : memref<400x64xf32, #tpu.memory_space<vmem>>, vector<1x16xf32>,
        %parallel_loop3A_754 = arith.constant 13 : i32
        %parallel_loop3A_755 = arith.addi %parallel_loop3A_91, %parallel_loop3A_754 : i32
        %parallel_loop3A_756 = arith.index_cast %parallel_loop3A_755 : i32 to index
        %parallel_loop3A_757 = arith.constant 16 : index
        %parallel_loop3A_758 = tpu.vector_load %arg9[%parallel_loop3A_756, %parallel_loop3A_757] {strides = array<i32>} : memref<400x64xf32, #tpu.memory_space<vmem>>, vector<1x16xf32>,
        %parallel_loop3A_759 = vector.shape_cast %parallel_loop3A_758 : vector<1x16xf32> to vector<16xf32>
        %parallel_loop3A_760 = vector.shape_cast %parallel_loop3A_562 : vector<16xf32> to vector<1x16xf32>
        tpu.vector_store %arg9[%parallel_loop3A_756, %parallel_loop3A_757], %parallel_loop3A_760 {add = true, strides = array<i32>} : memref<400x64xf32, #tpu.memory_space<vmem>>, vector<1x16xf32>,
        %parallel_loop3A_761 = arith.constant 13 : i32
        %parallel_loop3A_762 = arith.addi %parallel_loop3A_91, %parallel_loop3A_761 : i32
        %parallel_loop3A_763 = arith.index_cast %parallel_loop3A_762 : i32 to index
        %parallel_loop3A_764 = arith.constant 32 : index
        %parallel_loop3A_765 = tpu.vector_load %arg9[%parallel_loop3A_763, %parallel_loop3A_764] {strides = array<i32>} : memref<400x64xf32, #tpu.memory_space<vmem>>, vector<1x16xf32>,
        %parallel_loop3A_766 = vector.shape_cast %parallel_loop3A_765 : vector<1x16xf32> to vector<16xf32>
        %parallel_loop3A_767 = vector.shape_cast %parallel_loop3A_566 : vector<16xf32> to vector<1x16xf32>
        tpu.vector_store %arg9[%parallel_loop3A_763, %parallel_loop3A_764], %parallel_loop3A_767 {add = true, strides = array<i32>} : memref<400x64xf32, #tpu.memory_space<vmem>>, vector<1x16xf32>,
        %parallel_loop3A_768 = arith.constant 13 : i32
        %parallel_loop3A_769 = arith.addi %parallel_loop3A_91, %parallel_loop3A_768 : i32
        %parallel_loop3A_770 = arith.index_cast %parallel_loop3A_769 : i32 to index
        %parallel_loop3A_771 = arith.constant 48 : index
        %parallel_loop3A_772 = tpu.vector_load %arg9[%parallel_loop3A_770, %parallel_loop3A_771] {strides = array<i32>} : memref<400x64xf32, #tpu.memory_space<vmem>>, vector<1x16xf32>,
        %parallel_loop3A_773 = vector.shape_cast %parallel_loop3A_772 : vector<1x16xf32> to vector<16xf32>
        %parallel_loop3A_774 = vector.shape_cast %parallel_loop3A_570 : vector<16xf32> to vector<1x16xf32>
        tpu.vector_store %arg9[%parallel_loop3A_770, %parallel_loop3A_771], %parallel_loop3A_774 {add = true, strides = array<i32>} : memref<400x64xf32, #tpu.memory_space<vmem>>, vector<1x16xf32>,
        %parallel_loop3A_775 = arith.constant 14 : i32
        %parallel_loop3A_776 = arith.addi %parallel_loop3A_91, %parallel_loop3A_775 : i32
        %parallel_loop3A_777 = arith.index_cast %parallel_loop3A_776 : i32 to index
        %parallel_loop3A_778 = arith.constant 0 : index
        %parallel_loop3A_779 = tpu.vector_load %arg9[%parallel_loop3A_777, %parallel_loop3A_778] {strides = array<i32>} : memref<400x64xf32, #tpu.memory_space<vmem>>, vector<1x16xf32>,
        %parallel_loop3A_780 = vector.shape_cast %parallel_loop3A_779 : vector<1x16xf32> to vector<16xf32>
        %parallel_loop3A_781 = vector.shape_cast %parallel_loop3A_576 : vector<16xf32> to vector<1x16xf32>
        tpu.vector_store %arg9[%parallel_loop3A_777, %parallel_loop3A_778], %parallel_loop3A_781 {add = true, strides = array<i32>} : memref<400x64xf32, #tpu.memory_space<vmem>>, vector<1x16xf32>,
        %parallel_loop3A_782 = arith.constant 14 : i32
        %parallel_loop3A_783 = arith.addi %parallel_loop3A_91, %parallel_loop3A_782 : i32
        %parallel_loop3A_784 = arith.index_cast %parallel_loop3A_783 : i32 to index
        %parallel_loop3A_785 = arith.constant 16 : index
        %parallel_loop3A_786 = tpu.vector_load %arg9[%parallel_loop3A_784, %parallel_loop3A_785] {strides = array<i32>} : memref<400x64xf32, #tpu.memory_space<vmem>>, vector<1x16xf32>,
        %parallel_loop3A_787 = vector.shape_cast %parallel_loop3A_786 : vector<1x16xf32> to vector<16xf32>
        %parallel_loop3A_788 = vector.shape_cast %parallel_loop3A_580 : vector<16xf32> to vector<1x16xf32>
        tpu.vector_store %arg9[%parallel_loop3A_784, %parallel_loop3A_785], %parallel_loop3A_788 {add = true, strides = array<i32>} : memref<400x64xf32, #tpu.memory_space<vmem>>, vector<1x16xf32>,
        %parallel_loop3A_789 = arith.constant 14 : i32
        %parallel_loop3A_790 = arith.addi %parallel_loop3A_91, %parallel_loop3A_789 : i32
        %parallel_loop3A_791 = arith.index_cast %parallel_loop3A_790 : i32 to index
        %parallel_loop3A_792 = arith.constant 32 : index
        %parallel_loop3A_793 = tpu.vector_load %arg9[%parallel_loop3A_791, %parallel_loop3A_792] {strides = array<i32>} : memref<400x64xf32, #tpu.memory_space<vmem>>, vector<1x16xf32>,
        %parallel_loop3A_794 = vector.shape_cast %parallel_loop3A_793 : vector<1x16xf32> to vector<16xf32>
        %parallel_loop3A_795 = vector.shape_cast %parallel_loop3A_584 : vector<16xf32> to vector<1x16xf32>
        tpu.vector_store %arg9[%parallel_loop3A_791, %parallel_loop3A_792], %parallel_loop3A_795 {add = true, strides = array<i32>} : memref<400x64xf32, #tpu.memory_space<vmem>>, vector<1x16xf32>,
        %parallel_loop3A_796 = arith.constant 14 : i32
        %parallel_loop3A_797 = arith.addi %parallel_loop3A_91, %parallel_loop3A_796 : i32
        %parallel_loop3A_798 = arith.index_cast %parallel_loop3A_797 : i32 to index
        %parallel_loop3A_799 = arith.constant 48 : index
        %parallel_loop3A_800 = tpu.vector_load %arg9[%parallel_loop3A_798, %parallel_loop3A_799] {strides = array<i32>} : memref<400x64xf32, #tpu.memory_space<vmem>>, vector<1x16xf32>,
        %parallel_loop3A_801 = vector.shape_cast %parallel_loop3A_800 : vector<1x16xf32> to vector<16xf32>
        %parallel_loop3A_802 = vector.shape_cast %parallel_loop3A_588 : vector<16xf32> to vector<1x16xf32>
        tpu.vector_store %arg9[%parallel_loop3A_798, %parallel_loop3A_799], %parallel_loop3A_802 {add = true, strides = array<i32>} : memref<400x64xf32, #tpu.memory_space<vmem>>, vector<1x16xf32>,
        %parallel_loop3A_803 = arith.constant 15 : i32
        %parallel_loop3A_804 = arith.addi %parallel_loop3A_91, %parallel_loop3A_803 : i32
        %parallel_loop3A_805 = arith.index_cast %parallel_loop3A_804 : i32 to index
        %parallel_loop3A_806 = arith.constant 0 : index
        %parallel_loop3A_807 = tpu.vector_load %arg9[%parallel_loop3A_805, %parallel_loop3A_806] {strides = array<i32>} : memref<400x64xf32, #tpu.memory_space<vmem>>, vector<1x16xf32>,
        %parallel_loop3A_808 = vector.shape_cast %parallel_loop3A_807 : vector<1x16xf32> to vector<16xf32>
        %parallel_loop3A_809 = vector.shape_cast %parallel_loop3A_594 : vector<16xf32> to vector<1x16xf32>
        tpu.vector_store %arg9[%parallel_loop3A_805, %parallel_loop3A_806], %parallel_loop3A_809 {add = true, strides = array<i32>} : memref<400x64xf32, #tpu.memory_space<vmem>>, vector<1x16xf32>,
        %parallel_loop3A_810 = arith.constant 15 : i32
        %parallel_loop3A_811 = arith.addi %parallel_loop3A_91, %parallel_loop3A_810 : i32
        %parallel_loop3A_812 = arith.index_cast %parallel_loop3A_811 : i32 to index
        %parallel_loop3A_813 = arith.constant 16 : index
        %parallel_loop3A_814 = tpu.vector_load %arg9[%parallel_loop3A_812, %parallel_loop3A_813] {strides = array<i32>} : memref<400x64xf32, #tpu.memory_space<vmem>>, vector<1x16xf32>,
        %parallel_loop3A_815 = vector.shape_cast %parallel_loop3A_814 : vector<1x16xf32> to vector<16xf32>
        %parallel_loop3A_816 = vector.shape_cast %parallel_loop3A_598 : vector<16xf32> to vector<1x16xf32>
        tpu.vector_store %arg9[%parallel_loop3A_812, %parallel_loop3A_813], %parallel_loop3A_816 {add = true, strides = array<i32>} : memref<400x64xf32, #tpu.memory_space<vmem>>, vector<1x16xf32>,
        %parallel_loop3A_817 = arith.constant 15 : i32
        %parallel_loop3A_818 = arith.addi %parallel_loop3A_91, %parallel_loop3A_817 : i32
        %parallel_loop3A_819 = arith.index_cast %parallel_loop3A_818 : i32 to index
        %parallel_loop3A_820 = arith.constant 32 : index
        %parallel_loop3A_821 = tpu.vector_load %arg9[%parallel_loop3A_819, %parallel_loop3A_820] {strides = array<i32>} : memref<400x64xf32, #tpu.memory_space<vmem>>, vector<1x16xf32>,
        %parallel_loop3A_822 = vector.shape_cast %parallel_loop3A_821 : vector<1x16xf32> to vector<16xf32>
        %parallel_loop3A_823 = vector.shape_cast %parallel_loop3A_602 : vector<16xf32> to vector<1x16xf32>
        tpu.vector_store %arg9[%parallel_loop3A_819, %parallel_loop3A_820], %parallel_loop3A_823 {add = true, strides = array<i32>} : memref<400x64xf32, #tpu.memory_space<vmem>>, vector<1x16xf32>,
        %parallel_loop3A_824 = arith.constant 15 : i32
        %parallel_loop3A_825 = arith.addi %parallel_loop3A_91, %parallel_loop3A_824 : i32
        %parallel_loop3A_826 = arith.index_cast %parallel_loop3A_825 : i32 to index
        %parallel_loop3A_827 = arith.constant 48 : index
        %parallel_loop3A_828 = tpu.vector_load %arg9[%parallel_loop3A_826, %parallel_loop3A_827] {strides = array<i32>} : memref<400x64xf32, #tpu.memory_space<vmem>>, vector<1x16xf32>,
        %parallel_loop3A_829 = vector.shape_cast %parallel_loop3A_828 : vector<1x16xf32> to vector<16xf32>
        %parallel_loop3A_830 = vector.shape_cast %parallel_loop3A_606 : vector<16xf32> to vector<1x16xf32>
        tpu.vector_store %arg9[%parallel_loop3A_826, %parallel_loop3A_827], %parallel_loop3A_830 {add = true, strides = array<i32>} : memref<400x64xf32, #tpu.memory_space<vmem>>, vector<1x16xf32>,
      } {sc.loop_unroll_factor = 1 : i64, sc.parallel_access}
      %add3A_49 = arith.constant 0 : i32
      %add3A_50 = arith.addi %mul3A_36, %add3A_49 : i32
      %mul3A_51 = arith.constant 400 : i32
      %mul3A_52 = arith.muli %add3A_50, %mul3A_51 : i32
      %add3A_53 = arith.addi %mul3A_2, %mul3A_52 : i32
      %dma_start3A_54 = arith.constant 0 : i32
      %dma_start3A_55 = tpu.memref_slice %arg5[%add3A_53, %dma_start3A_54] : memref<819200x64xf32, #tpu.memory_space<hbm>> -> memref<400x64xf32, #tpu.memory_space<hbm>>
      %dma_start3A_56 = arith.constant 0 : i32
      %dma_start3A_57 = tpu.memref_slice %arg5[%add3A_53, %dma_start3A_56] : memref<819200x64xf32, #tpu.memory_space<hbm>> -> memref<400x64xf32, #tpu.memory_space<hbm>>
      tpu.enqueue_dma source(%arg9 : memref<400x64xf32, #tpu.memory_space<vmem>>) target(%dma_start3A_57 : memref<400x64xf32, #tpu.memory_space<hbm>>) target_semaphore(%arg13 : memref<!tpu.dma_semaphore, #tpu.memory_space<semaphore_mem>>)
      %add3A_58 = arith.constant 1 : i32
      %add3A_59 = arith.addi %scan3A_34, %add3A_58 : i32
      %lt3A = arith.constant 12 : i32
      %lt3A_60 = arith.cmpi slt, %add3A_59, %lt3A : i32
      %convert_element_type3A = arith.extui %lt3A_60 : i1 to i32
      %cond3A = arith.constant 0 : i32
      %cond3A_61 = arith.cmpi ne, %convert_element_type3A, %cond3A : i32
      scf.if %cond3A_61 {
        %dma_wait3A_91 = arith.constant 0 : i32
        %dma_wait3A_92 = arith.constant 0 : i32
        %dma_wait3A_93 = tpu.memref_slice %arg5[%dma_wait3A_91, %dma_wait3A_92] : memref<819200x64xf32, #tpu.memory_space<hbm>> -> memref<400x64xf32, #tpu.memory_space<hbm>>
        %dma_wait3A_94 = arith.constant 0 : i32
        %dma_wait3A_95 = arith.constant 0 : i32
        %dma_wait3A_96 = tpu.memref_slice %arg5[%dma_wait3A_94, %dma_wait3A_95] : memref<819200x64xf32, #tpu.memory_space<hbm>> -> memref<400x64xf32, #tpu.memory_space<hbm>>
        tpu.wait_dma2 semaphore(%arg13 : memref<!tpu.dma_semaphore, #tpu.memory_space<semaphore_mem>>) src(%arg9 : memref<400x64xf32, #tpu.memory_space<vmem>>) dst(%dma_wait3A_96 : memref<400x64xf32, #tpu.memory_space<hbm>>)
        %add3A_97 = arith.constant 0 : i32
        %add3A_98 = arith.addi %mul3A_36, %add3A_97 : i32
        %add3A_99 = arith.constant 2 : i32
        %add3A_100 = arith.addi %add3A_98, %add3A_99 : i32
        %mul3A_101 = arith.constant 400 : i32
        %mul3A_102 = arith.muli %add3A_100, %mul3A_101 : i32
        %add3A_103 = arith.addi %mul3A_2, %mul3A_102 : i32
        %dma_start3A_104 = tpu.memref_slice %arg4[%add3A_103] : memref<819200xi32, #tpu.memory_space<hbm>> -> memref<400xi32, #tpu.memory_space<hbm>>
        %dma_start3A_105 = tpu.memref_slice %arg4[%add3A_103] : memref<819200xi32, #tpu.memory_space<hbm>> -> memref<400xi32, #tpu.memory_space<hbm>>
        tpu.enqueue_dma source(%dma_start3A_105 : memref<400xi32, #tpu.memory_space<hbm>>) target(%arg7 : memref<400xi32, #tpu.memory_space<vmem>>) target_semaphore(%arg11 : memref<!tpu.dma_semaphore, #tpu.memory_space<semaphore_mem>>)
        %dma_start3A_106 = arith.constant 0 : i32
        %dma_start3A_107 = tpu.memref_slice %arg3[%add3A_103, %dma_start3A_106] : memref<819200x64xf32, #tpu.memory_space<hbm>> -> memref<400x64xf32, #tpu.memory_space<hbm>>
        %dma_start3A_108 = arith.constant 0 : i32
        %dma_start3A_109 = tpu.memref_slice %arg3[%add3A_103, %dma_start3A_108] : memref<819200x64xf32, #tpu.memory_space<hbm>> -> memref<400x64xf32, #tpu.memory_space<hbm>>
        tpu.enqueue_dma source(%dma_start3A_109 : memref<400x64xf32, #tpu.memory_space<hbm>>) target(%arg9 : memref<400x64xf32, #tpu.memory_space<vmem>>) target_semaphore(%arg11 : memref<!tpu.dma_semaphore, #tpu.memory_space<semaphore_mem>>)
      } else {
      }
      %dma_wait3A_62 = arith.constant 0 : i32
      %dma_wait3A_63 = tpu.memref_slice %arg4[%dma_wait3A_62] : memref<819200xi32, #tpu.memory_space<hbm>> -> memref<400xi32, #tpu.memory_space<hbm>>
      %dma_wait3A_64 = arith.constant 0 : i32
      %dma_wait3A_65 = tpu.memref_slice %arg4[%dma_wait3A_64] : memref<819200xi32, #tpu.memory_space<hbm>> -> memref<400xi32, #tpu.memory_space<hbm>>
      tpu.wait_dma2 semaphore(%arg12 : memref<!tpu.dma_semaphore, #tpu.memory_space<semaphore_mem>>) src(%dma_wait3A_65 : memref<400xi32, #tpu.memory_space<hbm>>) dst(%arg8 : memref<400xi32, #tpu.memory_space<vmem>>)
      %dma_wait3A_66 = arith.constant 0 : i32
      %dma_wait3A_67 = arith.constant 0 : i32
      %dma_wait3A_68 = tpu.memref_slice %arg3[%dma_wait3A_66, %dma_wait3A_67] : memref<819200x64xf32, #tpu.memory_space<hbm>> -> memref<400x64xf32, #tpu.memory_space<hbm>>
      %dma_wait3A_69 = arith.constant 0 : i32
      %dma_wait3A_70 = arith.constant 0 : i32
      %dma_wait3A_71 = tpu.memref_slice %arg3[%dma_wait3A_69, %dma_wait3A_70] : memref<819200x64xf32, #tpu.memory_space<hbm>> -> memref<400x64xf32, #tpu.memory_space<hbm>>
      tpu.wait_dma2 semaphore(%arg12 : memref<!tpu.dma_semaphore, #tpu.memory_space<semaphore_mem>>) src(%dma_wait3A_71 : memref<400x64xf32, #tpu.memory_space<hbm>>) dst(%arg10 : memref<400x64xf32, #tpu.memory_space<vmem>>)
      %parallel_loop3A_72 = arith.constant 0 : i32
      %parallel_loop3A_73 = arith.constant 400 : i32
      %parallel_loop3A_74 = arith.constant 16 : i32
      scf.for %parallel_loop3A_91 = %parallel_loop3A_72 to %parallel_loop3A_73 step %parallel_loop3A_74  : i32 {
        %parallel_loop3A_92 = arith.index_cast %parallel_loop3A_91 : i32 to index
        %parallel_loop3A_93 = tpu.vector_load %arg8[%parallel_loop3A_92] {strides = array<i32>} : memref<400xi32, #tpu.memory_space<vmem>>, vector<16xi32>,
        %parallel_loop3A_94 = vector.shape_cast %parallel_loop3A_93 : vector<16xi32> to vector<16xi32>
        %parallel_loop3A_95 = vector.extract_strided_slice %parallel_loop3A_94 {offsets = [0], sizes = [1], strides = [1]} : vector<16xi32> to vector<1xi32>
        %parallel_loop3A_96 = vector.extract %parallel_loop3A_95[0] : i32 from vector<1xi32>
        %parallel_loop3A_97 = arith.index_cast %parallel_loop3A_96 : i32 to index
        %parallel_loop3A_98 = arith.constant 0 : index
        %parallel_loop3A_99 = tpu.vector_load %arg6[%parallel_loop3A_97, %parallel_loop3A_98] {strides = array<i32>} : memref<64x64xf32, #tpu.memory_space<vmem>>, vector<1x16xf32>,
        %parallel_loop3A_100 = vector.shape_cast %parallel_loop3A_99 : vector<1x16xf32> to vector<16xf32>
        %parallel_loop3A_101 = arith.index_cast %parallel_loop3A_96 : i32 to index
        %parallel_loop3A_102 = arith.constant 16 : index
        %parallel_loop3A_103 = tpu.vector_load %arg6[%parallel_loop3A_101, %parallel_loop3A_102] {strides = array<i32>} : memref<64x64xf32, #tpu.memory_space<vmem>>, vector<1x16xf32>,
        %parallel_loop3A_104 = vector.shape_cast %parallel_loop3A_103 : vector<1x16xf32> to vector<16xf32>
        %parallel_loop3A_105 = arith.index_cast %parallel_loop3A_96 : i32 to index
        %parallel_loop3A_106 = arith.constant 32 : index
        %parallel_loop3A_107 = tpu.vector_load %arg6[%parallel_loop3A_105, %parallel_loop3A_106] {strides = array<i32>} : memref<64x64xf32, #tpu.memory_space<vmem>>, vector<1x16xf32>,
        %parallel_loop3A_108 = vector.shape_cast %parallel_loop3A_107 : vector<1x16xf32> to vector<16xf32>
        %parallel_loop3A_109 = arith.index_cast %parallel_loop3A_96 : i32 to index
        %parallel_loop3A_110 = arith.constant 48 : index
        %parallel_loop3A_111 = tpu.vector_load %arg6[%parallel_loop3A_109, %parallel_loop3A_110] {strides = array<i32>} : memref<64x64xf32, #tpu.memory_space<vmem>>, vector<1x16xf32>,
        %parallel_loop3A_112 = vector.shape_cast %parallel_loop3A_111 : vector<1x16xf32> to vector<16xf32>
        %parallel_loop3A_113 = vector.extract_strided_slice %parallel_loop3A_94 {offsets = [1], sizes = [1], strides = [1]} : vector<16xi32> to vector<1xi32>
        %parallel_loop3A_114 = vector.extract %parallel_loop3A_113[0] : i32 from vector<1xi32>
        %parallel_loop3A_115 = arith.index_cast %parallel_loop3A_114 : i32 to index
        %parallel_loop3A_116 = arith.constant 0 : index
        %parallel_loop3A_117 = tpu.vector_load %arg6[%parallel_loop3A_115, %parallel_loop3A_116] {strides = array<i32>} : memref<64x64xf32, #tpu.memory_space<vmem>>, vector<1x16xf32>,
        %parallel_loop3A_118 = vector.shape_cast %parallel_loop3A_117 : vector<1x16xf32> to vector<16xf32>
        %parallel_loop3A_119 = arith.index_cast %parallel_loop3A_114 : i32 to index
        %parallel_loop3A_120 = arith.constant 16 : index
        %parallel_loop3A_121 = tpu.vector_load %arg6[%parallel_loop3A_119, %parallel_loop3A_120] {strides = array<i32>} : memref<64x64xf32, #tpu.memory_space<vmem>>, vector<1x16xf32>,
        %parallel_loop3A_122 = vector.shape_cast %parallel_loop3A_121 : vector<1x16xf32> to vector<16xf32>
        %parallel_loop3A_123 = arith.index_cast %parallel_loop3A_114 : i32 to index
        %parallel_loop3A_124 = arith.constant 32 : index
        %parallel_loop3A_125 = tpu.vector_load %arg6[%parallel_loop3A_123, %parallel_loop3A_124] {strides = array<i32>} : memref<64x64xf32, #tpu.memory_space<vmem>>, vector<1x16xf32>,
        %parallel_loop3A_126 = vector.shape_cast %parallel_loop3A_125 : vector<1x16xf32> to vector<16xf32>
        %parallel_loop3A_127 = arith.index_cast %parallel_loop3A_114 : i32 to index
        %parallel_loop3A_128 = arith.constant 48 : index
        %parallel_loop3A_129 = tpu.vector_load %arg6[%parallel_loop3A_127, %parallel_loop3A_128] {strides = array<i32>} : memref<64x64xf32, #tpu.memory_space<vmem>>, vector<1x16xf32>,
        %parallel_loop3A_130 = vector.shape_cast %parallel_loop3A_129 : vector<1x16xf32> to vector<16xf32>
        %parallel_loop3A_131 = vector.extract_strided_slice %parallel_loop3A_94 {offsets = [2], sizes = [1], strides = [1]} : vector<16xi32> to vector<1xi32>
        %parallel_loop3A_132 = vector.extract %parallel_loop3A_131[0] : i32 from vector<1xi32>
        %parallel_loop3A_133 = arith.index_cast %parallel_loop3A_132 : i32 to index
        %parallel_loop3A_134 = arith.constant 0 : index
        %parallel_loop3A_135 = tpu.vector_load %arg6[%parallel_loop3A_133, %parallel_loop3A_134] {strides = array<i32>} : memref<64x64xf32, #tpu.memory_space<vmem>>, vector<1x16xf32>,
        %parallel_loop3A_136 = vector.shape_cast %parallel_loop3A_135 : vector<1x16xf32> to vector<16xf32>
        %parallel_loop3A_137 = arith.index_cast %parallel_loop3A_132 : i32 to index
        %parallel_loop3A_138 = arith.constant 16 : index
        %parallel_loop3A_139 = tpu.vector_load %arg6[%parallel_loop3A_137, %parallel_loop3A_138] {strides = array<i32>} : memref<64x64xf32, #tpu.memory_space<vmem>>, vector<1x16xf32>,
        %parallel_loop3A_140 = vector.shape_cast %parallel_loop3A_139 : vector<1x16xf32> to vector<16xf32>
        %parallel_loop3A_141 = arith.index_cast %parallel_loop3A_132 : i32 to index
        %parallel_loop3A_142 = arith.constant 32 : index
        %parallel_loop3A_143 = tpu.vector_load %arg6[%parallel_loop3A_141, %parallel_loop3A_142] {strides = array<i32>} : memref<64x64xf32, #tpu.memory_space<vmem>>, vector<1x16xf32>,
        %parallel_loop3A_144 = vector.shape_cast %parallel_loop3A_143 : vector<1x16xf32> to vector<16xf32>
        %parallel_loop3A_145 = arith.index_cast %parallel_loop3A_132 : i32 to index
        %parallel_loop3A_146 = arith.constant 48 : index
        %parallel_loop3A_147 = tpu.vector_load %arg6[%parallel_loop3A_145, %parallel_loop3A_146] {strides = array<i32>} : memref<64x64xf32, #tpu.memory_space<vmem>>, vector<1x16xf32>,
        %parallel_loop3A_148 = vector.shape_cast %parallel_loop3A_147 : vector<1x16xf32> to vector<16xf32>
        %parallel_loop3A_149 = vector.extract_strided_slice %parallel_loop3A_94 {offsets = [3], sizes = [1], strides = [1]} : vector<16xi32> to vector<1xi32>
        %parallel_loop3A_150 = vector.extract %parallel_loop3A_149[0] : i32 from vector<1xi32>
        %parallel_loop3A_151 = arith.index_cast %parallel_loop3A_150 : i32 to index
        %parallel_loop3A_152 = arith.constant 0 : index
        %parallel_loop3A_153 = tpu.vector_load %arg6[%parallel_loop3A_151, %parallel_loop3A_152] {strides = array<i32>} : memref<64x64xf32, #tpu.memory_space<vmem>>, vector<1x16xf32>,
        %parallel_loop3A_154 = vector.shape_cast %parallel_loop3A_153 : vector<1x16xf32> to vector<16xf32>
        %parallel_loop3A_155 = arith.index_cast %parallel_loop3A_150 : i32 to index
        %parallel_loop3A_156 = arith.constant 16 : index
        %parallel_loop3A_157 = tpu.vector_load %arg6[%parallel_loop3A_155, %parallel_loop3A_156] {strides = array<i32>} : memref<64x64xf32, #tpu.memory_space<vmem>>, vector<1x16xf32>,
        %parallel_loop3A_158 = vector.shape_cast %parallel_loop3A_157 : vector<1x16xf32> to vector<16xf32>
        %parallel_loop3A_159 = arith.index_cast %parallel_loop3A_150 : i32 to index
        %parallel_loop3A_160 = arith.constant 32 : index
        %parallel_loop3A_161 = tpu.vector_load %arg6[%parallel_loop3A_159, %parallel_loop3A_160] {strides = array<i32>} : memref<64x64xf32, #tpu.memory_space<vmem>>, vector<1x16xf32>,
        %parallel_loop3A_162 = vector.shape_cast %parallel_loop3A_161 : vector<1x16xf32> to vector<16xf32>
        %parallel_loop3A_163 = arith.index_cast %parallel_loop3A_150 : i32 to index
        %parallel_loop3A_164 = arith.constant 48 : index
        %parallel_loop3A_165 = tpu.vector_load %arg6[%parallel_loop3A_163, %parallel_loop3A_164] {strides = array<i32>} : memref<64x64xf32, #tpu.memory_space<vmem>>, vector<1x16xf32>,
        %parallel_loop3A_166 = vector.shape_cast %parallel_loop3A_165 : vector<1x16xf32> to vector<16xf32>
        %parallel_loop3A_167 = vector.extract_strided_slice %parallel_loop3A_94 {offsets = [4], sizes = [1], strides = [1]} : vector<16xi32> to vector<1xi32>
        %parallel_loop3A_168 = vector.extract %parallel_loop3A_167[0] : i32 from vector<1xi32>
        %parallel_loop3A_169 = arith.index_cast %parallel_loop3A_168 : i32 to index
        %parallel_loop3A_170 = arith.constant 0 : index
        %parallel_loop3A_171 = tpu.vector_load %arg6[%parallel_loop3A_169, %parallel_loop3A_170] {strides = array<i32>} : memref<64x64xf32, #tpu.memory_space<vmem>>, vector<1x16xf32>,
        %parallel_loop3A_172 = vector.shape_cast %parallel_loop3A_171 : vector<1x16xf32> to vector<16xf32>
        %parallel_loop3A_173 = arith.index_cast %parallel_loop3A_168 : i32 to index
        %parallel_loop3A_174 = arith.constant 16 : index
        %parallel_loop3A_175 = tpu.vector_load %arg6[%parallel_loop3A_173, %parallel_loop3A_174] {strides = array<i32>} : memref<64x64xf32, #tpu.memory_space<vmem>>, vector<1x16xf32>,
        %parallel_loop3A_176 = vector.shape_cast %parallel_loop3A_175 : vector<1x16xf32> to vector<16xf32>
        %parallel_loop3A_177 = arith.index_cast %parallel_loop3A_168 : i32 to index
        %parallel_loop3A_178 = arith.constant 32 : index
        %parallel_loop3A_179 = tpu.vector_load %arg6[%parallel_loop3A_177, %parallel_loop3A_178] {strides = array<i32>} : memref<64x64xf32, #tpu.memory_space<vmem>>, vector<1x16xf32>,
        %parallel_loop3A_180 = vector.shape_cast %parallel_loop3A_179 : vector<1x16xf32> to vector<16xf32>
        %parallel_loop3A_181 = arith.index_cast %parallel_loop3A_168 : i32 to index
        %parallel_loop3A_182 = arith.constant 48 : index
        %parallel_loop3A_183 = tpu.vector_load %arg6[%parallel_loop3A_181, %parallel_loop3A_182] {strides = array<i32>} : memref<64x64xf32, #tpu.memory_space<vmem>>, vector<1x16xf32>,
        %parallel_loop3A_184 = vector.shape_cast %parallel_loop3A_183 : vector<1x16xf32> to vector<16xf32>
        %parallel_loop3A_185 = vector.extract_strided_slice %parallel_loop3A_94 {offsets = [5], sizes = [1], strides = [1]} : vector<16xi32> to vector<1xi32>
        %parallel_loop3A_186 = vector.extract %parallel_loop3A_185[0] : i32 from vector<1xi32>
        %parallel_loop3A_187 = arith.index_cast %parallel_loop3A_186 : i32 to index
        %parallel_loop3A_188 = arith.constant 0 : index
        %parallel_loop3A_189 = tpu.vector_load %arg6[%parallel_loop3A_187, %parallel_loop3A_188] {strides = array<i32>} : memref<64x64xf32, #tpu.memory_space<vmem>>, vector<1x16xf32>,
        %parallel_loop3A_190 = vector.shape_cast %parallel_loop3A_189 : vector<1x16xf32> to vector<16xf32>
        %parallel_loop3A_191 = arith.index_cast %parallel_loop3A_186 : i32 to index
        %parallel_loop3A_192 = arith.constant 16 : index
        %parallel_loop3A_193 = tpu.vector_load %arg6[%parallel_loop3A_191, %parallel_loop3A_192] {strides = array<i32>} : memref<64x64xf32, #tpu.memory_space<vmem>>, vector<1x16xf32>,
        %parallel_loop3A_194 = vector.shape_cast %parallel_loop3A_193 : vector<1x16xf32> to vector<16xf32>
        %parallel_loop3A_195 = arith.index_cast %parallel_loop3A_186 : i32 to index
        %parallel_loop3A_196 = arith.constant 32 : index
        %parallel_loop3A_197 = tpu.vector_load %arg6[%parallel_loop3A_195, %parallel_loop3A_196] {strides = array<i32>} : memref<64x64xf32, #tpu.memory_space<vmem>>, vector<1x16xf32>,
        %parallel_loop3A_198 = vector.shape_cast %parallel_loop3A_197 : vector<1x16xf32> to vector<16xf32>
        %parallel_loop3A_199 = arith.index_cast %parallel_loop3A_186 : i32 to index
        %parallel_loop3A_200 = arith.constant 48 : index
        %parallel_loop3A_201 = tpu.vector_load %arg6[%parallel_loop3A_199, %parallel_loop3A_200] {strides = array<i32>} : memref<64x64xf32, #tpu.memory_space<vmem>>, vector<1x16xf32>,
        %parallel_loop3A_202 = vector.shape_cast %parallel_loop3A_201 : vector<1x16xf32> to vector<16xf32>
        %parallel_loop3A_203 = vector.extract_strided_slice %parallel_loop3A_94 {offsets = [6], sizes = [1], strides = [1]} : vector<16xi32> to vector<1xi32>
        %parallel_loop3A_204 = vector.extract %parallel_loop3A_203[0] : i32 from vector<1xi32>
        %parallel_loop3A_205 = arith.index_cast %parallel_loop3A_204 : i32 to index
        %parallel_loop3A_206 = arith.constant 0 : index
        %parallel_loop3A_207 = tpu.vector_load %arg6[%parallel_loop3A_205, %parallel_loop3A_206] {strides = array<i32>} : memref<64x64xf32, #tpu.memory_space<vmem>>, vector<1x16xf32>,
        %parallel_loop3A_208 = vector.shape_cast %parallel_loop3A_207 : vector<1x16xf32> to vector<16xf32>
        %parallel_loop3A_209 = arith.index_cast %parallel_loop3A_204 : i32 to index
        %parallel_loop3A_210 = arith.constant 16 : index
        %parallel_loop3A_211 = tpu.vector_load %arg6[%parallel_loop3A_209, %parallel_loop3A_210] {strides = array<i32>} : memref<64x64xf32, #tpu.memory_space<vmem>>, vector<1x16xf32>,
        %parallel_loop3A_212 = vector.shape_cast %parallel_loop3A_211 : vector<1x16xf32> to vector<16xf32>
        %parallel_loop3A_213 = arith.index_cast %parallel_loop3A_204 : i32 to index
        %parallel_loop3A_214 = arith.constant 32 : index
        %parallel_loop3A_215 = tpu.vector_load %arg6[%parallel_loop3A_213, %parallel_loop3A_214] {strides = array<i32>} : memref<64x64xf32, #tpu.memory_space<vmem>>, vector<1x16xf32>,
        %parallel_loop3A_216 = vector.shape_cast %parallel_loop3A_215 : vector<1x16xf32> to vector<16xf32>
        %parallel_loop3A_217 = arith.index_cast %parallel_loop3A_204 : i32 to index
        %parallel_loop3A_218 = arith.constant 48 : index
        %parallel_loop3A_219 = tpu.vector_load %arg6[%parallel_loop3A_217, %parallel_loop3A_218] {strides = array<i32>} : memref<64x64xf32, #tpu.memory_space<vmem>>, vector<1x16xf32>,
        %parallel_loop3A_220 = vector.shape_cast %parallel_loop3A_219 : vector<1x16xf32> to vector<16xf32>
        %parallel_loop3A_221 = vector.extract_strided_slice %parallel_loop3A_94 {offsets = [7], sizes = [1], strides = [1]} : vector<16xi32> to vector<1xi32>
        %parallel_loop3A_222 = vector.extract %parallel_loop3A_221[0] : i32 from vector<1xi32>
        %parallel_loop3A_223 = arith.index_cast %parallel_loop3A_222 : i32 to index
        %parallel_loop3A_224 = arith.constant 0 : index
        %parallel_loop3A_225 = tpu.vector_load %arg6[%parallel_loop3A_223, %parallel_loop3A_224] {strides = array<i32>} : memref<64x64xf32, #tpu.memory_space<vmem>>, vector<1x16xf32>,
        %parallel_loop3A_226 = vector.shape_cast %parallel_loop3A_225 : vector<1x16xf32> to vector<16xf32>
        %parallel_loop3A_227 = arith.index_cast %parallel_loop3A_222 : i32 to index
        %parallel_loop3A_228 = arith.constant 16 : index
        %parallel_loop3A_229 = tpu.vector_load %arg6[%parallel_loop3A_227, %parallel_loop3A_228] {strides = array<i32>} : memref<64x64xf32, #tpu.memory_space<vmem>>, vector<1x16xf32>,
        %parallel_loop3A_230 = vector.shape_cast %parallel_loop3A_229 : vector<1x16xf32> to vector<16xf32>
        %parallel_loop3A_231 = arith.index_cast %parallel_loop3A_222 : i32 to index
        %parallel_loop3A_232 = arith.constant 32 : index
        %parallel_loop3A_233 = tpu.vector_load %arg6[%parallel_loop3A_231, %parallel_loop3A_232] {strides = array<i32>} : memref<64x64xf32, #tpu.memory_space<vmem>>, vector<1x16xf32>,
        %parallel_loop3A_234 = vector.shape_cast %parallel_loop3A_233 : vector<1x16xf32> to vector<16xf32>
        %parallel_loop3A_235 = arith.index_cast %parallel_loop3A_222 : i32 to index
        %parallel_loop3A_236 = arith.constant 48 : index
        %parallel_loop3A_237 = tpu.vector_load %arg6[%parallel_loop3A_235, %parallel_loop3A_236] {strides = array<i32>} : memref<64x64xf32, #tpu.memory_space<vmem>>, vector<1x16xf32>,
        %parallel_loop3A_238 = vector.shape_cast %parallel_loop3A_237 : vector<1x16xf32> to vector<16xf32>
        %parallel_loop3A_239 = arith.constant 0 : i32
        %parallel_loop3A_240 = arith.addi %parallel_loop3A_91, %parallel_loop3A_239 : i32
        %parallel_loop3A_241 = arith.index_cast %parallel_loop3A_240 : i32 to index
        %parallel_loop3A_242 = arith.constant 0 : index
        %parallel_loop3A_243 = tpu.vector_load %arg10[%parallel_loop3A_241, %parallel_loop3A_242] {strides = array<i32>} : memref<400x64xf32, #tpu.memory_space<vmem>>, vector<1x16xf32>,
        %parallel_loop3A_244 = vector.shape_cast %parallel_loop3A_243 : vector<1x16xf32> to vector<16xf32>
        %parallel_loop3A_245 = vector.shape_cast %parallel_loop3A_100 : vector<16xf32> to vector<1x16xf32>
        tpu.vector_store %arg10[%parallel_loop3A_241, %parallel_loop3A_242], %parallel_loop3A_245 {add = true, strides = array<i32>} : memref<400x64xf32, #tpu.memory_space<vmem>>, vector<1x16xf32>,
        %parallel_loop3A_246 = arith.constant 0 : i32
        %parallel_loop3A_247 = arith.addi %parallel_loop3A_91, %parallel_loop3A_246 : i32
        %parallel_loop3A_248 = arith.index_cast %parallel_loop3A_247 : i32 to index
        %parallel_loop3A_249 = arith.constant 16 : index
        %parallel_loop3A_250 = tpu.vector_load %arg10[%parallel_loop3A_248, %parallel_loop3A_249] {strides = array<i32>} : memref<400x64xf32, #tpu.memory_space<vmem>>, vector<1x16xf32>,
        %parallel_loop3A_251 = vector.shape_cast %parallel_loop3A_250 : vector<1x16xf32> to vector<16xf32>
        %parallel_loop3A_252 = vector.shape_cast %parallel_loop3A_104 : vector<16xf32> to vector<1x16xf32>
        tpu.vector_store %arg10[%parallel_loop3A_248, %parallel_loop3A_249], %parallel_loop3A_252 {add = true, strides = array<i32>} : memref<400x64xf32, #tpu.memory_space<vmem>>, vector<1x16xf32>,
        %parallel_loop3A_253 = arith.constant 0 : i32
        %parallel_loop3A_254 = arith.addi %parallel_loop3A_91, %parallel_loop3A_253 : i32
        %parallel_loop3A_255 = arith.index_cast %parallel_loop3A_254 : i32 to index
        %parallel_loop3A_256 = arith.constant 32 : index
        %parallel_loop3A_257 = tpu.vector_load %arg10[%parallel_loop3A_255, %parallel_loop3A_256] {strides = array<i32>} : memref<400x64xf32, #tpu.memory_space<vmem>>, vector<1x16xf32>,
        %parallel_loop3A_258 = vector.shape_cast %parallel_loop3A_257 : vector<1x16xf32> to vector<16xf32>
        %parallel_loop3A_259 = vector.shape_cast %parallel_loop3A_108 : vector<16xf32> to vector<1x16xf32>
        tpu.vector_store %arg10[%parallel_loop3A_255, %parallel_loop3A_256], %parallel_loop3A_259 {add = true, strides = array<i32>} : memref<400x64xf32, #tpu.memory_space<vmem>>, vector<1x16xf32>,
        %parallel_loop3A_260 = arith.constant 0 : i32
        %parallel_loop3A_261 = arith.addi %parallel_loop3A_91, %parallel_loop3A_260 : i32
        %parallel_loop3A_262 = arith.index_cast %parallel_loop3A_261 : i32 to index
        %parallel_loop3A_263 = arith.constant 48 : index
        %parallel_loop3A_264 = tpu.vector_load %arg10[%parallel_loop3A_262, %parallel_loop3A_263] {strides = array<i32>} : memref<400x64xf32, #tpu.memory_space<vmem>>, vector<1x16xf32>,
        %parallel_loop3A_265 = vector.shape_cast %parallel_loop3A_264 : vector<1x16xf32> to vector<16xf32>
        %parallel_loop3A_266 = vector.shape_cast %parallel_loop3A_112 : vector<16xf32> to vector<1x16xf32>
        tpu.vector_store %arg10[%parallel_loop3A_262, %parallel_loop3A_263], %parallel_loop3A_266 {add = true, strides = array<i32>} : memref<400x64xf32, #tpu.memory_space<vmem>>, vector<1x16xf32>,
        %parallel_loop3A_267 = arith.constant 1 : i32
        %parallel_loop3A_268 = arith.addi %parallel_loop3A_91, %parallel_loop3A_267 : i32
        %parallel_loop3A_269 = arith.index_cast %parallel_loop3A_268 : i32 to index
        %parallel_loop3A_270 = arith.constant 0 : index
        %parallel_loop3A_271 = tpu.vector_load %arg10[%parallel_loop3A_269, %parallel_loop3A_270] {strides = array<i32>} : memref<400x64xf32, #tpu.memory_space<vmem>>, vector<1x16xf32>,
        %parallel_loop3A_272 = vector.shape_cast %parallel_loop3A_271 : vector<1x16xf32> to vector<16xf32>
        %parallel_loop3A_273 = vector.shape_cast %parallel_loop3A_118 : vector<16xf32> to vector<1x16xf32>
        tpu.vector_store %arg10[%parallel_loop3A_269, %parallel_loop3A_270], %parallel_loop3A_273 {add = true, strides = array<i32>} : memref<400x64xf32, #tpu.memory_space<vmem>>, vector<1x16xf32>,
        %parallel_loop3A_274 = arith.constant 1 : i32
        %parallel_loop3A_275 = arith.addi %parallel_loop3A_91, %parallel_loop3A_274 : i32
        %parallel_loop3A_276 = arith.index_cast %parallel_loop3A_275 : i32 to index
        %parallel_loop3A_277 = arith.constant 16 : index
        %parallel_loop3A_278 = tpu.vector_load %arg10[%parallel_loop3A_276, %parallel_loop3A_277] {strides = array<i32>} : memref<400x64xf32, #tpu.memory_space<vmem>>, vector<1x16xf32>,
        %parallel_loop3A_279 = vector.shape_cast %parallel_loop3A_278 : vector<1x16xf32> to vector<16xf32>
        %parallel_loop3A_280 = vector.shape_cast %parallel_loop3A_122 : vector<16xf32> to vector<1x16xf32>
        tpu.vector_store %arg10[%parallel_loop3A_276, %parallel_loop3A_277], %parallel_loop3A_280 {add = true, strides = array<i32>} : memref<400x64xf32, #tpu.memory_space<vmem>>, vector<1x16xf32>,
        %parallel_loop3A_281 = arith.constant 1 : i32
        %parallel_loop3A_282 = arith.addi %parallel_loop3A_91, %parallel_loop3A_281 : i32
        %parallel_loop3A_283 = arith.index_cast %parallel_loop3A_282 : i32 to index
        %parallel_loop3A_284 = arith.constant 32 : index
        %parallel_loop3A_285 = tpu.vector_load %arg10[%parallel_loop3A_283, %parallel_loop3A_284] {strides = array<i32>} : memref<400x64xf32, #tpu.memory_space<vmem>>, vector<1x16xf32>,
        %parallel_loop3A_286 = vector.shape_cast %parallel_loop3A_285 : vector<1x16xf32> to vector<16xf32>
        %parallel_loop3A_287 = vector.shape_cast %parallel_loop3A_126 : vector<16xf32> to vector<1x16xf32>
        tpu.vector_store %arg10[%parallel_loop3A_283, %parallel_loop3A_284], %parallel_loop3A_287 {add = true, strides = array<i32>} : memref<400x64xf32, #tpu.memory_space<vmem>>, vector<1x16xf32>,
        %parallel_loop3A_288 = arith.constant 1 : i32
        %parallel_loop3A_289 = arith.addi %parallel_loop3A_91, %parallel_loop3A_288 : i32
        %parallel_loop3A_290 = arith.index_cast %parallel_loop3A_289 : i32 to index
        %parallel_loop3A_291 = arith.constant 48 : index
        %parallel_loop3A_292 = tpu.vector_load %arg10[%parallel_loop3A_290, %parallel_loop3A_291] {strides = array<i32>} : memref<400x64xf32, #tpu.memory_space<vmem>>, vector<1x16xf32>,
        %parallel_loop3A_293 = vector.shape_cast %parallel_loop3A_292 : vector<1x16xf32> to vector<16xf32>
        %parallel_loop3A_294 = vector.shape_cast %parallel_loop3A_130 : vector<16xf32> to vector<1x16xf32>
        tpu.vector_store %arg10[%parallel_loop3A_290, %parallel_loop3A_291], %parallel_loop3A_294 {add = true, strides = array<i32>} : memref<400x64xf32, #tpu.memory_space<vmem>>, vector<1x16xf32>,
        %parallel_loop3A_295 = arith.constant 2 : i32
        %parallel_loop3A_296 = arith.addi %parallel_loop3A_91, %parallel_loop3A_295 : i32
        %parallel_loop3A_297 = arith.index_cast %parallel_loop3A_296 : i32 to index
        %parallel_loop3A_298 = arith.constant 0 : index
        %parallel_loop3A_299 = tpu.vector_load %arg10[%parallel_loop3A_297, %parallel_loop3A_298] {strides = array<i32>} : memref<400x64xf32, #tpu.memory_space<vmem>>, vector<1x16xf32>,
        %parallel_loop3A_300 = vector.shape_cast %parallel_loop3A_299 : vector<1x16xf32> to vector<16xf32>
        %parallel_loop3A_301 = vector.shape_cast %parallel_loop3A_136 : vector<16xf32> to vector<1x16xf32>
        tpu.vector_store %arg10[%parallel_loop3A_297, %parallel_loop3A_298], %parallel_loop3A_301 {add = true, strides = array<i32>} : memref<400x64xf32, #tpu.memory_space<vmem>>, vector<1x16xf32>,
        %parallel_loop3A_302 = arith.constant 2 : i32
        %parallel_loop3A_303 = arith.addi %parallel_loop3A_91, %parallel_loop3A_302 : i32
        %parallel_loop3A_304 = arith.index_cast %parallel_loop3A_303 : i32 to index
        %parallel_loop3A_305 = arith.constant 16 : index
        %parallel_loop3A_306 = tpu.vector_load %arg10[%parallel_loop3A_304, %parallel_loop3A_305] {strides = array<i32>} : memref<400x64xf32, #tpu.memory_space<vmem>>, vector<1x16xf32>,
        %parallel_loop3A_307 = vector.shape_cast %parallel_loop3A_306 : vector<1x16xf32> to vector<16xf32>
        %parallel_loop3A_308 = vector.shape_cast %parallel_loop3A_140 : vector<16xf32> to vector<1x16xf32>
        tpu.vector_store %arg10[%parallel_loop3A_304, %parallel_loop3A_305], %parallel_loop3A_308 {add = true, strides = array<i32>} : memref<400x64xf32, #tpu.memory_space<vmem>>, vector<1x16xf32>,
        %parallel_loop3A_309 = arith.constant 2 : i32
        %parallel_loop3A_310 = arith.addi %parallel_loop3A_91, %parallel_loop3A_309 : i32
        %parallel_loop3A_311 = arith.index_cast %parallel_loop3A_310 : i32 to index
        %parallel_loop3A_312 = arith.constant 32 : index
        %parallel_loop3A_313 = tpu.vector_load %arg10[%parallel_loop3A_311, %parallel_loop3A_312] {strides = array<i32>} : memref<400x64xf32, #tpu.memory_space<vmem>>, vector<1x16xf32>,
        %parallel_loop3A_314 = vector.shape_cast %parallel_loop3A_313 : vector<1x16xf32> to vector<16xf32>
        %parallel_loop3A_315 = vector.shape_cast %parallel_loop3A_144 : vector<16xf32> to vector<1x16xf32>
        tpu.vector_store %arg10[%parallel_loop3A_311, %parallel_loop3A_312], %parallel_loop3A_315 {add = true, strides = array<i32>} : memref<400x64xf32, #tpu.memory_space<vmem>>, vector<1x16xf32>,
        %parallel_loop3A_316 = arith.constant 2 : i32
        %parallel_loop3A_317 = arith.addi %parallel_loop3A_91, %parallel_loop3A_316 : i32
        %parallel_loop3A_318 = arith.index_cast %parallel_loop3A_317 : i32 to index
        %parallel_loop3A_319 = arith.constant 48 : index
        %parallel_loop3A_320 = tpu.vector_load %arg10[%parallel_loop3A_318, %parallel_loop3A_319] {strides = array<i32>} : memref<400x64xf32, #tpu.memory_space<vmem>>, vector<1x16xf32>,
        %parallel_loop3A_321 = vector.shape_cast %parallel_loop3A_320 : vector<1x16xf32> to vector<16xf32>
        %parallel_loop3A_322 = vector.shape_cast %parallel_loop3A_148 : vector<16xf32> to vector<1x16xf32>
        tpu.vector_store %arg10[%parallel_loop3A_318, %parallel_loop3A_319], %parallel_loop3A_322 {add = true, strides = array<i32>} : memref<400x64xf32, #tpu.memory_space<vmem>>, vector<1x16xf32>,
        %parallel_loop3A_323 = arith.constant 3 : i32
        %parallel_loop3A_324 = arith.addi %parallel_loop3A_91, %parallel_loop3A_323 : i32
        %parallel_loop3A_325 = arith.index_cast %parallel_loop3A_324 : i32 to index
        %parallel_loop3A_326 = arith.constant 0 : index
        %parallel_loop3A_327 = tpu.vector_load %arg10[%parallel_loop3A_325, %parallel_loop3A_326] {strides = array<i32>} : memref<400x64xf32, #tpu.memory_space<vmem>>, vector<1x16xf32>,
        %parallel_loop3A_328 = vector.shape_cast %parallel_loop3A_327 : vector<1x16xf32> to vector<16xf32>
        %parallel_loop3A_329 = vector.shape_cast %parallel_loop3A_154 : vector<16xf32> to vector<1x16xf32>
        tpu.vector_store %arg10[%parallel_loop3A_325, %parallel_loop3A_326], %parallel_loop3A_329 {add = true, strides = array<i32>} : memref<400x64xf32, #tpu.memory_space<vmem>>, vector<1x16xf32>,
        %parallel_loop3A_330 = arith.constant 3 : i32
        %parallel_loop3A_331 = arith.addi %parallel_loop3A_91, %parallel_loop3A_330 : i32
        %parallel_loop3A_332 = arith.index_cast %parallel_loop3A_331 : i32 to index
        %parallel_loop3A_333 = arith.constant 16 : index
        %parallel_loop3A_334 = tpu.vector_load %arg10[%parallel_loop3A_332, %parallel_loop3A_333] {strides = array<i32>} : memref<400x64xf32, #tpu.memory_space<vmem>>, vector<1x16xf32>,
        %parallel_loop3A_335 = vector.shape_cast %parallel_loop3A_334 : vector<1x16xf32> to vector<16xf32>
        %parallel_loop3A_336 = vector.shape_cast %parallel_loop3A_158 : vector<16xf32> to vector<1x16xf32>
        tpu.vector_store %arg10[%parallel_loop3A_332, %parallel_loop3A_333], %parallel_loop3A_336 {add = true, strides = array<i32>} : memref<400x64xf32, #tpu.memory_space<vmem>>, vector<1x16xf32>,
        %parallel_loop3A_337 = arith.constant 3 : i32
        %parallel_loop3A_338 = arith.addi %parallel_loop3A_91, %parallel_loop3A_337 : i32
        %parallel_loop3A_339 = arith.index_cast %parallel_loop3A_338 : i32 to index
        %parallel_loop3A_340 = arith.constant 32 : index
        %parallel_loop3A_341 = tpu.vector_load %arg10[%parallel_loop3A_339, %parallel_loop3A_340] {strides = array<i32>} : memref<400x64xf32, #tpu.memory_space<vmem>>, vector<1x16xf32>,
        %parallel_loop3A_342 = vector.shape_cast %parallel_loop3A_341 : vector<1x16xf32> to vector<16xf32>
        %parallel_loop3A_343 = vector.shape_cast %parallel_loop3A_162 : vector<16xf32> to vector<1x16xf32>
        tpu.vector_store %arg10[%parallel_loop3A_339, %parallel_loop3A_340], %parallel_loop3A_343 {add = true, strides = array<i32>} : memref<400x64xf32, #tpu.memory_space<vmem>>, vector<1x16xf32>,
        %parallel_loop3A_344 = arith.constant 3 : i32
        %parallel_loop3A_345 = arith.addi %parallel_loop3A_91, %parallel_loop3A_344 : i32
        %parallel_loop3A_346 = arith.index_cast %parallel_loop3A_345 : i32 to index
        %parallel_loop3A_347 = arith.constant 48 : index
        %parallel_loop3A_348 = tpu.vector_load %arg10[%parallel_loop3A_346, %parallel_loop3A_347] {strides = array<i32>} : memref<400x64xf32, #tpu.memory_space<vmem>>, vector<1x16xf32>,
        %parallel_loop3A_349 = vector.shape_cast %parallel_loop3A_348 : vector<1x16xf32> to vector<16xf32>
        %parallel_loop3A_350 = vector.shape_cast %parallel_loop3A_166 : vector<16xf32> to vector<1x16xf32>
        tpu.vector_store %arg10[%parallel_loop3A_346, %parallel_loop3A_347], %parallel_loop3A_350 {add = true, strides = array<i32>} : memref<400x64xf32, #tpu.memory_space<vmem>>, vector<1x16xf32>,
        %parallel_loop3A_351 = arith.constant 4 : i32
        %parallel_loop3A_352 = arith.addi %parallel_loop3A_91, %parallel_loop3A_351 : i32
        %parallel_loop3A_353 = arith.index_cast %parallel_loop3A_352 : i32 to index
        %parallel_loop3A_354 = arith.constant 0 : index
        %parallel_loop3A_355 = tpu.vector_load %arg10[%parallel_loop3A_353, %parallel_loop3A_354] {strides = array<i32>} : memref<400x64xf32, #tpu.memory_space<vmem>>, vector<1x16xf32>,
        %parallel_loop3A_356 = vector.shape_cast %parallel_loop3A_355 : vector<1x16xf32> to vector<16xf32>
        %parallel_loop3A_357 = vector.shape_cast %parallel_loop3A_172 : vector<16xf32> to vector<1x16xf32>
        tpu.vector_store %arg10[%parallel_loop3A_353, %parallel_loop3A_354], %parallel_loop3A_357 {add = true, strides = array<i32>} : memref<400x64xf32, #tpu.memory_space<vmem>>, vector<1x16xf32>,
        %parallel_loop3A_358 = arith.constant 4 : i32
        %parallel_loop3A_359 = arith.addi %parallel_loop3A_91, %parallel_loop3A_358 : i32
        %parallel_loop3A_360 = arith.index_cast %parallel_loop3A_359 : i32 to index
        %parallel_loop3A_361 = arith.constant 16 : index
        %parallel_loop3A_362 = tpu.vector_load %arg10[%parallel_loop3A_360, %parallel_loop3A_361] {strides = array<i32>} : memref<400x64xf32, #tpu.memory_space<vmem>>, vector<1x16xf32>,
        %parallel_loop3A_363 = vector.shape_cast %parallel_loop3A_362 : vector<1x16xf32> to vector<16xf32>
        %parallel_loop3A_364 = vector.shape_cast %parallel_loop3A_176 : vector<16xf32> to vector<1x16xf32>
        tpu.vector_store %arg10[%parallel_loop3A_360, %parallel_loop3A_361], %parallel_loop3A_364 {add = true, strides = array<i32>} : memref<400x64xf32, #tpu.memory_space<vmem>>, vector<1x16xf32>,
        %parallel_loop3A_365 = arith.constant 4 : i32
        %parallel_loop3A_366 = arith.addi %parallel_loop3A_91, %parallel_loop3A_365 : i32
        %parallel_loop3A_367 = arith.index_cast %parallel_loop3A_366 : i32 to index
        %parallel_loop3A_368 = arith.constant 32 : index
        %parallel_loop3A_369 = tpu.vector_load %arg10[%parallel_loop3A_367, %parallel_loop3A_368] {strides = array<i32>} : memref<400x64xf32, #tpu.memory_space<vmem>>, vector<1x16xf32>,
        %parallel_loop3A_370 = vector.shape_cast %parallel_loop3A_369 : vector<1x16xf32> to vector<16xf32>
        %parallel_loop3A_371 = vector.shape_cast %parallel_loop3A_180 : vector<16xf32> to vector<1x16xf32>
        tpu.vector_store %arg10[%parallel_loop3A_367, %parallel_loop3A_368], %parallel_loop3A_371 {add = true, strides = array<i32>} : memref<400x64xf32, #tpu.memory_space<vmem>>, vector<1x16xf32>,
        %parallel_loop3A_372 = arith.constant 4 : i32
        %parallel_loop3A_373 = arith.addi %parallel_loop3A_91, %parallel_loop3A_372 : i32
        %parallel_loop3A_374 = arith.index_cast %parallel_loop3A_373 : i32 to index
        %parallel_loop3A_375 = arith.constant 48 : index
        %parallel_loop3A_376 = tpu.vector_load %arg10[%parallel_loop3A_374, %parallel_loop3A_375] {strides = array<i32>} : memref<400x64xf32, #tpu.memory_space<vmem>>, vector<1x16xf32>,
        %parallel_loop3A_377 = vector.shape_cast %parallel_loop3A_376 : vector<1x16xf32> to vector<16xf32>
        %parallel_loop3A_378 = vector.shape_cast %parallel_loop3A_184 : vector<16xf32> to vector<1x16xf32>
        tpu.vector_store %arg10[%parallel_loop3A_374, %parallel_loop3A_375], %parallel_loop3A_378 {add = true, strides = array<i32>} : memref<400x64xf32, #tpu.memory_space<vmem>>, vector<1x16xf32>,
        %parallel_loop3A_379 = arith.constant 5 : i32
        %parallel_loop3A_380 = arith.addi %parallel_loop3A_91, %parallel_loop3A_379 : i32
        %parallel_loop3A_381 = arith.index_cast %parallel_loop3A_380 : i32 to index
        %parallel_loop3A_382 = arith.constant 0 : index
        %parallel_loop3A_383 = tpu.vector_load %arg10[%parallel_loop3A_381, %parallel_loop3A_382] {strides = array<i32>} : memref<400x64xf32, #tpu.memory_space<vmem>>, vector<1x16xf32>,
        %parallel_loop3A_384 = vector.shape_cast %parallel_loop3A_383 : vector<1x16xf32> to vector<16xf32>
        %parallel_loop3A_385 = vector.shape_cast %parallel_loop3A_190 : vector<16xf32> to vector<1x16xf32>
        tpu.vector_store %arg10[%parallel_loop3A_381, %parallel_loop3A_382], %parallel_loop3A_385 {add = true, strides = array<i32>} : memref<400x64xf32, #tpu.memory_space<vmem>>, vector<1x16xf32>,
        %parallel_loop3A_386 = arith.constant 5 : i32
        %parallel_loop3A_387 = arith.addi %parallel_loop3A_91, %parallel_loop3A_386 : i32
        %parallel_loop3A_388 = arith.index_cast %parallel_loop3A_387 : i32 to index
        %parallel_loop3A_389 = arith.constant 16 : index
        %parallel_loop3A_390 = tpu.vector_load %arg10[%parallel_loop3A_388, %parallel_loop3A_389] {strides = array<i32>} : memref<400x64xf32, #tpu.memory_space<vmem>>, vector<1x16xf32>,
        %parallel_loop3A_391 = vector.shape_cast %parallel_loop3A_390 : vector<1x16xf32> to vector<16xf32>
        %parallel_loop3A_392 = vector.shape_cast %parallel_loop3A_194 : vector<16xf32> to vector<1x16xf32>
        tpu.vector_store %arg10[%parallel_loop3A_388, %parallel_loop3A_389], %parallel_loop3A_392 {add = true, strides = array<i32>} : memref<400x64xf32, #tpu.memory_space<vmem>>, vector<1x16xf32>,
        %parallel_loop3A_393 = arith.constant 5 : i32
        %parallel_loop3A_394 = arith.addi %parallel_loop3A_91, %parallel_loop3A_393 : i32
        %parallel_loop3A_395 = arith.index_cast %parallel_loop3A_394 : i32 to index
        %parallel_loop3A_396 = arith.constant 32 : index
        %parallel_loop3A_397 = tpu.vector_load %arg10[%parallel_loop3A_395, %parallel_loop3A_396] {strides = array<i32>} : memref<400x64xf32, #tpu.memory_space<vmem>>, vector<1x16xf32>,
        %parallel_loop3A_398 = vector.shape_cast %parallel_loop3A_397 : vector<1x16xf32> to vector<16xf32>
        %parallel_loop3A_399 = vector.shape_cast %parallel_loop3A_198 : vector<16xf32> to vector<1x16xf32>
        tpu.vector_store %arg10[%parallel_loop3A_395, %parallel_loop3A_396], %parallel_loop3A_399 {add = true, strides = array<i32>} : memref<400x64xf32, #tpu.memory_space<vmem>>, vector<1x16xf32>,
        %parallel_loop3A_400 = arith.constant 5 : i32
        %parallel_loop3A_401 = arith.addi %parallel_loop3A_91, %parallel_loop3A_400 : i32
        %parallel_loop3A_402 = arith.index_cast %parallel_loop3A_401 : i32 to index
        %parallel_loop3A_403 = arith.constant 48 : index
        %parallel_loop3A_404 = tpu.vector_load %arg10[%parallel_loop3A_402, %parallel_loop3A_403] {strides = array<i32>} : memref<400x64xf32, #tpu.memory_space<vmem>>, vector<1x16xf32>,
        %parallel_loop3A_405 = vector.shape_cast %parallel_loop3A_404 : vector<1x16xf32> to vector<16xf32>
        %parallel_loop3A_406 = vector.shape_cast %parallel_loop3A_202 : vector<16xf32> to vector<1x16xf32>
        tpu.vector_store %arg10[%parallel_loop3A_402, %parallel_loop3A_403], %parallel_loop3A_406 {add = true, strides = array<i32>} : memref<400x64xf32, #tpu.memory_space<vmem>>, vector<1x16xf32>,
        %parallel_loop3A_407 = arith.constant 6 : i32
        %parallel_loop3A_408 = arith.addi %parallel_loop3A_91, %parallel_loop3A_407 : i32
        %parallel_loop3A_409 = arith.index_cast %parallel_loop3A_408 : i32 to index
        %parallel_loop3A_410 = arith.constant 0 : index
        %parallel_loop3A_411 = tpu.vector_load %arg10[%parallel_loop3A_409, %parallel_loop3A_410] {strides = array<i32>} : memref<400x64xf32, #tpu.memory_space<vmem>>, vector<1x16xf32>,
        %parallel_loop3A_412 = vector.shape_cast %parallel_loop3A_411 : vector<1x16xf32> to vector<16xf32>
        %parallel_loop3A_413 = vector.shape_cast %parallel_loop3A_208 : vector<16xf32> to vector<1x16xf32>
        tpu.vector_store %arg10[%parallel_loop3A_409, %parallel_loop3A_410], %parallel_loop3A_413 {add = true, strides = array<i32>} : memref<400x64xf32, #tpu.memory_space<vmem>>, vector<1x16xf32>,
        %parallel_loop3A_414 = arith.constant 6 : i32
        %parallel_loop3A_415 = arith.addi %parallel_loop3A_91, %parallel_loop3A_414 : i32
        %parallel_loop3A_416 = arith.index_cast %parallel_loop3A_415 : i32 to index
        %parallel_loop3A_417 = arith.constant 16 : index
        %parallel_loop3A_418 = tpu.vector_load %arg10[%parallel_loop3A_416, %parallel_loop3A_417] {strides = array<i32>} : memref<400x64xf32, #tpu.memory_space<vmem>>, vector<1x16xf32>,
        %parallel_loop3A_419 = vector.shape_cast %parallel_loop3A_418 : vector<1x16xf32> to vector<16xf32>
        %parallel_loop3A_420 = vector.shape_cast %parallel_loop3A_212 : vector<16xf32> to vector<1x16xf32>
        tpu.vector_store %arg10[%parallel_loop3A_416, %parallel_loop3A_417], %parallel_loop3A_420 {add = true, strides = array<i32>} : memref<400x64xf32, #tpu.memory_space<vmem>>, vector<1x16xf32>,
        %parallel_loop3A_421 = arith.constant 6 : i32
        %parallel_loop3A_422 = arith.addi %parallel_loop3A_91, %parallel_loop3A_421 : i32
        %parallel_loop3A_423 = arith.index_cast %parallel_loop3A_422 : i32 to index
        %parallel_loop3A_424 = arith.constant 32 : index
        %parallel_loop3A_425 = tpu.vector_load %arg10[%parallel_loop3A_423, %parallel_loop3A_424] {strides = array<i32>} : memref<400x64xf32, #tpu.memory_space<vmem>>, vector<1x16xf32>,
        %parallel_loop3A_426 = vector.shape_cast %parallel_loop3A_425 : vector<1x16xf32> to vector<16xf32>
        %parallel_loop3A_427 = vector.shape_cast %parallel_loop3A_216 : vector<16xf32> to vector<1x16xf32>
        tpu.vector_store %arg10[%parallel_loop3A_423, %parallel_loop3A_424], %parallel_loop3A_427 {add = true, strides = array<i32>} : memref<400x64xf32, #tpu.memory_space<vmem>>, vector<1x16xf32>,
        %parallel_loop3A_428 = arith.constant 6 : i32
        %parallel_loop3A_429 = arith.addi %parallel_loop3A_91, %parallel_loop3A_428 : i32
        %parallel_loop3A_430 = arith.index_cast %parallel_loop3A_429 : i32 to index
        %parallel_loop3A_431 = arith.constant 48 : index
        %parallel_loop3A_432 = tpu.vector_load %arg10[%parallel_loop3A_430, %parallel_loop3A_431] {strides = array<i32>} : memref<400x64xf32, #tpu.memory_space<vmem>>, vector<1x16xf32>,
        %parallel_loop3A_433 = vector.shape_cast %parallel_loop3A_432 : vector<1x16xf32> to vector<16xf32>
        %parallel_loop3A_434 = vector.shape_cast %parallel_loop3A_220 : vector<16xf32> to vector<1x16xf32>
        tpu.vector_store %arg10[%parallel_loop3A_430, %parallel_loop3A_431], %parallel_loop3A_434 {add = true, strides = array<i32>} : memref<400x64xf32, #tpu.memory_space<vmem>>, vector<1x16xf32>,
        %parallel_loop3A_435 = arith.constant 7 : i32
        %parallel_loop3A_436 = arith.addi %parallel_loop3A_91, %parallel_loop3A_435 : i32
        %parallel_loop3A_437 = arith.index_cast %parallel_loop3A_436 : i32 to index
        %parallel_loop3A_438 = arith.constant 0 : index
        %parallel_loop3A_439 = tpu.vector_load %arg10[%parallel_loop3A_437, %parallel_loop3A_438] {strides = array<i32>} : memref<400x64xf32, #tpu.memory_space<vmem>>, vector<1x16xf32>,
        %parallel_loop3A_440 = vector.shape_cast %parallel_loop3A_439 : vector<1x16xf32> to vector<16xf32>
        %parallel_loop3A_441 = vector.shape_cast %parallel_loop3A_226 : vector<16xf32> to vector<1x16xf32>
        tpu.vector_store %arg10[%parallel_loop3A_437, %parallel_loop3A_438], %parallel_loop3A_441 {add = true, strides = array<i32>} : memref<400x64xf32, #tpu.memory_space<vmem>>, vector<1x16xf32>,
        %parallel_loop3A_442 = arith.constant 7 : i32
        %parallel_loop3A_443 = arith.addi %parallel_loop3A_91, %parallel_loop3A_442 : i32
        %parallel_loop3A_444 = arith.index_cast %parallel_loop3A_443 : i32 to index
        %parallel_loop3A_445 = arith.constant 16 : index
        %parallel_loop3A_446 = tpu.vector_load %arg10[%parallel_loop3A_444, %parallel_loop3A_445] {strides = array<i32>} : memref<400x64xf32, #tpu.memory_space<vmem>>, vector<1x16xf32>,
        %parallel_loop3A_447 = vector.shape_cast %parallel_loop3A_446 : vector<1x16xf32> to vector<16xf32>
        %parallel_loop3A_448 = vector.shape_cast %parallel_loop3A_230 : vector<16xf32> to vector<1x16xf32>
        tpu.vector_store %arg10[%parallel_loop3A_444, %parallel_loop3A_445], %parallel_loop3A_448 {add = true, strides = array<i32>} : memref<400x64xf32, #tpu.memory_space<vmem>>, vector<1x16xf32>,
        %parallel_loop3A_449 = arith.constant 7 : i32
        %parallel_loop3A_450 = arith.addi %parallel_loop3A_91, %parallel_loop3A_449 : i32
        %parallel_loop3A_451 = arith.index_cast %parallel_loop3A_450 : i32 to index
        %parallel_loop3A_452 = arith.constant 32 : index
        %parallel_loop3A_453 = tpu.vector_load %arg10[%parallel_loop3A_451, %parallel_loop3A_452] {strides = array<i32>} : memref<400x64xf32, #tpu.memory_space<vmem>>, vector<1x16xf32>,
        %parallel_loop3A_454 = vector.shape_cast %parallel_loop3A_453 : vector<1x16xf32> to vector<16xf32>
        %parallel_loop3A_455 = vector.shape_cast %parallel_loop3A_234 : vector<16xf32> to vector<1x16xf32>
        tpu.vector_store %arg10[%parallel_loop3A_451, %parallel_loop3A_452], %parallel_loop3A_455 {add = true, strides = array<i32>} : memref<400x64xf32, #tpu.memory_space<vmem>>, vector<1x16xf32>,
        %parallel_loop3A_456 = arith.constant 7 : i32
        %parallel_loop3A_457 = arith.addi %parallel_loop3A_91, %parallel_loop3A_456 : i32
        %parallel_loop3A_458 = arith.index_cast %parallel_loop3A_457 : i32 to index
        %parallel_loop3A_459 = arith.constant 48 : index
        %parallel_loop3A_460 = tpu.vector_load %arg10[%parallel_loop3A_458, %parallel_loop3A_459] {strides = array<i32>} : memref<400x64xf32, #tpu.memory_space<vmem>>, vector<1x16xf32>,
        %parallel_loop3A_461 = vector.shape_cast %parallel_loop3A_460 : vector<1x16xf32> to vector<16xf32>
        %parallel_loop3A_462 = vector.shape_cast %parallel_loop3A_238 : vector<16xf32> to vector<1x16xf32>
        tpu.vector_store %arg10[%parallel_loop3A_458, %parallel_loop3A_459], %parallel_loop3A_462 {add = true, strides = array<i32>} : memref<400x64xf32, #tpu.memory_space<vmem>>, vector<1x16xf32>,
        %parallel_loop3A_463 = vector.extract_strided_slice %parallel_loop3A_94 {offsets = [8], sizes = [1], strides = [1]} : vector<16xi32> to vector<1xi32>
        %parallel_loop3A_464 = vector.extract %parallel_loop3A_463[0] : i32 from vector<1xi32>
        %parallel_loop3A_465 = arith.index_cast %parallel_loop3A_464 : i32 to index
        %parallel_loop3A_466 = arith.constant 0 : index
        %parallel_loop3A_467 = tpu.vector_load %arg6[%parallel_loop3A_465, %parallel_loop3A_466] {strides = array<i32>} : memref<64x64xf32, #tpu.memory_space<vmem>>, vector<1x16xf32>,
        %parallel_loop3A_468 = vector.shape_cast %parallel_loop3A_467 : vector<1x16xf32> to vector<16xf32>
        %parallel_loop3A_469 = arith.index_cast %parallel_loop3A_464 : i32 to index
        %parallel_loop3A_470 = arith.constant 16 : index
        %parallel_loop3A_471 = tpu.vector_load %arg6[%parallel_loop3A_469, %parallel_loop3A_470] {strides = array<i32>} : memref<64x64xf32, #tpu.memory_space<vmem>>, vector<1x16xf32>,
        %parallel_loop3A_472 = vector.shape_cast %parallel_loop3A_471 : vector<1x16xf32> to vector<16xf32>
        %parallel_loop3A_473 = arith.index_cast %parallel_loop3A_464 : i32 to index
        %parallel_loop3A_474 = arith.constant 32 : index
        %parallel_loop3A_475 = tpu.vector_load %arg6[%parallel_loop3A_473, %parallel_loop3A_474] {strides = array<i32>} : memref<64x64xf32, #tpu.memory_space<vmem>>, vector<1x16xf32>,
        %parallel_loop3A_476 = vector.shape_cast %parallel_loop3A_475 : vector<1x16xf32> to vector<16xf32>
        %parallel_loop3A_477 = arith.index_cast %parallel_loop3A_464 : i32 to index
        %parallel_loop3A_478 = arith.constant 48 : index
        %parallel_loop3A_479 = tpu.vector_load %arg6[%parallel_loop3A_477, %parallel_loop3A_478] {strides = array<i32>} : memref<64x64xf32, #tpu.memory_space<vmem>>, vector<1x16xf32>,
        %parallel_loop3A_480 = vector.shape_cast %parallel_loop3A_479 : vector<1x16xf32> to vector<16xf32>
        %parallel_loop3A_481 = vector.extract_strided_slice %parallel_loop3A_94 {offsets = [9], sizes = [1], strides = [1]} : vector<16xi32> to vector<1xi32>
        %parallel_loop3A_482 = vector.extract %parallel_loop3A_481[0] : i32 from vector<1xi32>
        %parallel_loop3A_483 = arith.index_cast %parallel_loop3A_482 : i32 to index
        %parallel_loop3A_484 = arith.constant 0 : index
        %parallel_loop3A_485 = tpu.vector_load %arg6[%parallel_loop3A_483, %parallel_loop3A_484] {strides = array<i32>} : memref<64x64xf32, #tpu.memory_space<vmem>>, vector<1x16xf32>,
        %parallel_loop3A_486 = vector.shape_cast %parallel_loop3A_485 : vector<1x16xf32> to vector<16xf32>
        %parallel_loop3A_487 = arith.index_cast %parallel_loop3A_482 : i32 to index
        %parallel_loop3A_488 = arith.constant 16 : index
        %parallel_loop3A_489 = tpu.vector_load %arg6[%parallel_loop3A_487, %parallel_loop3A_488] {strides = array<i32>} : memref<64x64xf32, #tpu.memory_space<vmem>>, vector<1x16xf32>,
        %parallel_loop3A_490 = vector.shape_cast %parallel_loop3A_489 : vector<1x16xf32> to vector<16xf32>
        %parallel_loop3A_491 = arith.index_cast %parallel_loop3A_482 : i32 to index
        %parallel_loop3A_492 = arith.constant 32 : index
        %parallel_loop3A_493 = tpu.vector_load %arg6[%parallel_loop3A_491, %parallel_loop3A_492] {strides = array<i32>} : memref<64x64xf32, #tpu.memory_space<vmem>>, vector<1x16xf32>,
        %parallel_loop3A_494 = vector.shape_cast %parallel_loop3A_493 : vector<1x16xf32> to vector<16xf32>
        %parallel_loop3A_495 = arith.index_cast %parallel_loop3A_482 : i32 to index
        %parallel_loop3A_496 = arith.constant 48 : index
        %parallel_loop3A_497 = tpu.vector_load %arg6[%parallel_loop3A_495, %parallel_loop3A_496] {strides = array<i32>} : memref<64x64xf32, #tpu.memory_space<vmem>>, vector<1x16xf32>,
        %parallel_loop3A_498 = vector.shape_cast %parallel_loop3A_497 : vector<1x16xf32> to vector<16xf32>
        %parallel_loop3A_499 = vector.extract_strided_slice %parallel_loop3A_94 {offsets = [10], sizes = [1], strides = [1]} : vector<16xi32> to vector<1xi32>
        %parallel_loop3A_500 = vector.extract %parallel_loop3A_499[0] : i32 from vector<1xi32>
        %parallel_loop3A_501 = arith.index_cast %parallel_loop3A_500 : i32 to index
        %parallel_loop3A_502 = arith.constant 0 : index
        %parallel_loop3A_503 = tpu.vector_load %arg6[%parallel_loop3A_501, %parallel_loop3A_502] {strides = array<i32>} : memref<64x64xf32, #tpu.memory_space<vmem>>, vector<1x16xf32>,
        %parallel_loop3A_504 = vector.shape_cast %parallel_loop3A_503 : vector<1x16xf32> to vector<16xf32>
        %parallel_loop3A_505 = arith.index_cast %parallel_loop3A_500 : i32 to index
        %parallel_loop3A_506 = arith.constant 16 : index
        %parallel_loop3A_507 = tpu.vector_load %arg6[%parallel_loop3A_505, %parallel_loop3A_506] {strides = array<i32>} : memref<64x64xf32, #tpu.memory_space<vmem>>, vector<1x16xf32>,
        %parallel_loop3A_508 = vector.shape_cast %parallel_loop3A_507 : vector<1x16xf32> to vector<16xf32>
        %parallel_loop3A_509 = arith.index_cast %parallel_loop3A_500 : i32 to index
        %parallel_loop3A_510 = arith.constant 32 : index
        %parallel_loop3A_511 = tpu.vector_load %arg6[%parallel_loop3A_509, %parallel_loop3A_510] {strides = array<i32>} : memref<64x64xf32, #tpu.memory_space<vmem>>, vector<1x16xf32>,
        %parallel_loop3A_512 = vector.shape_cast %parallel_loop3A_511 : vector<1x16xf32> to vector<16xf32>
        %parallel_loop3A_513 = arith.index_cast %parallel_loop3A_500 : i32 to index
        %parallel_loop3A_514 = arith.constant 48 : index
        %parallel_loop3A_515 = tpu.vector_load %arg6[%parallel_loop3A_513, %parallel_loop3A_514] {strides = array<i32>} : memref<64x64xf32, #tpu.memory_space<vmem>>, vector<1x16xf32>,
        %parallel_loop3A_516 = vector.shape_cast %parallel_loop3A_515 : vector<1x16xf32> to vector<16xf32>
        %parallel_loop3A_517 = vector.extract_strided_slice %parallel_loop3A_94 {offsets = [11], sizes = [1], strides = [1]} : vector<16xi32> to vector<1xi32>
        %parallel_loop3A_518 = vector.extract %parallel_loop3A_517[0] : i32 from vector<1xi32>
        %parallel_loop3A_519 = arith.index_cast %parallel_loop3A_518 : i32 to index
        %parallel_loop3A_520 = arith.constant 0 : index
        %parallel_loop3A_521 = tpu.vector_load %arg6[%parallel_loop3A_519, %parallel_loop3A_520] {strides = array<i32>} : memref<64x64xf32, #tpu.memory_space<vmem>>, vector<1x16xf32>,
        %parallel_loop3A_522 = vector.shape_cast %parallel_loop3A_521 : vector<1x16xf32> to vector<16xf32>
        %parallel_loop3A_523 = arith.index_cast %parallel_loop3A_518 : i32 to index
        %parallel_loop3A_524 = arith.constant 16 : index
        %parallel_loop3A_525 = tpu.vector_load %arg6[%parallel_loop3A_523, %parallel_loop3A_524] {strides = array<i32>} : memref<64x64xf32, #tpu.memory_space<vmem>>, vector<1x16xf32>,
        %parallel_loop3A_526 = vector.shape_cast %parallel_loop3A_525 : vector<1x16xf32> to vector<16xf32>
        %parallel_loop3A_527 = arith.index_cast %parallel_loop3A_518 : i32 to index
        %parallel_loop3A_528 = arith.constant 32 : index
        %parallel_loop3A_529 = tpu.vector_load %arg6[%parallel_loop3A_527, %parallel_loop3A_528] {strides = array<i32>} : memref<64x64xf32, #tpu.memory_space<vmem>>, vector<1x16xf32>,
        %parallel_loop3A_530 = vector.shape_cast %parallel_loop3A_529 : vector<1x16xf32> to vector<16xf32>
        %parallel_loop3A_531 = arith.index_cast %parallel_loop3A_518 : i32 to index
        %parallel_loop3A_532 = arith.constant 48 : index
        %parallel_loop3A_533 = tpu.vector_load %arg6[%parallel_loop3A_531, %parallel_loop3A_532] {strides = array<i32>} : memref<64x64xf32, #tpu.memory_space<vmem>>, vector<1x16xf32>,
        %parallel_loop3A_534 = vector.shape_cast %parallel_loop3A_533 : vector<1x16xf32> to vector<16xf32>
        %parallel_loop3A_535 = vector.extract_strided_slice %parallel_loop3A_94 {offsets = [12], sizes = [1], strides = [1]} : vector<16xi32> to vector<1xi32>
        %parallel_loop3A_536 = vector.extract %parallel_loop3A_535[0] : i32 from vector<1xi32>
        %parallel_loop3A_537 = arith.index_cast %parallel_loop3A_536 : i32 to index
        %parallel_loop3A_538 = arith.constant 0 : index
        %parallel_loop3A_539 = tpu.vector_load %arg6[%parallel_loop3A_537, %parallel_loop3A_538] {strides = array<i32>} : memref<64x64xf32, #tpu.memory_space<vmem>>, vector<1x16xf32>,
        %parallel_loop3A_540 = vector.shape_cast %parallel_loop3A_539 : vector<1x16xf32> to vector<16xf32>
        %parallel_loop3A_541 = arith.index_cast %parallel_loop3A_536 : i32 to index
        %parallel_loop3A_542 = arith.constant 16 : index
        %parallel_loop3A_543 = tpu.vector_load %arg6[%parallel_loop3A_541, %parallel_loop3A_542] {strides = array<i32>} : memref<64x64xf32, #tpu.memory_space<vmem>>, vector<1x16xf32>,
        %parallel_loop3A_544 = vector.shape_cast %parallel_loop3A_543 : vector<1x16xf32> to vector<16xf32>
        %parallel_loop3A_545 = arith.index_cast %parallel_loop3A_536 : i32 to index
        %parallel_loop3A_546 = arith.constant 32 : index
        %parallel_loop3A_547 = tpu.vector_load %arg6[%parallel_loop3A_545, %parallel_loop3A_546] {strides = array<i32>} : memref<64x64xf32, #tpu.memory_space<vmem>>, vector<1x16xf32>,
        %parallel_loop3A_548 = vector.shape_cast %parallel_loop3A_547 : vector<1x16xf32> to vector<16xf32>
        %parallel_loop3A_549 = arith.index_cast %parallel_loop3A_536 : i32 to index
        %parallel_loop3A_550 = arith.constant 48 : index
        %parallel_loop3A_551 = tpu.vector_load %arg6[%parallel_loop3A_549, %parallel_loop3A_550] {strides = array<i32>} : memref<64x64xf32, #tpu.memory_space<vmem>>, vector<1x16xf32>,
        %parallel_loop3A_552 = vector.shape_cast %parallel_loop3A_551 : vector<1x16xf32> to vector<16xf32>
        %parallel_loop3A_553 = vector.extract_strided_slice %parallel_loop3A_94 {offsets = [13], sizes = [1], strides = [1]} : vector<16xi32> to vector<1xi32>
        %parallel_loop3A_554 = vector.extract %parallel_loop3A_553[0] : i32 from vector<1xi32>
        %parallel_loop3A_555 = arith.index_cast %parallel_loop3A_554 : i32 to index
        %parallel_loop3A_556 = arith.constant 0 : index
        %parallel_loop3A_557 = tpu.vector_load %arg6[%parallel_loop3A_555, %parallel_loop3A_556] {strides = array<i32>} : memref<64x64xf32, #tpu.memory_space<vmem>>, vector<1x16xf32>,
        %parallel_loop3A_558 = vector.shape_cast %parallel_loop3A_557 : vector<1x16xf32> to vector<16xf32>
        %parallel_loop3A_559 = arith.index_cast %parallel_loop3A_554 : i32 to index
        %parallel_loop3A_560 = arith.constant 16 : index
        %parallel_loop3A_561 = tpu.vector_load %arg6[%parallel_loop3A_559, %parallel_loop3A_560] {strides = array<i32>} : memref<64x64xf32, #tpu.memory_space<vmem>>, vector<1x16xf32>,
        %parallel_loop3A_562 = vector.shape_cast %parallel_loop3A_561 : vector<1x16xf32> to vector<16xf32>
        %parallel_loop3A_563 = arith.index_cast %parallel_loop3A_554 : i32 to index
        %parallel_loop3A_564 = arith.constant 32 : index
        %parallel_loop3A_565 = tpu.vector_load %arg6[%parallel_loop3A_563, %parallel_loop3A_564] {strides = array<i32>} : memref<64x64xf32, #tpu.memory_space<vmem>>, vector<1x16xf32>,
        %parallel_loop3A_566 = vector.shape_cast %parallel_loop3A_565 : vector<1x16xf32> to vector<16xf32>
        %parallel_loop3A_567 = arith.index_cast %parallel_loop3A_554 : i32 to index
        %parallel_loop3A_568 = arith.constant 48 : index
        %parallel_loop3A_569 = tpu.vector_load %arg6[%parallel_loop3A_567, %parallel_loop3A_568] {strides = array<i32>} : memref<64x64xf32, #tpu.memory_space<vmem>>, vector<1x16xf32>,
        %parallel_loop3A_570 = vector.shape_cast %parallel_loop3A_569 : vector<1x16xf32> to vector<16xf32>
        %parallel_loop3A_571 = vector.extract_strided_slice %parallel_loop3A_94 {offsets = [14], sizes = [1], strides = [1]} : vector<16xi32> to vector<1xi32>
        %parallel_loop3A_572 = vector.extract %parallel_loop3A_571[0] : i32 from vector<1xi32>
        %parallel_loop3A_573 = arith.index_cast %parallel_loop3A_572 : i32 to index
        %parallel_loop3A_574 = arith.constant 0 : index
        %parallel_loop3A_575 = tpu.vector_load %arg6[%parallel_loop3A_573, %parallel_loop3A_574] {strides = array<i32>} : memref<64x64xf32, #tpu.memory_space<vmem>>, vector<1x16xf32>,
        %parallel_loop3A_576 = vector.shape_cast %parallel_loop3A_575 : vector<1x16xf32> to vector<16xf32>
        %parallel_loop3A_577 = arith.index_cast %parallel_loop3A_572 : i32 to index
        %parallel_loop3A_578 = arith.constant 16 : index
        %parallel_loop3A_579 = tpu.vector_load %arg6[%parallel_loop3A_577, %parallel_loop3A_578] {strides = array<i32>} : memref<64x64xf32, #tpu.memory_space<vmem>>, vector<1x16xf32>,
        %parallel_loop3A_580 = vector.shape_cast %parallel_loop3A_579 : vector<1x16xf32> to vector<16xf32>
        %parallel_loop3A_581 = arith.index_cast %parallel_loop3A_572 : i32 to index
        %parallel_loop3A_582 = arith.constant 32 : index
        %parallel_loop3A_583 = tpu.vector_load %arg6[%parallel_loop3A_581, %parallel_loop3A_582] {strides = array<i32>} : memref<64x64xf32, #tpu.memory_space<vmem>>, vector<1x16xf32>,
        %parallel_loop3A_584 = vector.shape_cast %parallel_loop3A_583 : vector<1x16xf32> to vector<16xf32>
        %parallel_loop3A_585 = arith.index_cast %parallel_loop3A_572 : i32 to index
        %parallel_loop3A_586 = arith.constant 48 : index
        %parallel_loop3A_587 = tpu.vector_load %arg6[%parallel_loop3A_585, %parallel_loop3A_586] {strides = array<i32>} : memref<64x64xf32, #tpu.memory_space<vmem>>, vector<1x16xf32>,
        %parallel_loop3A_588 = vector.shape_cast %parallel_loop3A_587 : vector<1x16xf32> to vector<16xf32>
        %parallel_loop3A_589 = vector.extract_strided_slice %parallel_loop3A_94 {offsets = [15], sizes = [1], strides = [1]} : vector<16xi32> to vector<1xi32>
        %parallel_loop3A_590 = vector.extract %parallel_loop3A_589[0] : i32 from vector<1xi32>
        %parallel_loop3A_591 = arith.index_cast %parallel_loop3A_590 : i32 to index
        %parallel_loop3A_592 = arith.constant 0 : index
        %parallel_loop3A_593 = tpu.vector_load %arg6[%parallel_loop3A_591, %parallel_loop3A_592] {strides = array<i32>} : memref<64x64xf32, #tpu.memory_space<vmem>>, vector<1x16xf32>,
        %parallel_loop3A_594 = vector.shape_cast %parallel_loop3A_593 : vector<1x16xf32> to vector<16xf32>
        %parallel_loop3A_595 = arith.index_cast %parallel_loop3A_590 : i32 to index
        %parallel_loop3A_596 = arith.constant 16 : index
        %parallel_loop3A_597 = tpu.vector_load %arg6[%parallel_loop3A_595, %parallel_loop3A_596] {strides = array<i32>} : memref<64x64xf32, #tpu.memory_space<vmem>>, vector<1x16xf32>,
        %parallel_loop3A_598 = vector.shape_cast %parallel_loop3A_597 : vector<1x16xf32> to vector<16xf32>
        %parallel_loop3A_599 = arith.index_cast %parallel_loop3A_590 : i32 to index
        %parallel_loop3A_600 = arith.constant 32 : index
        %parallel_loop3A_601 = tpu.vector_load %arg6[%parallel_loop3A_599, %parallel_loop3A_600] {strides = array<i32>} : memref<64x64xf32, #tpu.memory_space<vmem>>, vector<1x16xf32>,
        %parallel_loop3A_602 = vector.shape_cast %parallel_loop3A_601 : vector<1x16xf32> to vector<16xf32>
        %parallel_loop3A_603 = arith.index_cast %parallel_loop3A_590 : i32 to index
        %parallel_loop3A_604 = arith.constant 48 : index
        %parallel_loop3A_605 = tpu.vector_load %arg6[%parallel_loop3A_603, %parallel_loop3A_604] {strides = array<i32>} : memref<64x64xf32, #tpu.memory_space<vmem>>, vector<1x16xf32>,
        %parallel_loop3A_606 = vector.shape_cast %parallel_loop3A_605 : vector<1x16xf32> to vector<16xf32>
        %parallel_loop3A_607 = arith.constant 8 : i32
        %parallel_loop3A_608 = arith.addi %parallel_loop3A_91, %parallel_loop3A_607 : i32
        %parallel_loop3A_609 = arith.index_cast %parallel_loop3A_608 : i32 to index
        %parallel_loop3A_610 = arith.constant 0 : index
        %parallel_loop3A_611 = tpu.vector_load %arg10[%parallel_loop3A_609, %parallel_loop3A_610] {strides = array<i32>} : memref<400x64xf32, #tpu.memory_space<vmem>>, vector<1x16xf32>,
        %parallel_loop3A_612 = vector.shape_cast %parallel_loop3A_611 : vector<1x16xf32> to vector<16xf32>
        %parallel_loop3A_613 = vector.shape_cast %parallel_loop3A_468 : vector<16xf32> to vector<1x16xf32>
        tpu.vector_store %arg10[%parallel_loop3A_609, %parallel_loop3A_610], %parallel_loop3A_613 {add = true, strides = array<i32>} : memref<400x64xf32, #tpu.memory_space<vmem>>, vector<1x16xf32>,
        %parallel_loop3A_614 = arith.constant 8 : i32
        %parallel_loop3A_615 = arith.addi %parallel_loop3A_91, %parallel_loop3A_614 : i32
        %parallel_loop3A_616 = arith.index_cast %parallel_loop3A_615 : i32 to index
        %parallel_loop3A_617 = arith.constant 16 : index
        %parallel_loop3A_618 = tpu.vector_load %arg10[%parallel_loop3A_616, %parallel_loop3A_617] {strides = array<i32>} : memref<400x64xf32, #tpu.memory_space<vmem>>, vector<1x16xf32>,
        %parallel_loop3A_619 = vector.shape_cast %parallel_loop3A_618 : vector<1x16xf32> to vector<16xf32>
        %parallel_loop3A_620 = vector.shape_cast %parallel_loop3A_472 : vector<16xf32> to vector<1x16xf32>
        tpu.vector_store %arg10[%parallel_loop3A_616, %parallel_loop3A_617], %parallel_loop3A_620 {add = true, strides = array<i32>} : memref<400x64xf32, #tpu.memory_space<vmem>>, vector<1x16xf32>,
        %parallel_loop3A_621 = arith.constant 8 : i32
        %parallel_loop3A_622 = arith.addi %parallel_loop3A_91, %parallel_loop3A_621 : i32
        %parallel_loop3A_623 = arith.index_cast %parallel_loop3A_622 : i32 to index
        %parallel_loop3A_624 = arith.constant 32 : index
        %parallel_loop3A_625 = tpu.vector_load %arg10[%parallel_loop3A_623, %parallel_loop3A_624] {strides = array<i32>} : memref<400x64xf32, #tpu.memory_space<vmem>>, vector<1x16xf32>,
        %parallel_loop3A_626 = vector.shape_cast %parallel_loop3A_625 : vector<1x16xf32> to vector<16xf32>
        %parallel_loop3A_627 = vector.shape_cast %parallel_loop3A_476 : vector<16xf32> to vector<1x16xf32>
        tpu.vector_store %arg10[%parallel_loop3A_623, %parallel_loop3A_624], %parallel_loop3A_627 {add = true, strides = array<i32>} : memref<400x64xf32, #tpu.memory_space<vmem>>, vector<1x16xf32>,
        %parallel_loop3A_628 = arith.constant 8 : i32
        %parallel_loop3A_629 = arith.addi %parallel_loop3A_91, %parallel_loop3A_628 : i32
        %parallel_loop3A_630 = arith.index_cast %parallel_loop3A_629 : i32 to index
        %parallel_loop3A_631 = arith.constant 48 : index
        %parallel_loop3A_632 = tpu.vector_load %arg10[%parallel_loop3A_630, %parallel_loop3A_631] {strides = array<i32>} : memref<400x64xf32, #tpu.memory_space<vmem>>, vector<1x16xf32>,
        %parallel_loop3A_633 = vector.shape_cast %parallel_loop3A_632 : vector<1x16xf32> to vector<16xf32>
        %parallel_loop3A_634 = vector.shape_cast %parallel_loop3A_480 : vector<16xf32> to vector<1x16xf32>
        tpu.vector_store %arg10[%parallel_loop3A_630, %parallel_loop3A_631], %parallel_loop3A_634 {add = true, strides = array<i32>} : memref<400x64xf32, #tpu.memory_space<vmem>>, vector<1x16xf32>,
        %parallel_loop3A_635 = arith.constant 9 : i32
        %parallel_loop3A_636 = arith.addi %parallel_loop3A_91, %parallel_loop3A_635 : i32
        %parallel_loop3A_637 = arith.index_cast %parallel_loop3A_636 : i32 to index
        %parallel_loop3A_638 = arith.constant 0 : index
        %parallel_loop3A_639 = tpu.vector_load %arg10[%parallel_loop3A_637, %parallel_loop3A_638] {strides = array<i32>} : memref<400x64xf32, #tpu.memory_space<vmem>>, vector<1x16xf32>,
        %parallel_loop3A_640 = vector.shape_cast %parallel_loop3A_639 : vector<1x16xf32> to vector<16xf32>
        %parallel_loop3A_641 = vector.shape_cast %parallel_loop3A_486 : vector<16xf32> to vector<1x16xf32>
        tpu.vector_store %arg10[%parallel_loop3A_637, %parallel_loop3A_638], %parallel_loop3A_641 {add = true, strides = array<i32>} : memref<400x64xf32, #tpu.memory_space<vmem>>, vector<1x16xf32>,
        %parallel_loop3A_642 = arith.constant 9 : i32
        %parallel_loop3A_643 = arith.addi %parallel_loop3A_91, %parallel_loop3A_642 : i32
        %parallel_loop3A_644 = arith.index_cast %parallel_loop3A_643 : i32 to index
        %parallel_loop3A_645 = arith.constant 16 : index
        %parallel_loop3A_646 = tpu.vector_load %arg10[%parallel_loop3A_644, %parallel_loop3A_645] {strides = array<i32>} : memref<400x64xf32, #tpu.memory_space<vmem>>, vector<1x16xf32>,
        %parallel_loop3A_647 = vector.shape_cast %parallel_loop3A_646 : vector<1x16xf32> to vector<16xf32>
        %parallel_loop3A_648 = vector.shape_cast %parallel_loop3A_490 : vector<16xf32> to vector<1x16xf32>
        tpu.vector_store %arg10[%parallel_loop3A_644, %parallel_loop3A_645], %parallel_loop3A_648 {add = true, strides = array<i32>} : memref<400x64xf32, #tpu.memory_space<vmem>>, vector<1x16xf32>,
        %parallel_loop3A_649 = arith.constant 9 : i32
        %parallel_loop3A_650 = arith.addi %parallel_loop3A_91, %parallel_loop3A_649 : i32
        %parallel_loop3A_651 = arith.index_cast %parallel_loop3A_650 : i32 to index
        %parallel_loop3A_652 = arith.constant 32 : index
        %parallel_loop3A_653 = tpu.vector_load %arg10[%parallel_loop3A_651, %parallel_loop3A_652] {strides = array<i32>} : memref<400x64xf32, #tpu.memory_space<vmem>>, vector<1x16xf32>,
        %parallel_loop3A_654 = vector.shape_cast %parallel_loop3A_653 : vector<1x16xf32> to vector<16xf32>
        %parallel_loop3A_655 = vector.shape_cast %parallel_loop3A_494 : vector<16xf32> to vector<1x16xf32>
        tpu.vector_store %arg10[%parallel_loop3A_651, %parallel_loop3A_652], %parallel_loop3A_655 {add = true, strides = array<i32>} : memref<400x64xf32, #tpu.memory_space<vmem>>, vector<1x16xf32>,
        %parallel_loop3A_656 = arith.constant 9 : i32
        %parallel_loop3A_657 = arith.addi %parallel_loop3A_91, %parallel_loop3A_656 : i32
        %parallel_loop3A_658 = arith.index_cast %parallel_loop3A_657 : i32 to index
        %parallel_loop3A_659 = arith.constant 48 : index
        %parallel_loop3A_660 = tpu.vector_load %arg10[%parallel_loop3A_658, %parallel_loop3A_659] {strides = array<i32>} : memref<400x64xf32, #tpu.memory_space<vmem>>, vector<1x16xf32>,
        %parallel_loop3A_661 = vector.shape_cast %parallel_loop3A_660 : vector<1x16xf32> to vector<16xf32>
        %parallel_loop3A_662 = vector.shape_cast %parallel_loop3A_498 : vector<16xf32> to vector<1x16xf32>
        tpu.vector_store %arg10[%parallel_loop3A_658, %parallel_loop3A_659], %parallel_loop3A_662 {add = true, strides = array<i32>} : memref<400x64xf32, #tpu.memory_space<vmem>>, vector<1x16xf32>,
        %parallel_loop3A_663 = arith.constant 10 : i32
        %parallel_loop3A_664 = arith.addi %parallel_loop3A_91, %parallel_loop3A_663 : i32
        %parallel_loop3A_665 = arith.index_cast %parallel_loop3A_664 : i32 to index
        %parallel_loop3A_666 = arith.constant 0 : index
        %parallel_loop3A_667 = tpu.vector_load %arg10[%parallel_loop3A_665, %parallel_loop3A_666] {strides = array<i32>} : memref<400x64xf32, #tpu.memory_space<vmem>>, vector<1x16xf32>,
        %parallel_loop3A_668 = vector.shape_cast %parallel_loop3A_667 : vector<1x16xf32> to vector<16xf32>
        %parallel_loop3A_669 = vector.shape_cast %parallel_loop3A_504 : vector<16xf32> to vector<1x16xf32>
        tpu.vector_store %arg10[%parallel_loop3A_665, %parallel_loop3A_666], %parallel_loop3A_669 {add = true, strides = array<i32>} : memref<400x64xf32, #tpu.memory_space<vmem>>, vector<1x16xf32>,
        %parallel_loop3A_670 = arith.constant 10 : i32
        %parallel_loop3A_671 = arith.addi %parallel_loop3A_91, %parallel_loop3A_670 : i32
        %parallel_loop3A_672 = arith.index_cast %parallel_loop3A_671 : i32 to index
        %parallel_loop3A_673 = arith.constant 16 : index
        %parallel_loop3A_674 = tpu.vector_load %arg10[%parallel_loop3A_672, %parallel_loop3A_673] {strides = array<i32>} : memref<400x64xf32, #tpu.memory_space<vmem>>, vector<1x16xf32>,
        %parallel_loop3A_675 = vector.shape_cast %parallel_loop3A_674 : vector<1x16xf32> to vector<16xf32>
        %parallel_loop3A_676 = vector.shape_cast %parallel_loop3A_508 : vector<16xf32> to vector<1x16xf32>
        tpu.vector_store %arg10[%parallel_loop3A_672, %parallel_loop3A_673], %parallel_loop3A_676 {add = true, strides = array<i32>} : memref<400x64xf32, #tpu.memory_space<vmem>>, vector<1x16xf32>,
        %parallel_loop3A_677 = arith.constant 10 : i32
        %parallel_loop3A_678 = arith.addi %parallel_loop3A_91, %parallel_loop3A_677 : i32
        %parallel_loop3A_679 = arith.index_cast %parallel_loop3A_678 : i32 to index
        %parallel_loop3A_680 = arith.constant 32 : index
        %parallel_loop3A_681 = tpu.vector_load %arg10[%parallel_loop3A_679, %parallel_loop3A_680] {strides = array<i32>} : memref<400x64xf32, #tpu.memory_space<vmem>>, vector<1x16xf32>,
        %parallel_loop3A_682 = vector.shape_cast %parallel_loop3A_681 : vector<1x16xf32> to vector<16xf32>
        %parallel_loop3A_683 = vector.shape_cast %parallel_loop3A_512 : vector<16xf32> to vector<1x16xf32>
        tpu.vector_store %arg10[%parallel_loop3A_679, %parallel_loop3A_680], %parallel_loop3A_683 {add = true, strides = array<i32>} : memref<400x64xf32, #tpu.memory_space<vmem>>, vector<1x16xf32>,
        %parallel_loop3A_684 = arith.constant 10 : i32
        %parallel_loop3A_685 = arith.addi %parallel_loop3A_91, %parallel_loop3A_684 : i32
        %parallel_loop3A_686 = arith.index_cast %parallel_loop3A_685 : i32 to index
        %parallel_loop3A_687 = arith.constant 48 : index
        %parallel_loop3A_688 = tpu.vector_load %arg10[%parallel_loop3A_686, %parallel_loop3A_687] {strides = array<i32>} : memref<400x64xf32, #tpu.memory_space<vmem>>, vector<1x16xf32>,
        %parallel_loop3A_689 = vector.shape_cast %parallel_loop3A_688 : vector<1x16xf32> to vector<16xf32>
        %parallel_loop3A_690 = vector.shape_cast %parallel_loop3A_516 : vector<16xf32> to vector<1x16xf32>
        tpu.vector_store %arg10[%parallel_loop3A_686, %parallel_loop3A_687], %parallel_loop3A_690 {add = true, strides = array<i32>} : memref<400x64xf32, #tpu.memory_space<vmem>>, vector<1x16xf32>,
        %parallel_loop3A_691 = arith.constant 11 : i32
        %parallel_loop3A_692 = arith.addi %parallel_loop3A_91, %parallel_loop3A_691 : i32
        %parallel_loop3A_693 = arith.index_cast %parallel_loop3A_692 : i32 to index
        %parallel_loop3A_694 = arith.constant 0 : index
        %parallel_loop3A_695 = tpu.vector_load %arg10[%parallel_loop3A_693, %parallel_loop3A_694] {strides = array<i32>} : memref<400x64xf32, #tpu.memory_space<vmem>>, vector<1x16xf32>,
        %parallel_loop3A_696 = vector.shape_cast %parallel_loop3A_695 : vector<1x16xf32> to vector<16xf32>
        %parallel_loop3A_697 = vector.shape_cast %parallel_loop3A_522 : vector<16xf32> to vector<1x16xf32>
        tpu.vector_store %arg10[%parallel_loop3A_693, %parallel_loop3A_694], %parallel_loop3A_697 {add = true, strides = array<i32>} : memref<400x64xf32, #tpu.memory_space<vmem>>, vector<1x16xf32>,
        %parallel_loop3A_698 = arith.constant 11 : i32
        %parallel_loop3A_699 = arith.addi %parallel_loop3A_91, %parallel_loop3A_698 : i32
        %parallel_loop3A_700 = arith.index_cast %parallel_loop3A_699 : i32 to index
        %parallel_loop3A_701 = arith.constant 16 : index
        %parallel_loop3A_702 = tpu.vector_load %arg10[%parallel_loop3A_700, %parallel_loop3A_701] {strides = array<i32>} : memref<400x64xf32, #tpu.memory_space<vmem>>, vector<1x16xf32>,
        %parallel_loop3A_703 = vector.shape_cast %parallel_loop3A_702 : vector<1x16xf32> to vector<16xf32>
        %parallel_loop3A_704 = vector.shape_cast %parallel_loop3A_526 : vector<16xf32> to vector<1x16xf32>
        tpu.vector_store %arg10[%parallel_loop3A_700, %parallel_loop3A_701], %parallel_loop3A_704 {add = true, strides = array<i32>} : memref<400x64xf32, #tpu.memory_space<vmem>>, vector<1x16xf32>,
        %parallel_loop3A_705 = arith.constant 11 : i32
        %parallel_loop3A_706 = arith.addi %parallel_loop3A_91, %parallel_loop3A_705 : i32
        %parallel_loop3A_707 = arith.index_cast %parallel_loop3A_706 : i32 to index
        %parallel_loop3A_708 = arith.constant 32 : index
        %parallel_loop3A_709 = tpu.vector_load %arg10[%parallel_loop3A_707, %parallel_loop3A_708] {strides = array<i32>} : memref<400x64xf32, #tpu.memory_space<vmem>>, vector<1x16xf32>,
        %parallel_loop3A_710 = vector.shape_cast %parallel_loop3A_709 : vector<1x16xf32> to vector<16xf32>
        %parallel_loop3A_711 = vector.shape_cast %parallel_loop3A_530 : vector<16xf32> to vector<1x16xf32>
        tpu.vector_store %arg10[%parallel_loop3A_707, %parallel_loop3A_708], %parallel_loop3A_711 {add = true, strides = array<i32>} : memref<400x64xf32, #tpu.memory_space<vmem>>, vector<1x16xf32>,
        %parallel_loop3A_712 = arith.constant 11 : i32
        %parallel_loop3A_713 = arith.addi %parallel_loop3A_91, %parallel_loop3A_712 : i32
        %parallel_loop3A_714 = arith.index_cast %parallel_loop3A_713 : i32 to index
        %parallel_loop3A_715 = arith.constant 48 : index
        %parallel_loop3A_716 = tpu.vector_load %arg10[%parallel_loop3A_714, %parallel_loop3A_715] {strides = array<i32>} : memref<400x64xf32, #tpu.memory_space<vmem>>, vector<1x16xf32>,
        %parallel_loop3A_717 = vector.shape_cast %parallel_loop3A_716 : vector<1x16xf32> to vector<16xf32>
        %parallel_loop3A_718 = vector.shape_cast %parallel_loop3A_534 : vector<16xf32> to vector<1x16xf32>
        tpu.vector_store %arg10[%parallel_loop3A_714, %parallel_loop3A_715], %parallel_loop3A_718 {add = true, strides = array<i32>} : memref<400x64xf32, #tpu.memory_space<vmem>>, vector<1x16xf32>,
        %parallel_loop3A_719 = arith.constant 12 : i32
        %parallel_loop3A_720 = arith.addi %parallel_loop3A_91, %parallel_loop3A_719 : i32
        %parallel_loop3A_721 = arith.index_cast %parallel_loop3A_720 : i32 to index
        %parallel_loop3A_722 = arith.constant 0 : index
        %parallel_loop3A_723 = tpu.vector_load %arg10[%parallel_loop3A_721, %parallel_loop3A_722] {strides = array<i32>} : memref<400x64xf32, #tpu.memory_space<vmem>>, vector<1x16xf32>,
        %parallel_loop3A_724 = vector.shape_cast %parallel_loop3A_723 : vector<1x16xf32> to vector<16xf32>
        %parallel_loop3A_725 = vector.shape_cast %parallel_loop3A_540 : vector<16xf32> to vector<1x16xf32>
        tpu.vector_store %arg10[%parallel_loop3A_721, %parallel_loop3A_722], %parallel_loop3A_725 {add = true, strides = array<i32>} : memref<400x64xf32, #tpu.memory_space<vmem>>, vector<1x16xf32>,
        %parallel_loop3A_726 = arith.constant 12 : i32
        %parallel_loop3A_727 = arith.addi %parallel_loop3A_91, %parallel_loop3A_726 : i32
        %parallel_loop3A_728 = arith.index_cast %parallel_loop3A_727 : i32 to index
        %parallel_loop3A_729 = arith.constant 16 : index
        %parallel_loop3A_730 = tpu.vector_load %arg10[%parallel_loop3A_728, %parallel_loop3A_729] {strides = array<i32>} : memref<400x64xf32, #tpu.memory_space<vmem>>, vector<1x16xf32>,
        %parallel_loop3A_731 = vector.shape_cast %parallel_loop3A_730 : vector<1x16xf32> to vector<16xf32>
        %parallel_loop3A_732 = vector.shape_cast %parallel_loop3A_544 : vector<16xf32> to vector<1x16xf32>
        tpu.vector_store %arg10[%parallel_loop3A_728, %parallel_loop3A_729], %parallel_loop3A_732 {add = true, strides = array<i32>} : memref<400x64xf32, #tpu.memory_space<vmem>>, vector<1x16xf32>,
        %parallel_loop3A_733 = arith.constant 12 : i32
        %parallel_loop3A_734 = arith.addi %parallel_loop3A_91, %parallel_loop3A_733 : i32
        %parallel_loop3A_735 = arith.index_cast %parallel_loop3A_734 : i32 to index
        %parallel_loop3A_736 = arith.constant 32 : index
        %parallel_loop3A_737 = tpu.vector_load %arg10[%parallel_loop3A_735, %parallel_loop3A_736] {strides = array<i32>} : memref<400x64xf32, #tpu.memory_space<vmem>>, vector<1x16xf32>,
        %parallel_loop3A_738 = vector.shape_cast %parallel_loop3A_737 : vector<1x16xf32> to vector<16xf32>
        %parallel_loop3A_739 = vector.shape_cast %parallel_loop3A_548 : vector<16xf32> to vector<1x16xf32>
        tpu.vector_store %arg10[%parallel_loop3A_735, %parallel_loop3A_736], %parallel_loop3A_739 {add = true, strides = array<i32>} : memref<400x64xf32, #tpu.memory_space<vmem>>, vector<1x16xf32>,
        %parallel_loop3A_740 = arith.constant 12 : i32
        %parallel_loop3A_741 = arith.addi %parallel_loop3A_91, %parallel_loop3A_740 : i32
        %parallel_loop3A_742 = arith.index_cast %parallel_loop3A_741 : i32 to index
        %parallel_loop3A_743 = arith.constant 48 : index
        %parallel_loop3A_744 = tpu.vector_load %arg10[%parallel_loop3A_742, %parallel_loop3A_743] {strides = array<i32>} : memref<400x64xf32, #tpu.memory_space<vmem>>, vector<1x16xf32>,
        %parallel_loop3A_745 = vector.shape_cast %parallel_loop3A_744 : vector<1x16xf32> to vector<16xf32>
        %parallel_loop3A_746 = vector.shape_cast %parallel_loop3A_552 : vector<16xf32> to vector<1x16xf32>
        tpu.vector_store %arg10[%parallel_loop3A_742, %parallel_loop3A_743], %parallel_loop3A_746 {add = true, strides = array<i32>} : memref<400x64xf32, #tpu.memory_space<vmem>>, vector<1x16xf32>,
        %parallel_loop3A_747 = arith.constant 13 : i32
        %parallel_loop3A_748 = arith.addi %parallel_loop3A_91, %parallel_loop3A_747 : i32
        %parallel_loop3A_749 = arith.index_cast %parallel_loop3A_748 : i32 to index
        %parallel_loop3A_750 = arith.constant 0 : index
        %parallel_loop3A_751 = tpu.vector_load %arg10[%parallel_loop3A_749, %parallel_loop3A_750] {strides = array<i32>} : memref<400x64xf32, #tpu.memory_space<vmem>>, vector<1x16xf32>,
        %parallel_loop3A_752 = vector.shape_cast %parallel_loop3A_751 : vector<1x16xf32> to vector<16xf32>
        %parallel_loop3A_753 = vector.shape_cast %parallel_loop3A_558 : vector<16xf32> to vector<1x16xf32>
        tpu.vector_store %arg10[%parallel_loop3A_749, %parallel_loop3A_750], %parallel_loop3A_753 {add = true, strides = array<i32>} : memref<400x64xf32, #tpu.memory_space<vmem>>, vector<1x16xf32>,
        %parallel_loop3A_754 = arith.constant 13 : i32
        %parallel_loop3A_755 = arith.addi %parallel_loop3A_91, %parallel_loop3A_754 : i32
        %parallel_loop3A_756 = arith.index_cast %parallel_loop3A_755 : i32 to index
        %parallel_loop3A_757 = arith.constant 16 : index
        %parallel_loop3A_758 = tpu.vector_load %arg10[%parallel_loop3A_756, %parallel_loop3A_757] {strides = array<i32>} : memref<400x64xf32, #tpu.memory_space<vmem>>, vector<1x16xf32>,
        %parallel_loop3A_759 = vector.shape_cast %parallel_loop3A_758 : vector<1x16xf32> to vector<16xf32>
        %parallel_loop3A_760 = vector.shape_cast %parallel_loop3A_562 : vector<16xf32> to vector<1x16xf32>
        tpu.vector_store %arg10[%parallel_loop3A_756, %parallel_loop3A_757], %parallel_loop3A_760 {add = true, strides = array<i32>} : memref<400x64xf32, #tpu.memory_space<vmem>>, vector<1x16xf32>,
        %parallel_loop3A_761 = arith.constant 13 : i32
        %parallel_loop3A_762 = arith.addi %parallel_loop3A_91, %parallel_loop3A_761 : i32
        %parallel_loop3A_763 = arith.index_cast %parallel_loop3A_762 : i32 to index
        %parallel_loop3A_764 = arith.constant 32 : index
        %parallel_loop3A_765 = tpu.vector_load %arg10[%parallel_loop3A_763, %parallel_loop3A_764] {strides = array<i32>} : memref<400x64xf32, #tpu.memory_space<vmem>>, vector<1x16xf32>,
        %parallel_loop3A_766 = vector.shape_cast %parallel_loop3A_765 : vector<1x16xf32> to vector<16xf32>
        %parallel_loop3A_767 = vector.shape_cast %parallel_loop3A_566 : vector<16xf32> to vector<1x16xf32>
        tpu.vector_store %arg10[%parallel_loop3A_763, %parallel_loop3A_764], %parallel_loop3A_767 {add = true, strides = array<i32>} : memref<400x64xf32, #tpu.memory_space<vmem>>, vector<1x16xf32>,
        %parallel_loop3A_768 = arith.constant 13 : i32
        %parallel_loop3A_769 = arith.addi %parallel_loop3A_91, %parallel_loop3A_768 : i32
        %parallel_loop3A_770 = arith.index_cast %parallel_loop3A_769 : i32 to index
        %parallel_loop3A_771 = arith.constant 48 : index
        %parallel_loop3A_772 = tpu.vector_load %arg10[%parallel_loop3A_770, %parallel_loop3A_771] {strides = array<i32>} : memref<400x64xf32, #tpu.memory_space<vmem>>, vector<1x16xf32>,
        %parallel_loop3A_773 = vector.shape_cast %parallel_loop3A_772 : vector<1x16xf32> to vector<16xf32>
        %parallel_loop3A_774 = vector.shape_cast %parallel_loop3A_570 : vector<16xf32> to vector<1x16xf32>
        tpu.vector_store %arg10[%parallel_loop3A_770, %parallel_loop3A_771], %parallel_loop3A_774 {add = true, strides = array<i32>} : memref<400x64xf32, #tpu.memory_space<vmem>>, vector<1x16xf32>,
        %parallel_loop3A_775 = arith.constant 14 : i32
        %parallel_loop3A_776 = arith.addi %parallel_loop3A_91, %parallel_loop3A_775 : i32
        %parallel_loop3A_777 = arith.index_cast %parallel_loop3A_776 : i32 to index
        %parallel_loop3A_778 = arith.constant 0 : index
        %parallel_loop3A_779 = tpu.vector_load %arg10[%parallel_loop3A_777, %parallel_loop3A_778] {strides = array<i32>} : memref<400x64xf32, #tpu.memory_space<vmem>>, vector<1x16xf32>,
        %parallel_loop3A_780 = vector.shape_cast %parallel_loop3A_779 : vector<1x16xf32> to vector<16xf32>
        %parallel_loop3A_781 = vector.shape_cast %parallel_loop3A_576 : vector<16xf32> to vector<1x16xf32>
        tpu.vector_store %arg10[%parallel_loop3A_777, %parallel_loop3A_778], %parallel_loop3A_781 {add = true, strides = array<i32>} : memref<400x64xf32, #tpu.memory_space<vmem>>, vector<1x16xf32>,
        %parallel_loop3A_782 = arith.constant 14 : i32
        %parallel_loop3A_783 = arith.addi %parallel_loop3A_91, %parallel_loop3A_782 : i32
        %parallel_loop3A_784 = arith.index_cast %parallel_loop3A_783 : i32 to index
        %parallel_loop3A_785 = arith.constant 16 : index
        %parallel_loop3A_786 = tpu.vector_load %arg10[%parallel_loop3A_784, %parallel_loop3A_785] {strides = array<i32>} : memref<400x64xf32, #tpu.memory_space<vmem>>, vector<1x16xf32>,
        %parallel_loop3A_787 = vector.shape_cast %parallel_loop3A_786 : vector<1x16xf32> to vector<16xf32>
        %parallel_loop3A_788 = vector.shape_cast %parallel_loop3A_580 : vector<16xf32> to vector<1x16xf32>
        tpu.vector_store %arg10[%parallel_loop3A_784, %parallel_loop3A_785], %parallel_loop3A_788 {add = true, strides = array<i32>} : memref<400x64xf32, #tpu.memory_space<vmem>>, vector<1x16xf32>,
        %parallel_loop3A_789 = arith.constant 14 : i32
        %parallel_loop3A_790 = arith.addi %parallel_loop3A_91, %parallel_loop3A_789 : i32
        %parallel_loop3A_791 = arith.index_cast %parallel_loop3A_790 : i32 to index
        %parallel_loop3A_792 = arith.constant 32 : index
        %parallel_loop3A_793 = tpu.vector_load %arg10[%parallel_loop3A_791, %parallel_loop3A_792] {strides = array<i32>} : memref<400x64xf32, #tpu.memory_space<vmem>>, vector<1x16xf32>,
        %parallel_loop3A_794 = vector.shape_cast %parallel_loop3A_793 : vector<1x16xf32> to vector<16xf32>
        %parallel_loop3A_795 = vector.shape_cast %parallel_loop3A_584 : vector<16xf32> to vector<1x16xf32>
        tpu.vector_store %arg10[%parallel_loop3A_791, %parallel_loop3A_792], %parallel_loop3A_795 {add = true, strides = array<i32>} : memref<400x64xf32, #tpu.memory_space<vmem>>, vector<1x16xf32>,
        %parallel_loop3A_796 = arith.constant 14 : i32
        %parallel_loop3A_797 = arith.addi %parallel_loop3A_91, %parallel_loop3A_796 : i32
        %parallel_loop3A_798 = arith.index_cast %parallel_loop3A_797 : i32 to index
        %parallel_loop3A_799 = arith.constant 48 : index
        %parallel_loop3A_800 = tpu.vector_load %arg10[%parallel_loop3A_798, %parallel_loop3A_799] {strides = array<i32>} : memref<400x64xf32, #tpu.memory_space<vmem>>, vector<1x16xf32>,
        %parallel_loop3A_801 = vector.shape_cast %parallel_loop3A_800 : vector<1x16xf32> to vector<16xf32>
        %parallel_loop3A_802 = vector.shape_cast %parallel_loop3A_588 : vector<16xf32> to vector<1x16xf32>
        tpu.vector_store %arg10[%parallel_loop3A_798, %parallel_loop3A_799], %parallel_loop3A_802 {add = true, strides = array<i32>} : memref<400x64xf32, #tpu.memory_space<vmem>>, vector<1x16xf32>,
        %parallel_loop3A_803 = arith.constant 15 : i32
        %parallel_loop3A_804 = arith.addi %parallel_loop3A_91, %parallel_loop3A_803 : i32
        %parallel_loop3A_805 = arith.index_cast %parallel_loop3A_804 : i32 to index
        %parallel_loop3A_806 = arith.constant 0 : index
        %parallel_loop3A_807 = tpu.vector_load %arg10[%parallel_loop3A_805, %parallel_loop3A_806] {strides = array<i32>} : memref<400x64xf32, #tpu.memory_space<vmem>>, vector<1x16xf32>,
        %parallel_loop3A_808 = vector.shape_cast %parallel_loop3A_807 : vector<1x16xf32> to vector<16xf32>
        %parallel_loop3A_809 = vector.shape_cast %parallel_loop3A_594 : vector<16xf32> to vector<1x16xf32>
        tpu.vector_store %arg10[%parallel_loop3A_805, %parallel_loop3A_806], %parallel_loop3A_809 {add = true, strides = array<i32>} : memref<400x64xf32, #tpu.memory_space<vmem>>, vector<1x16xf32>,
        %parallel_loop3A_810 = arith.constant 15 : i32
        %parallel_loop3A_811 = arith.addi %parallel_loop3A_91, %parallel_loop3A_810 : i32
        %parallel_loop3A_812 = arith.index_cast %parallel_loop3A_811 : i32 to index
        %parallel_loop3A_813 = arith.constant 16 : index
        %parallel_loop3A_814 = tpu.vector_load %arg10[%parallel_loop3A_812, %parallel_loop3A_813] {strides = array<i32>} : memref<400x64xf32, #tpu.memory_space<vmem>>, vector<1x16xf32>,
        %parallel_loop3A_815 = vector.shape_cast %parallel_loop3A_814 : vector<1x16xf32> to vector<16xf32>
        %parallel_loop3A_816 = vector.shape_cast %parallel_loop3A_598 : vector<16xf32> to vector<1x16xf32>
        tpu.vector_store %arg10[%parallel_loop3A_812, %parallel_loop3A_813], %parallel_loop3A_816 {add = true, strides = array<i32>} : memref<400x64xf32, #tpu.memory_space<vmem>>, vector<1x16xf32>,
        %parallel_loop3A_817 = arith.constant 15 : i32
        %parallel_loop3A_818 = arith.addi %parallel_loop3A_91, %parallel_loop3A_817 : i32
        %parallel_loop3A_819 = arith.index_cast %parallel_loop3A_818 : i32 to index
        %parallel_loop3A_820 = arith.constant 32 : index
        %parallel_loop3A_821 = tpu.vector_load %arg10[%parallel_loop3A_819, %parallel_loop3A_820] {strides = array<i32>} : memref<400x64xf32, #tpu.memory_space<vmem>>, vector<1x16xf32>,
        %parallel_loop3A_822 = vector.shape_cast %parallel_loop3A_821 : vector<1x16xf32> to vector<16xf32>
        %parallel_loop3A_823 = vector.shape_cast %parallel_loop3A_602 : vector<16xf32> to vector<1x16xf32>
        tpu.vector_store %arg10[%parallel_loop3A_819, %parallel_loop3A_820], %parallel_loop3A_823 {add = true, strides = array<i32>} : memref<400x64xf32, #tpu.memory_space<vmem>>, vector<1x16xf32>,
        %parallel_loop3A_824 = arith.constant 15 : i32
        %parallel_loop3A_825 = arith.addi %parallel_loop3A_91, %parallel_loop3A_824 : i32
        %parallel_loop3A_826 = arith.index_cast %parallel_loop3A_825 : i32 to index
        %parallel_loop3A_827 = arith.constant 48 : index
        %parallel_loop3A_828 = tpu.vector_load %arg10[%parallel_loop3A_826, %parallel_loop3A_827] {strides = array<i32>} : memref<400x64xf32, #tpu.memory_space<vmem>>, vector<1x16xf32>,
        %parallel_loop3A_829 = vector.shape_cast %parallel_loop3A_828 : vector<1x16xf32> to vector<16xf32>
        %parallel_loop3A_830 = vector.shape_cast %parallel_loop3A_606 : vector<16xf32> to vector<1x16xf32>
        tpu.vector_store %arg10[%parallel_loop3A_826, %parallel_loop3A_827], %parallel_loop3A_830 {add = true, strides = array<i32>} : memref<400x64xf32, #tpu.memory_space<vmem>>, vector<1x16xf32>,
      } {sc.loop_unroll_factor = 1 : i64, sc.parallel_access}
      %add3A_75 = arith.constant 1 : i32
      %add3A_76 = arith.addi %mul3A_36, %add3A_75 : i32
      %mul3A_77 = arith.constant 400 : i32
      %mul3A_78 = arith.muli %add3A_76, %mul3A_77 : i32
      %add3A_79 = arith.addi %mul3A_2, %mul3A_78 : i32
      %dma_start3A_80 = arith.constant 0 : i32
      %dma_start3A_81 = tpu.memref_slice %arg5[%add3A_79, %dma_start3A_80] : memref<819200x64xf32, #tpu.memory_space<hbm>> -> memref<400x64xf32, #tpu.memory_space<hbm>>
      %dma_start3A_82 = arith.constant 0 : i32
      %dma_start3A_83 = tpu.memref_slice %arg5[%add3A_79, %dma_start3A_82] : memref<819200x64xf32, #tpu.memory_space<hbm>> -> memref<400x64xf32, #tpu.memory_space<hbm>>
      tpu.enqueue_dma source(%arg10 : memref<400x64xf32, #tpu.memory_space<vmem>>) target(%dma_start3A_83 : memref<400x64xf32, #tpu.memory_space<hbm>>) target_semaphore(%arg14 : memref<!tpu.dma_semaphore, #tpu.memory_space<semaphore_mem>>)
      %add3A_84 = arith.constant 1 : i32
      %add3A_85 = arith.addi %scan3A_34, %add3A_84 : i32
      %lt3A_86 = arith.constant 12 : i32
      %lt3A_87 = arith.cmpi slt, %add3A_85, %lt3A_86 : i32
      %convert_element_type3A_88 = arith.extui %lt3A_87 : i1 to i32
      %cond3A_89 = arith.constant 0 : i32
      %cond3A_90 = arith.cmpi ne, %convert_element_type3A_88, %cond3A_89 : i32
      scf.if %cond3A_90 {
        %dma_wait3A_91 = arith.constant 0 : i32
        %dma_wait3A_92 = arith.constant 0 : i32
        %dma_wait3A_93 = tpu.memref_slice %arg5[%dma_wait3A_91, %dma_wait3A_92] : memref<819200x64xf32, #tpu.memory_space<hbm>> -> memref<400x64xf32, #tpu.memory_space<hbm>>
        %dma_wait3A_94 = arith.constant 0 : i32
        %dma_wait3A_95 = arith.constant 0 : i32
        %dma_wait3A_96 = tpu.memref_slice %arg5[%dma_wait3A_94, %dma_wait3A_95] : memref<819200x64xf32, #tpu.memory_space<hbm>> -> memref<400x64xf32, #tpu.memory_space<hbm>>
        tpu.wait_dma2 semaphore(%arg14 : memref<!tpu.dma_semaphore, #tpu.memory_space<semaphore_mem>>) src(%arg10 : memref<400x64xf32, #tpu.memory_space<vmem>>) dst(%dma_wait3A_96 : memref<400x64xf32, #tpu.memory_space<hbm>>)
        %add3A_97 = arith.constant 1 : i32
        %add3A_98 = arith.addi %mul3A_36, %add3A_97 : i32
        %add3A_99 = arith.constant 2 : i32
        %add3A_100 = arith.addi %add3A_98, %add3A_99 : i32
        %mul3A_101 = arith.constant 400 : i32
        %mul3A_102 = arith.muli %add3A_100, %mul3A_101 : i32
        %add3A_103 = arith.addi %mul3A_2, %mul3A_102 : i32
        %dma_start3A_104 = tpu.memref_slice %arg4[%add3A_103] : memref<819200xi32, #tpu.memory_space<hbm>> -> memref<400xi32, #tpu.memory_space<hbm>>
        %dma_start3A_105 = tpu.memref_slice %arg4[%add3A_103] : memref<819200xi32, #tpu.memory_space<hbm>> -> memref<400xi32, #tpu.memory_space<hbm>>
        tpu.enqueue_dma source(%dma_start3A_105 : memref<400xi32, #tpu.memory_space<hbm>>) target(%arg8 : memref<400xi32, #tpu.memory_space<vmem>>) target_semaphore(%arg12 : memref<!tpu.dma_semaphore, #tpu.memory_space<semaphore_mem>>)
        %dma_start3A_106 = arith.constant 0 : i32
        %dma_start3A_107 = tpu.memref_slice %arg3[%add3A_103, %dma_start3A_106] : memref<819200x64xf32, #tpu.memory_space<hbm>> -> memref<400x64xf32, #tpu.memory_space<hbm>>
        %dma_start3A_108 = arith.constant 0 : i32
        %dma_start3A_109 = tpu.memref_slice %arg3[%add3A_103, %dma_start3A_108] : memref<819200x64xf32, #tpu.memory_space<hbm>> -> memref<400x64xf32, #tpu.memory_space<hbm>>
        tpu.enqueue_dma source(%dma_start3A_109 : memref<400x64xf32, #tpu.memory_space<hbm>>) target(%arg10 : memref<400x64xf32, #tpu.memory_space<vmem>>) target_semaphore(%arg12 : memref<!tpu.dma_semaphore, #tpu.memory_space<semaphore_mem>>)
      } else {
      }
    }
    %scan3A_22 = arith.constant 12 : i32
    %dma_wait3A = arith.constant 0 : i32
    %dma_wait3A_23 = arith.constant 0 : i32
    %dma_wait3A_24 = tpu.memref_slice %arg5[%dma_wait3A, %dma_wait3A_23] : memref<819200x64xf32, #tpu.memory_space<hbm>> -> memref<400x64xf32, #tpu.memory_space<hbm>>
    %dma_wait3A_25 = arith.constant 0 : i32
    %dma_wait3A_26 = arith.constant 0 : i32
    %dma_wait3A_27 = tpu.memref_slice %arg5[%dma_wait3A_25, %dma_wait3A_26] : memref<819200x64xf32, #tpu.memory_space<hbm>> -> memref<400x64xf32, #tpu.memory_space<hbm>>
    tpu.wait_dma2 semaphore(%arg13 : memref<!tpu.dma_semaphore, #tpu.memory_space<semaphore_mem>>) src(%arg9 : memref<400x64xf32, #tpu.memory_space<vmem>>) dst(%dma_wait3A_27 : memref<400x64xf32, #tpu.memory_space<hbm>>)
    %dma_wait3A_28 = arith.constant 0 : i32
    %dma_wait3A_29 = arith.constant 0 : i32
    %dma_wait3A_30 = tpu.memref_slice %arg5[%dma_wait3A_28, %dma_wait3A_29] : memref<819200x64xf32, #tpu.memory_space<hbm>> -> memref<400x64xf32, #tpu.memory_space<hbm>>
    %dma_wait3A_31 = arith.constant 0 : i32
    %dma_wait3A_32 = arith.constant 0 : i32
    %dma_wait3A_33 = tpu.memref_slice %arg5[%dma_wait3A_31, %dma_wait3A_32] : memref<819200x64xf32, #tpu.memory_space<hbm>> -> memref<400x64xf32, #tpu.memory_space<hbm>>
    tpu.wait_dma2 semaphore(%arg14 : memref<!tpu.dma_semaphore, #tpu.memory_space<semaphore_mem>>) src(%arg10 : memref<400x64xf32, #tpu.memory_space<vmem>>) dst(%dma_wait3A_33 : memref<400x64xf32, #tpu.memory_space<hbm>>)
    return
  }
}

module attributes {stable_mosaic.version = 14 : i64} {
  func.func @_proj_body(%arg0: memref<64x64xf32, #tpu.memory_space<vmem>>, %arg1: memref<64x64xf32, #tpu.memory_space<vmem>>, %arg2: memref<1x64xf32, #tpu.memory_space<vmem>>, %arg3: memref<64x64xf32, #tpu.memory_space<vmem>>) attributes {dimension_semantics = [], scalar_prefetch = 0 : i64, scratch_operands = 0 : i64, tpu.core_type = #tpu.core_type<tc>} {
    %get3A = arith.constant 0 : index
    %get3A_0 = arith.constant 0 : index
    %get3A_1 = vector.load %arg0[%get3A, %get3A_0] : memref<64x64xf32, #tpu.memory_space<vmem>>, vector<64x64xf32>
    %get3A_2 = arith.constant 0 : index
    %get3A_3 = arith.constant 0 : index
    %get3A_4 = vector.load %arg1[%get3A_2, %get3A_3] : memref<64x64xf32, #tpu.memory_space<vmem>>, vector<64x64xf32>
    %dot_general3A = arith.constant dense<0.000000e+00> : vector<64x64xf32>
    %dot_general3A_5 = tpu.matmul %get3A_1, %get3A_4, %dot_general3A {dimension_numbers = #tpu.dot_dimension_numbers<[1], [1], [0], [0], [0, 0, 1, 0], [], []>, transpose_lhs_hint = false} : vector<64x64xf32>, vector<64x64xf32>, vector<64x64xf32> -> vector<64x64xf32>
    %get3A_6 = arith.constant 0 : index
    %get3A_7 = arith.constant 0 : index
    %get3A_8 = vector.load %arg2[%get3A_6, %get3A_7] : memref<1x64xf32, #tpu.memory_space<vmem>>, vector<1x64xf32>
    %add3A = vector.broadcast %get3A_8 : vector<1x64xf32> to vector<64x64xf32>
    %add3A_9 = arith.addf %dot_general3A_5, %add3A : vector<64x64xf32>
    %swap3A = arith.constant 0 : index
    %swap3A_10 = arith.constant 0 : index
    %swap3A_11 = vector.load %arg3[%swap3A, %swap3A_10] : memref<64x64xf32, #tpu.memory_space<vmem>>, vector<64x64xf32>
    tpu.vector_store %arg3[%swap3A, %swap3A_10], %add3A_9 {strides = array<i32>} : memref<64x64xf32, #tpu.memory_space<vmem>>, vector<64x64xf32>,
    return
  }
}

module attributes {stable_mosaic.version = 14 : i64} {
  func.func @_tc_body(%arg0: i32, %arg1: memref<64x64xf32, #tpu.memory_space<vmem>>, %arg2: memref<4096x64xf32, #tpu.memory_space<vmem>>, %arg3: memref<1x1x4096xi32, #tpu.memory_space<vmem>>, %arg4: memref<4096x64xf32, #tpu.memory_space<vmem>>) attributes {dimension_semantics = [#tpu.dimension_semantics<arbitrary>], iteration_bounds = array<i64: 125>, scalar_prefetch = 0 : i64, scratch_operands = 0 : i64, tpu.core_type = #tpu.core_type<tc>, window_params = [{pipeline_mode = #tpu.pipeline_mode<synchronous>, transform_indices = @transform_0, window_bounds = array<i64: 64, 64>}, {transform_indices = @transform_1, window_bounds = array<i64: 4096, 64>}, {transform_indices = @transform_2, window_bounds = array<i64: 1, 1, 4096>}, {transform_indices = @transform_3, window_bounds = array<i64: 4096, 64>}]} {
    %get3A = arith.constant 0 : index
    %get3A_0 = arith.constant 0 : index
    %get3A_1 = arith.constant 0 : index
    %get3A_2 = vector.load %arg3[%get3A, %get3A_0, %get3A_1] : memref<1x1x4096xi32, #tpu.memory_space<vmem>>, vector<1x1x4096xi32>
    %get3A_3 = vector.shape_cast %get3A_2 : vector<1x1x4096xi32> to vector<4096xi32>
    %broadcast_in_dim3A = vector.shape_cast %get3A_3 : vector<4096xi32> to vector<4096x1xi32>
    %iota3A = tpu.iota {dimensions = array<i32: 1>} : vector<1x64xi32>
    %eq3A = vector.broadcast %broadcast_in_dim3A : vector<4096x1xi32> to vector<4096x64xi32>
    %eq3A_4 = vector.broadcast %iota3A : vector<1x64xi32> to vector<4096x64xi32>
    %eq3A_5 = arith.cmpi eq, %eq3A, %eq3A_4 : vector<4096x64xi32>
    %convert_element_type3A = arith.extui %eq3A_5 : vector<4096x64xi1> to vector<4096x64xi32>
    %convert_element_type3A_6 = arith.sitofp %convert_element_type3A : vector<4096x64xi32> to vector<4096x64xf32>
    %get3A_7 = arith.constant 0 : index
    %get3A_8 = arith.constant 0 : index
    %get3A_9 = vector.load %arg1[%get3A_7, %get3A_8] : memref<64x64xf32, #tpu.memory_space<vmem>>, vector<64x64xf32>
    %dot_general3A = arith.constant dense<0.000000e+00> : vector<4096x64xf32>
    %dot_general3A_10 = tpu.matmul %convert_element_type3A_6, %get3A_9, %dot_general3A {dimension_numbers = #tpu.dot_dimension_numbers<[1], [0], [0], [1], [0, 0, 1, 1], [], []>, transpose_lhs_hint = false} : vector<4096x64xf32>, vector<64x64xf32>, vector<4096x64xf32> -> vector<4096x64xf32>
    %get3A_11 = arith.constant 0 : index
    %get3A_12 = arith.constant 0 : index
    %get3A_13 = vector.load %arg2[%get3A_11, %get3A_12] : memref<4096x64xf32, #tpu.memory_space<vmem>>, vector<4096x64xf32>
    %add3A = arith.addf %get3A_13, %dot_general3A_10 : vector<4096x64xf32>
    %swap3A = arith.constant 0 : index
    %swap3A_14 = arith.constant 0 : index
    %swap3A_15 = vector.load %arg4[%swap3A, %swap3A_14] : memref<4096x64xf32, #tpu.memory_space<vmem>>, vector<4096x64xf32>
    tpu.vector_store %arg4[%swap3A, %swap3A_14], %add3A {strides = array<i32>} : memref<4096x64xf32, #tpu.memory_space<vmem>>, vector<4096x64xf32>,
    return
  }
  func.func @transform_0(%arg0: i32) -> (i32, i32) {
    %c0_i32 = arith.constant 0 : i32
    %c0_i32_0 = arith.constant 0 : i32
    %c0_i32_1 = arith.constant 0 : i32
    return %c0_i32, %c0_i32_0 : i32, i32
  }
  func.func @transform_1(%arg0: i32) -> (i32, i32) {
    %add3A = arith.constant 75 : i32
    %add3A_0 = arith.addi %add3A, %arg0 : i32
    %c0_i32 = arith.constant 0 : i32
    %c0_i32_1 = arith.constant 0 : i32
    return %add3A_0, %c0_i32 : i32, i32
  }
  func.func @transform_2(%arg0: i32) -> (i32, i32, i32) {
    %add3A = arith.constant 75 : i32
    %add3A_0 = arith.addi %add3A, %arg0 : i32
    %c0_i32 = arith.constant 0 : i32
    %c0_i32_1 = arith.constant 0 : i32
    %c0_i32_2 = arith.constant 0 : i32
    return %add3A_0, %c0_i32, %c0_i32_1 : i32, i32, i32
  }
  func.func @transform_3(%arg0: i32) -> (i32, i32) {
    %c0_i32 = arith.constant 0 : i32
    %c0_i32_0 = arith.constant 0 : i32
    return %arg0, %c0_i32 : i32, i32
  }
}

</mosaic_0001>

<sc_bundles>
// kernel: kernel.5.cloned.1.call-start
scs
__scs_entry_jumppad:
0x0: {  	(pc) =	sbr.rel $0x88, $3  }
0x1: {  	(tag) =	ssettag $0x0;
	lr =	simm.s32 $0x1  }
0x2: {  	[smem:$0x3F9C] =	sst lr;
	_ =	strace $0xD0000000  }
0x3: {  	_ = 	snop  }
0x4: {  	_ = 	snop  }
0x5: {  	_ = 	snop  }
0x6: {  	_ = 	snop  }
0x7: {  	_ = 	snop  }
__scs_overlays_trampoline_lowered:
0x8: {  	[smem:$0x3FAB] =	sst s0  }
0x9: {  	[smem:$0x3FAC] =	sst s1  }
0xa: {  	[smem:$0x3FAD] =	sst s2  }
0xb: {  	[smem:$0x3FAE] =	sst s3  }
0xc: {  	[smem:$0x3FAF] =	sst s4  }
0xd: {  	[smem:$0x3FB0] =	sst s5  }
0xe: {  	[smem:$0x3FB1] =	sst s6  }
0xf: {  	[smem:$0x3FB2] =	sst s7  }
0x10: {  	[smem:$0x3FB3] =	sst s8  }
0x11: {  	[smem:$0x3FB4] =	sst s9;
	s0 =	simm.s32 @!p0 $0x0  }
0x12: {  	s1 =	sld [smem:$0x3F9A];
	s0 =	simm.s32 @p0 $0x1  }
0x13: {  	[smem:$0x3FB5] =	sst s0;
	s0 =	simm.s32 @!p1 $0x0  }
0x14: {  	s2 =	sld [smem:$0x3F99];
	s0 =	simm.s32 @p1 $0x1  }
0x15: {  	[smem:$0x3FB6] =	sst s0;
	s0 =	simm.s32 @!p2 $0x0  }
0x16: {  	s3 =	sld [smem:$0x3FDB];
	s0 =	simm.s32 @p2 $0x1  }
0x17: {  	s4 =	simm.s32 $0x1BF5;
	[smem:$0x3FB8] =	sst s0  }
0x18: {  	s0 =	sld [smem:$0x3F9B];
	_ =	swait.ge [sflag:s4], $0x0  }
0x19: {  	s7 =	sld [smem:$0x3F9C]  }
0x1a: {  	s8 =	sadd.s32 $0xFFFFE003, lr  }
0x1b: {  	s9 =	sadd.s32 $0xFFFFFEF7, lr;
	s5 =	simm.s32 $0xFFFFFFFF;
	p2 =	slt.u32 s8, $0xFFFFF086  }
0x1c: {  	p1 =	slt.u32 s9, $0xF7A;
	s5 =	simm.s32 @!p2 $0x0  }
0x1d: {  	s5 =	simm.s32 @p1 $0x1;
	p0 =	seq.s32 s7, s2  }
0x1e: {  	s7 =	smul.u32 @!p0 $0xF7A, s2;
	p2 =	seq.s32 @!p0 s5, $0x0  }
0x1f: {  	s9 =	smul.u32 $0xF7A, s1;
	s8 =	simm.s32 @!p0 $0x1BF5;
	p2 =	por !p2, p0  }
0x20: {  	[sflag:s8] =	ssyncset.s32 @!p0 $0xFFFFF086;
	s6 =	sadd.s32 @!p0 s3, s7;
	s7 =	simm.s32 @!p0 $0x108  }
0x21: {  	s3 =	sadd.s32 s3, s9;
	s6 =	sadd.s32 @!p0 $0x88, s6;
	s7 =	simm.s32 @p2 $0x1082  }
0x22: {  	[simem:s7], [sflag:s8] =	dma.local @!p0 [hbm:s6], $0xF7A  }
0x23: {  	s9 =	sor.u32 $0xD0000000, s2;
	s6 =	simm.s32 $0x108;
	_ =	swait.ge @!p0 [sflag:s8], $0x0  }
0x24: {  	s3 =	sadd.s32 $0x88, s3;
	s6 =	simm.s32 @!p1 $0x1082;
	[sflag:s4] =	ssyncset.s32 $0xFFFFF086  }
0x25: {  	[simem:s6], [sflag:s4] =	dma.local [hbm:s3], $0xF7A  }
0x26: {  	[smem:$0x3F9C] =	sst s1;
	(tag) =	ssettag s2;
	_ =	strace s9  }
0x27: {  	s1 =	sld [smem:$0x3FAC]  }
0x28: {  	s2 =	sld [smem:$0x3FAD]  }
0x29: {  	s4 =	sld [smem:$0x3FAF]  }
0x2a: {  	p0 =	seq.s32 s5, $0x0;
	s5 =	sld [smem:$0x3FB0]  }
0x2b: {  	s6 =	sld [smem:$0x3FB1]  }
0x2c: {  	s7 =	sld [smem:$0x3FB2]  }
0x2d: {  	s3 =	simm.s32 $0x108;
	s8 =	sld [smem:$0x3FB3]  }
0x2e: {  	s3 =	simm.s32 @!p0 $0x1082;
	s9 =	sld [smem:$0x3FB4]  }
0x2f: {  	lr =	sadd.s32 s0, s3;
	s0 =	sld [smem:$0x3FAB]  }
0x30: {  	s3 =	sld [smem:$0x3FAE]  }
0x31: {  	[smem:$0x3FB7] =	sst s10  }
0x32: {  	s10 =	sld [smem:$0x3FB5];
	_ =	sdelay $0x3  }
0x33: {  	p0 =	seq.s32 s10, $0x1;
	s10 =	sld [smem:$0x3FB7];
	_ =	sdelay $0x3  }
0x34: {  	[smem:$0x3FB7] =	sst s10  }
0x35: {  	s10 =	sld [smem:$0x3FB6];
	_ =	sdelay $0x3  }
0x36: {  	p1 =	seq.s32 s10, $0x1;
	s10 =	sld [smem:$0x3FB7];
	_ =	sdelay $0x3  }
0x37: {  	[smem:$0x3FB7] =	sst s10  }
0x38: {  	s10 =	sld [smem:$0x3FB8]  }
0x39: {  	_ = 	snop;
	(pc) =	sbr.ind lr, $3  }
0x3a: {  	_ = 	snop  }
0x3b: {  	_ = 	snop  }
0x3c: {  	p2 =	seq.s32 s10, $0x1;
	s10 =	sld [smem:$0x3FB7]  }
0x3d: {  	_ =	shalt  }
0x3e: {  	_ =	shalt  }
0x3f: {  	_ =	shalt  }
0x40: {  	_ =	shalt  }
0x41: {  	_ =	shalt  }
0x42: {  	_ =	shalt  }
0x43: {  	_ =	shalt  }
0x44: {  	_ =	shalt  }
0x45: {  	_ =	shalt  }
0x46: {  	_ =	shalt  }
0x47: {  	_ =	shalt  }
0x48: {  	_ =	shalt  }
0x49: {  	_ =	shalt  }
0x4a: {  	_ =	shalt  }
0x4b: {  	_ =	shalt  }
0x4c: {  	_ =	shalt  }
0x4d: {  	_ =	shalt  }
0x4e: {  	_ =	shalt  }
0x4f: {  	_ =	shalt  }
0x50: {  	_ =	shalt  }
0x51: {  	_ =	shalt  }
0x52: {  	_ =	shalt  }
0x53: {  	_ =	shalt  }
0x54: {  	_ =	shalt  }
0x55: {  	_ =	shalt  }
0x56: {  	_ =	shalt  }
0x57: {  	_ =	shalt  }
0x58: {  	_ =	shalt  }
0x59: {  	_ =	shalt  }
0x5a: {  	_ =	shalt  }
0x5b: {  	_ =	shalt  }
0x5c: {  	_ =	shalt  }
0x5d: {  	_ =	shalt  }
0x5e: {  	_ =	shalt  }
0x5f: {  	_ =	shalt  }
0x60: {  	_ =	shalt  }
0x61: {  	_ =	shalt  }
0x62: {  	_ =	shalt  }
0x63: {  	_ =	shalt  }
0x64: {  	_ =	shalt  }
0x65: {  	_ =	shalt  }
0x66: {  	_ =	shalt  }
0x67: {  	_ =	shalt  }
0x68: {  	_ =	shalt  }
0x69: {  	_ =	shalt  }
0x6a: {  	_ =	shalt  }
0x6b: {  	_ =	shalt  }
0x6c: {  	_ =	shalt  }
0x6d: {  	_ =	shalt  }
0x6e: {  	_ =	shalt  }
0x6f: {  	_ =	shalt  }
0x70: {  	_ =	shalt  }
0x71: {  	_ =	shalt  }
0x72: {  	_ =	shalt  }
0x73: {  	_ =	shalt  }
0x74: {  	_ =	shalt  }
0x75: {  	_ =	shalt  }
0x76: {  	_ =	shalt  }
0x77: {  	_ =	shalt  }
0x78: {  	_ =	shalt  }
0x79: {  	_ =	shalt  }
0x7a: {  	_ =	shalt  }
0x7b: {  	_ =	shalt  }
0x7c: {  	_ =	shalt  }
0x7d: {  	_ =	shalt  }
0x7e: {  	_ =	shalt  }
0x7f: {  	_ =	shalt  }
0x80: {  	_ =	shalt  }
0x81: {  	_ =	shalt  }
0x82: {  	_ =	shalt  }
0x83: {  	_ =	shalt  }
0x84: {  	_ =	shalt  }
0x85: {  	_ =	shalt  }
0x86: {  	_ =	shalt  }
0x87: {  	_ =	shalt  }
.Lfunc_end0:
.L_simem_size_0:
called_computation.2_lowered:
.L_overlay_start_0:
0x88: {  	s2 =	sld [smem:$0x3FD9]  }
0x89: {  	s3 =	sld [smem:$0x3FFE];
	_ =	sdelay $0x1  }
0x8a: {  	s1 =	srdreg.scid  }
0x8b: {  	s0 =	sand.u32 $0x1, s1  }
0x8c: {  	s16 =	sshll.u32 s0, $0xA;
	s2 =	sadd.s32 s3, s2  }
0x8d: {  	s2 =	sadd.s32 s2, s16  }
0x8e: {  	[smem:$0x3FC3] =	sst s2  }
0x8f: {  	_ = 	snop  }
0x90: {  	(tm) =	ssettm $0x1  }
0x91: {  	s17 =	sld [smem:$0x3FFB];
	_ =	sdelay $0x3  }
0x92: {  	_ =	strace s17  }
0x93: {  	s2 =	sld [smem:$0x3FFC];
	_ =	sdelay $0x3  }
0x94: {  	_ =	strace s2  }
0x95: {  	s2 =	sld [smem:$0x3FFD];
	_ =	sdelay $0x3  }
0x96: {  	_ =	strace s2  }
0x97: {  	_ =	strace $0x8FFFFFFF  }
0x98: {  	s18 =	sld [smem:$0x3FDB];
	_ =	sdelay $0x1  }
0x99: {  	s19 =	simm.s32 $_scs_section_size  }
0x9a: {  	s4 =	simm.s32 $_size__tile_overlayer_lowered;
	s5 =	simm.s32 $_tile_overlayer_lowered  }
0x9b: {  	s22 =	simm.s32 $0x1BFF;
	s21 =	sshll.u32 s5, $0x1;
	s2 =	sadd.s32 s19, s18  }
0x9c: {  	s6 =	simm.s32 $0x0;
	s20 =	sshll.u32 s4, $0x1;
	s4 =	sadd.s32 s21, s2  }
0x9d: {  	[timem:s6], [sflag:s22] =	dma.local [hbm:s4], s20  }
0x9e: {  	_ =	swait.ge [sflag:s22], s20  }
0x9f: {  	s3 =	ssub.s32 $0x0, s20;
	[sflag:s22] =	ssyncset.done $0x0  }
0xa0: {  	[sflag:s22] =	ssyncadd.s32 s3;
	_ =	sdelay $0x1  }
0xa1: {  	s23 =	simm.s32 $0x1B8B  }
0xa2: {  	_ =	swait.ge [sflag:s23], $0x1  }
0xa3: {  	[sflag:s23] =	ssyncset.done $0x0  }
0xa4: {  	s25 =	simm.s32 $0x1B8E;
	s24 =	sld [smem:$0x3FFE];
	[sflag:s23] =	ssyncadd.s32 $0xFFFFFFFF  }
0xa5: {  	s26 =	simm.s32 $execute0_lowered;
	[smem:$0x3FD2] =	sst s25  }
0xa6: {  	s4 =	sshll.u32 s26, $0x1;
	_ =	strace $0x80000049;
	[dreg:$0x1] =	wrdreg $0xFFFFFFFF  }
0xa7: {  	s28 =	simm.s32 $_size_execute0_lowered;
	s2 =	sadd.s32 s2, s4;
	[dreg:$0x0] =	wrdreg $0x0  }
0xa8: {  	s4 =	sshll.u32 s28, $0x1;
	[dreg:$0x2] =	wrdreg s2  }
0xa9: {  	[dreg:$0x3] =	wrdreg s4  }
0xaa: {  	[dreg:$0x4] =	wrdreg $0xC0  }
0xab: {  	_ =	task [dreg:s6], $0x5FFFF  }
0xac: {  	[dreg:$0x1] =	wrdreg $0xFFFFFFFF  }
0xad: {  	[dreg:$0x0] =	wrdreg $0x60  }
0xae: {  	[dreg:$0x2] =	wrdreg s24  }
0xaf: {  	[dreg:$0x3] =	wrdreg $0x9  }
0xb0: {  	_ =	task.clear_ibuf [dreg:s6], $0x4FFFF;
	_ =	strace $0x90000049  }
0xb1: {  	s29 =	simm.s32 $0x9;
	_ =	strace $0x8000004B  }
0xb2: {  	_ =	swait.ge [sflag:s29], $0x1  }
0xb3: {  	[sflag:s29] =	ssyncadd.s32 $0xFFFFFFFF  }
0xb4: {  	_ =	strace $0x9000004B  }
0xb5: {  	_ =	sfence  }
0xb6: {  	s30 =	sld [smem:$0x0];
	_ =	sdelay $0x2  }
0xb7: {  	s31 =	sshll.u32 s1, $0xD;
	s1 =	sshrl.u32 s1, $0x2  }
0xb8: {  	s3 =	sand.u32 $0x4000, s31;
	s1 =	sadd.s32 s1, s30  }
0xb9: {  	s0 =	sor.u32 s3, s0;
	s1 =	sshll.u32 s1, $0x11  }
0xba: {  	s0 =	sor.u32 s1, s0  }
0xbb: {  	s0 =	sadd.s32 $0x8F2B, s0  }
0xbc: {  	[sflag:s0] =	ssyncadd.remote.s32 $0x1  }
0xbd: {  	_ =	sfence.sel $0xFFFF  }
0xbe: {  	[dreg:$0x0] =	wrdreg $0xFFFFFFFF;
	(pc) =	sbr.abs _section_cstart, $3  }
0xbf: {  	[dreg:$0x1] =	wrdreg $0xFFFFFFFF  }
0xc0: {  	_ =	task.clear_ibuf [dreg:s6], $0x2FFFF;
	_ =	strace $0x9FFFFFFF  }
0xc1: {  	(tm) =	ssettm $0x7FFFFFFF  }
tec
execute0_lowered:
.L_overlay_start_1:
0x0: {  	(tag) =	ssettag $0x1  }
0x1: {  	s7 =	rddreg [dreg:$0x0];
	s2 =	simm.s32 $0x0;
	s3 =	srdreg.scid  }
0x2: {  	s0 =	stileid.u32;
	s16 =	simm.s32 $0x5;
	s17 =	simm.s32 $0x2000  }
0x3: {  	s18 =	simm.s32 $0x2400;
	s19 =	simm.s32 $0x2200;
	s20 =	simm.s32 $0xEC00  }
0x4: {  	s21 =	simm.s32 $0x1;
	s22 =	simm.s32 $0x2;
	s23 =	simm.s32 $0x3  }
0x5: {  	s24 =	simm.s32 $0x4;
	s25 =	simm.s32 $0x0;
	[smem:$0x7FF] =	sst s2  }
0x6: {  	s8 =	sand.u32 $0x1, s3;
	s29 =	sshll.u32 s0, $0x1;
	s3 =	sadd.s32 $0xE1AC00, s7  }
0x7: {  	s4 =	sadd.s32 $0xE1B000, s7;
	s6 =	sadd.s32 $0xE01C00, s7;
	s9 =	sor.u32 s8, s29  }
0x8: {  	s7 =	sadd.s32 $0x1C00, s7;
	s8 =	ssub.s32 $0x2, s8;
	s5 =	smul.u32 $0x2580, s9  }
0x9: {  	_ =	strace $0x8000004A;
	s10 =	sshrl.u32 s8, $0x1;
	s12 =	smul.u32 $0x25800, s9  }
0xa: {  	s15 =	ssub.s32 s8, s10;
	s11 =	sshrl.u32 s5, $0x3;
	s9 =	sadd.s32 $0x190, s5  }
0xb: {  	s10 =	sadd.s32 s4, s12;
	s13 =	sadd.s32 $0x320, s5;
	s14 =	sadd.s32 $0x4B0, s5  }
0xc: {  	s15 =	smax.u32 s15, $0x1;
	s30 =	sshrl.u32 s9, $0x3;
	s31 =	sshll.u32 s9, $0x4  }
0xd: {  	s8 =	sadd.s32 s6, s11;
	s11 =	sadd.s32 s6, s30;
	s12 =	sadd.s32 s4, s31  }
.LBB2_1:
0xe: {  	[tilespmem:s2], [sflag:$0x5] =	stream.linear.gather [hbm4b:s3+s2], $0x2000, $0x38;
	[tilespmem:$0x1B400] =	vst v63  }
0xf: {  	_ =	swait.ge [sflag:s16], $0x2000  }
0x10: {  	[sflag:s16] =	ssyncset.done $0x0  }
0x11: {  	[sflag:s16] =	ssyncadd.s32 $0xFFFFE000  }
0x12: {  	[tilespmem:s17], [sflag:$0x1] =	stream.linear.gather [hbm4b:s8+s2], $0x190, $0x38;
	[tilespmem:$0x1B400] =	vst v63  }
0x13: {  	_ = 	snop  }
0x14: {  	[tilespmem:s18], [sflag:$0x1] =	stream.linear.gather [hbm4b:s10+s2], $0xC800, $0x38;
	[tilespmem:$0x1B400] =	vst v63  }
0x15: {  	_ = 	snop  }
0x16: {  	[tilespmem:s19], [sflag:$0x2] =	stream.linear.gather [hbm4b:s11+s2], $0x190, $0x38;
	[tilespmem:$0x1B400] =	vst v63  }
0x17: {  	s26 =	simm.s32 $0x0  }
0x18: {  	[tilespmem:s20], [sflag:$0x2] =	stream.linear.gather [hbm4b:s12+s2], $0xC800, $0x38;
	[tilespmem:$0x1B400] =	vst v63  }
.LBB2_2:
0x19: {  	_ =	swait.ge [sflag:s21], $0x190  }
0x1a: {  	[sflag:s21] =	ssyncset.done $0x0  }
0x1b: {  	[sflag:s21] =	ssyncadd.s32 $0xFFFFFE70  }
0x1c: {  	_ =	swait.ge [sflag:s21], $0xC800  }
0x1d: {  	[sflag:s21] =	ssyncset.done $0x0  }
0x1e: {  	s28 =	simm.s32 $0x2000;
	[sflag:s21] =	ssyncadd.s32 $0xFFFF3800  }
0x1f: {  	v0 =	vld [tilespmem:s28+$0x0];
	_ =	sdelay $0x4  }
0x20: {  	v0 =	vshll.u32 v0, $0x9  }
0x21: {  	v0 =	vshra.s32 v0, $0x2  }
0x22: {  	(v2sf) =	vpush v0, $0x0;
	_ =	sdelay $0x3  }
0x23: {  	(v2sf) =	vpush v0, $0x1;
	_ =	sdelay $0x3  }
0x24: {  	(v2sf) =	vpush v0, $0x2;
	_ =	sdelay $0x3  }
0x25: {  	(v2sf) =	vpush v0, $0x3;
	_ =	sdelay $0x2  }
0x26: {  	s28 =	spop (v2sf)  }
0x27: {  	(v2sf) =	vpush v0, $0x4;
	v1 =	vld [tilespmem:s28+$0x0]  }
0x28: {  	v2 =	vld [tilespmem:s28+$0x10]  }
0x29: {  	v3 =	vld [tilespmem:s28+$0x20]  }
0x2a: {  	v4 =	vld [tilespmem:s28+$0x30];
	s28 =	spop (v2sf)  }
0x2b: {  	(v2sf) =	vpush v0, $0x5;
	v5 =	vld [tilespmem:s28+$0x0]  }
0x2c: {  	v6 =	vld [tilespmem:s28+$0x10]  }
0x2d: {  	v7 =	vld [tilespmem:s28+$0x20]  }
0x2e: {  	v8 =	vld [tilespmem:s28+$0x30];
	s28 =	spop (v2sf)  }
0x2f: {  	(v2sf) =	vpush v0, $0x6;
	v9 =	vld [tilespmem:s28+$0x0]  }
0x30: {  	v10 =	vld [tilespmem:s28+$0x10]  }
0x31: {  	v11 =	vld [tilespmem:s28+$0x20]  }
0x32: {  	v12 =	vld [tilespmem:s28+$0x30];
	s28 =	spop (v2sf)  }
0x33: {  	(v2sf) =	vpush v0, $0x7;
	v13 =	vld [tilespmem:s28+$0x0]  }
0x34: {  	v14 =	vld [tilespmem:s28+$0x10]  }
0x35: {  	v15 =	vld [tilespmem:s28+$0x20]  }
0x36: {  	v16 =	vld [tilespmem:s28+$0x30];
	s28 =	spop (v2sf)  }
0x37: {  	v17 =	vld [tilespmem:s28+$0x0]  }
0x38: {  	v18 =	vld [tilespmem:s28+$0x10]  }
0x39: {  	v19 =	vld [tilespmem:s28+$0x20]  }
0x3a: {  	v20 =	vld [tilespmem:s28+$0x30];
	s28 =	spop (v2sf)  }
0x3b: {  	v21 =	vld [tilespmem:s28+$0x0]  }
0x3c: {  	v22 =	vld [tilespmem:s28+$0x10]  }
0x3d: {  	v23 =	vld [tilespmem:s28+$0x20]  }
0x3e: {  	v24 =	vld [tilespmem:s28+$0x30];
	s28 =	spop (v2sf)  }
0x3f: {  	v25 =	vld [tilespmem:s28+$0x0]  }
0x40: {  	v26 =	vld [tilespmem:s28+$0x10]  }
0x41: {  	v27 =	vld [tilespmem:s28+$0x20]  }
0x42: {  	v28 =	vld [tilespmem:s28+$0x30];
	s28 =	spop (v2sf)  }
0x43: {  	v29 =	vld [tilespmem:s28+$0x0]  }
0x44: {  	v30 =	vld [tilespmem:s28+$0x10]  }
0x45: {  	v31 =	vld [tilespmem:s28+$0x20]  }
0x46: {  	s29 =	simm.s32 $0x2400;
	v32 =	vld [tilespmem:s28+$0x30]  }
0x47: {  	[tilespmem:s29+$0x0] =	vst.add.f32.msk $0xffff, v1  }
0x48: {  	[tilespmem:s29+$0x10] =	vst.add.f32.msk $0xffff, v2  }
0x49: {  	[tilespmem:s29+$0x20] =	vst.add.f32.msk $0xffff, v3  }
0x4a: {  	[tilespmem:s29+$0x30] =	vst.add.f32.msk $0xffff, v4  }
0x4b: {  	[tilespmem:s29+$0x80] =	vst.add.f32.msk $0xffff, v5  }
0x4c: {  	[tilespmem:s29+$0x90] =	vst.add.f32.msk $0xffff, v6  }
0x4d: {  	[tilespmem:s29+$0xA0] =	vst.add.f32.msk $0xffff, v7  }
0x4e: {  	[tilespmem:s29+$0xB0] =	vst.add.f32.msk $0xffff, v8  }
0x4f: {  	[tilespmem:s29+$0x100] =	vst.add.f32.msk $0xffff, v9  }
0x50: {  	[tilespmem:s29+$0x110] =	vst.add.f32.msk $0xffff, v10  }
0x51: {  	[tilespmem:s29+$0x120] =	vst.add.f32.msk $0xffff, v11  }
0x52: {  	[tilespmem:s29+$0x130] =	vst.add.f32.msk $0xffff, v12  }
0x53: {  	[tilespmem:s29+$0x180] =	vst.add.f32.msk $0xffff, v13  }
0x54: {  	[tilespmem:s29+$0x190] =	vst.add.f32.msk $0xffff, v14  }
0x55: {  	[tilespmem:s29+$0x1A0] =	vst.add.f32.msk $0xffff, v15  }
0x56: {  	[tilespmem:s29+$0x1B0] =	vst.add.f32.msk $0xffff, v16  }
0x57: {  	(v2sf) =	vpush v0, $0x8;
	[tilespmem:s29+$0x200] =	vst.add.f32.msk $0xffff, v17  }
0x58: {  	[tilespmem:s29+$0x210] =	vst.add.f32.msk $0xffff, v18  }
0x59: {  	[tilespmem:s29+$0x220] =	vst.add.f32.msk $0xffff, v19  }
0x5a: {  	[tilespmem:s29+$0x230] =	vst.add.f32.msk $0xffff, v20  }
0x5b: {  	(v2sf) =	vpush v0, $0x9;
	[tilespmem:s29+$0x280] =	vst.add.f32.msk $0xffff, v21  }
0x5c: {  	[tilespmem:s29+$0x290] =	vst.add.f32.msk $0xffff, v22  }
0x5d: {  	[tilespmem:s29+$0x2A0] =	vst.add.f32.msk $0xffff, v23  }
0x5e: {  	[tilespmem:s29+$0x2B0] =	vst.add.f32.msk $0xffff, v24  }
0x5f: {  	(v2sf) =	vpush v0, $0xA;
	[tilespmem:s29+$0x300] =	vst.add.f32.msk $0xffff, v25  }
0x60: {  	[tilespmem:s29+$0x310] =	vst.add.f32.msk $0xffff, v26  }
0x61: {  	[tilespmem:s29+$0x320] =	vst.add.f32.msk $0xffff, v27  }
0x62: {  	[tilespmem:s29+$0x330] =	vst.add.f32.msk $0xffff, v28  }
0x63: {  	(v2sf) =	vpush v0, $0xB;
	[tilespmem:s29+$0x380] =	vst.add.f32.msk $0xffff, v29  }
0x64: {  	[tilespmem:s29+$0x390] =	vst.add.f32.msk $0xffff, v30  }
0x65: {  	[tilespmem:s29+$0x3A0] =	vst.add.f32.msk $0xffff, v31  }
0x66: {  	[tilespmem:s29+$0x3B0] =	vst.add.f32.msk $0xffff, v32;
	s28 =	spop (v2sf)  }
0x67: {  	(v2sf) =	vpush v0, $0xC;
	v22 =	vld [tilespmem:s28+$0x0]  }
0x68: {  	v23 =	vld [tilespmem:s28+$0x10]  }
0x69: {  	v24 =	vld [tilespmem:s28+$0x20]  }
0x6a: {  	v25 =	vld [tilespmem:s28+$0x30];
	s28 =	spop (v2sf)  }
0x6b: {  	(v2sf) =	vpush v0, $0xD;
	v26 =	vld [tilespmem:s28+$0x0]  }
0x6c: {  	v27 =	vld [tilespmem:s28+$0x10]  }
0x6d: {  	v28 =	vld [tilespmem:s28+$0x20]  }
0x6e: {  	v29 =	vld [tilespmem:s28+$0x30];
	s28 =	spop (v2sf)  }
0x6f: {  	(v2sf) =	vpush v0, $0xE;
	v30 =	vld [tilespmem:s28+$0x0]  }
0x70: {  	v1 =	vld [tilespmem:s28+$0x10]  }
0x71: {  	v2 =	vld [tilespmem:s28+$0x20]  }
0x72: {  	v3 =	vld [tilespmem:s28+$0x30];
	s28 =	spop (v2sf)  }
0x73: {  	(v2sf) =	vpush v0, $0xF;
	v11 =	vld [tilespmem:s28+$0x0]  }
0x74: {  	v0 =	vld [tilespmem:s28+$0x10]  }
0x75: {  	v5 =	vld [tilespmem:s28+$0x20]  }
0x76: {  	v4 =	vld [tilespmem:s28+$0x30];
	s28 =	spop (v2sf)  }
0x77: {  	v7 =	vld [tilespmem:s28+$0x0]  }
0x78: {  	v8 =	vld [tilespmem:s28+$0x10]  }
0x79: {  	v9 =	vld [tilespmem:s28+$0x20]  }
0x7a: {  	v6 =	vld [tilespmem:s28+$0x30];
	s28 =	spop (v2sf)  }
0x7b: {  	v12 =	vld [tilespmem:s28+$0x0]  }
0x7c: {  	v13 =	vld [tilespmem:s28+$0x10]  }
0x7d: {  	v14 =	vld [tilespmem:s28+$0x20]  }
0x7e: {  	v10 =	vld [tilespmem:s28+$0x30];
	s28 =	spop (v2sf)  }
0x7f: {  	v15 =	vld [tilespmem:s28+$0x0]  }
0x80: {  	v16 =	vld [tilespmem:s28+$0x10]  }
0x81: {  	v17 =	vld [tilespmem:s28+$0x20]  }
0x82: {  	s30 =	spop (v2sf);
	v20 =	vld [tilespmem:s28+$0x30]  }
0x83: {  	v31 =	vld [tilespmem:s30+$0x30]  }
0x84: {  	v21 =	vld [tilespmem:s30+$0x0]  }
0x85: {  	v19 =	vld [tilespmem:s30+$0x10]  }
0x86: {  	v18 =	vld [tilespmem:s30+$0x20]  }
0x87: {  	[tilespmem:s29+$0x400] =	vst.add.f32.msk $0xffff, v22  }
0x88: {  	[tilespmem:s29+$0x410] =	vst.add.f32.msk $0xffff, v23  }
0x89: {  	[tilespmem:s29+$0x420] =	vst.add.f32.msk $0xffff, v24  }
0x8a: {  	[tilespmem:s29+$0x430] =	vst.add.f32.msk $0xffff, v25  }
0x8b: {  	[tilespmem:s29+$0x480] =	vst.add.f32.msk $0xffff, v26  }
0x8c: {  	[tilespmem:s29+$0x490] =	vst.add.f32.msk $0xffff, v27  }
0x8d: {  	[tilespmem:s29+$0x4A0] =	vst.add.f32.msk $0xffff, v28  }
0x8e: {  	[tilespmem:s29+$0x4B0] =	vst.add.f32.msk $0xffff, v29  }
0x8f: {  	[tilespmem:s29+$0x500] =	vst.add.f32.msk $0xffff, v30  }
0x90: {  	s28 =	simm.s32 $0x0;
	s30 =	simm.s32 $0x2010;
	[tilespmem:s29+$0x7B0] =	vst.add.f32.msk $0xffff, v31  }
.LBB2_3:
0x91: {  	v22 =	vld [tilespmem:s30+$0x0]  }
0x92: {  	[tilespmem:s29+$0x510] =	vst.add.f32.msk $0xffff, v1  }
0x93: {  	[tilespmem:s29+$0x520] =	vst.add.f32.msk $0xffff, v2  }
0x94: {  	[tilespmem:s29+$0x530] =	vst.add.f32.msk $0xffff, v3  }
0x95: {  	[tilespmem:s29+$0x580] =	vst.add.f32.msk $0xffff, v11  }
0x96: {  	v1 =	vshll.u32 v22, $0x9;
	[tilespmem:s29+$0x590] =	vst.add.f32.msk $0xffff, v0  }
0x97: {  	v0 =	vshra.s32 v1, $0x2;
	[tilespmem:s29+$0x5A0] =	vst.add.f32.msk $0xffff, v5  }
0x98: {  	(v2sf) =	vpush v0, $0x0;
	[tilespmem:s29+$0x5B0] =	vst.add.f32.msk $0xffff, v4  }
0x99: {  	[tilespmem:s29+$0x600] =	vst.add.f32.msk $0xffff, v7  }
0x9a: {  	[tilespmem:s29+$0x610] =	vst.add.f32.msk $0xffff, v8  }
0x9b: {  	[tilespmem:s29+$0x620] =	vst.add.f32.msk $0xffff, v9  }
0x9c: {  	(v2sf) =	vpush v0, $0x1;
	[tilespmem:s29+$0x630] =	vst.add.f32.msk $0xffff, v6  }
0x9d: {  	[tilespmem:s29+$0x680] =	vst.add.f32.msk $0xffff, v12  }
0x9e: {  	[tilespmem:s29+$0x690] =	vst.add.f32.msk $0xffff, v13  }
0x9f: {  	[tilespmem:s29+$0x6A0] =	vst.add.f32.msk $0xffff, v14  }
0xa0: {  	(v2sf) =	vpush v0, $0x2;
	[tilespmem:s29+$0x6B0] =	vst.add.f32.msk $0xffff, v10  }
0xa1: {  	[tilespmem:s29+$0x700] =	vst.add.f32.msk $0xffff, v15  }
0xa2: {  	[tilespmem:s29+$0x710] =	vst.add.f32.msk $0xffff, v16  }
0xa3: {  	[tilespmem:s29+$0x720] =	vst.add.f32.msk $0xffff, v17  }
0xa4: {  	(v2sf) =	vpush v0, $0x3;
	[tilespmem:s29+$0x730] =	vst.add.f32.msk $0xffff, v20  }
0xa5: {  	[tilespmem:s29+$0x780] =	vst.add.f32.msk $0xffff, v21  }
0xa6: {  	[tilespmem:s29+$0x790] =	vst.add.f32.msk $0xffff, v19  }
0xa7: {  	s31 =	spop (v2sf);
	[tilespmem:s29+$0x7A0] =	vst.add.f32.msk $0xffff, v18  }
0xa8: {  	v1 =	vld [tilespmem:s31+$0x0];
	(v2sf) =	vpush v0, $0x4  }
0xa9: {  	v2 =	vld [tilespmem:s31+$0x10]  }
0xaa: {  	v3 =	vld [tilespmem:s31+$0x20]  }
0xab: {  	v4 =	vld [tilespmem:s31+$0x30];
	s31 =	spop (v2sf)  }
0xac: {  	v5 =	vld [tilespmem:s31+$0x0];
	(v2sf) =	vpush v0, $0x5  }
0xad: {  	v6 =	vld [tilespmem:s31+$0x10]  }
0xae: {  	v7 =	vld [tilespmem:s31+$0x20]  }
0xaf: {  	v8 =	vld [tilespmem:s31+$0x30];
	s31 =	spop (v2sf)  }
0xb0: {  	v9 =	vld [tilespmem:s31+$0x0];
	(v2sf) =	vpush v0, $0x6  }
0xb1: {  	v10 =	vld [tilespmem:s31+$0x10]  }
0xb2: {  	v11 =	vld [tilespmem:s31+$0x20]  }
0xb3: {  	v12 =	vld [tilespmem:s31+$0x30];
	s31 =	spop (v2sf)  }
0xb4: {  	v13 =	vld [tilespmem:s31+$0x0];
	(v2sf) =	vpush v0, $0x7  }
0xb5: {  	v14 =	vld [tilespmem:s31+$0x10]  }
0xb6: {  	v15 =	vld [tilespmem:s31+$0x20]  }
0xb7: {  	v16 =	vld [tilespmem:s31+$0x30];
	s31 =	spop (v2sf)  }
0xb8: {  	v17 =	vld [tilespmem:s31+$0x0]  }
0xb9: {  	v18 =	vld [tilespmem:s31+$0x10]  }
0xba: {  	v19 =	vld [tilespmem:s31+$0x20]  }
0xbb: {  	v20 =	vld [tilespmem:s31+$0x30];
	s31 =	spop (v2sf)  }
0xbc: {  	v21 =	vld [tilespmem:s31+$0x0]  }
0xbd: {  	v22 =	vld [tilespmem:s31+$0x10]  }
0xbe: {  	v23 =	vld [tilespmem:s31+$0x20]  }
0xbf: {  	v24 =	vld [tilespmem:s31+$0x30];
	s31 =	spop (v2sf)  }
0xc0: {  	v25 =	vld [tilespmem:s31+$0x0]  }
0xc1: {  	v26 =	vld [tilespmem:s31+$0x10]  }
0xc2: {  	v27 =	vld [tilespmem:s31+$0x20]  }
0xc3: {  	v28 =	vld [tilespmem:s31+$0x30];
	s31 =	spop (v2sf)  }
0xc4: {  	v29 =	vld [tilespmem:s31+$0x0]  }
0xc5: {  	v30 =	vld [tilespmem:s31+$0x10]  }
0xc6: {  	v31 =	vld [tilespmem:s31+$0x20]  }
0xc7: {  	s29 =	sadd.s32 $0x800, s29;
	v32 =	vld [tilespmem:s31+$0x30]  }
0xc8: {  	[tilespmem:s29+$0x0] =	vst.add.f32.msk $0xffff, v1  }
0xc9: {  	[tilespmem:s29+$0x10] =	vst.add.f32.msk $0xffff, v2  }
0xca: {  	[tilespmem:s29+$0x20] =	vst.add.f32.msk $0xffff, v3  }
0xcb: {  	[tilespmem:s29+$0x30] =	vst.add.f32.msk $0xffff, v4  }
0xcc: {  	[tilespmem:s29+$0x80] =	vst.add.f32.msk $0xffff, v5  }
0xcd: {  	[tilespmem:s29+$0x90] =	vst.add.f32.msk $0xffff, v6  }
0xce: {  	[tilespmem:s29+$0xA0] =	vst.add.f32.msk $0xffff, v7  }
0xcf: {  	[tilespmem:s29+$0xB0] =	vst.add.f32.msk $0xffff, v8  }
0xd0: {  	[tilespmem:s29+$0x100] =	vst.add.f32.msk $0xffff, v9  }
0xd1: {  	[tilespmem:s29+$0x110] =	vst.add.f32.msk $0xffff, v10  }
0xd2: {  	[tilespmem:s29+$0x120] =	vst.add.f32.msk $0xffff, v11  }
0xd3: {  	[tilespmem:s29+$0x130] =	vst.add.f32.msk $0xffff, v12  }
0xd4: {  	[tilespmem:s29+$0x180] =	vst.add.f32.msk $0xffff, v13  }
0xd5: {  	[tilespmem:s29+$0x190] =	vst.add.f32.msk $0xffff, v14  }
0xd6: {  	[tilespmem:s29+$0x1A0] =	vst.add.f32.msk $0xffff, v15  }
0xd7: {  	[tilespmem:s29+$0x1B0] =	vst.add.f32.msk $0xffff, v16  }
0xd8: {  	[tilespmem:s29+$0x200] =	vst.add.f32.msk $0xffff, v17;
	(v2sf) =	vpush v0, $0x8  }
0xd9: {  	[tilespmem:s29+$0x210] =	vst.add.f32.msk $0xffff, v18  }
0xda: {  	[tilespmem:s29+$0x220] =	vst.add.f32.msk $0xffff, v19  }
0xdb: {  	[tilespmem:s29+$0x230] =	vst.add.f32.msk $0xffff, v20  }
0xdc: {  	[tilespmem:s29+$0x280] =	vst.add.f32.msk $0xffff, v21;
	(v2sf) =	vpush v0, $0x9  }
0xdd: {  	[tilespmem:s29+$0x290] =	vst.add.f32.msk $0xffff, v22  }
0xde: {  	[tilespmem:s29+$0x2A0] =	vst.add.f32.msk $0xffff, v23  }
0xdf: {  	[tilespmem:s29+$0x2B0] =	vst.add.f32.msk $0xffff, v24  }
0xe0: {  	[tilespmem:s29+$0x300] =	vst.add.f32.msk $0xffff, v25;
	(v2sf) =	vpush v0, $0xA  }
0xe1: {  	[tilespmem:s29+$0x310] =	vst.add.f32.msk $0xffff, v26  }
0xe2: {  	[tilespmem:s29+$0x320] =	vst.add.f32.msk $0xffff, v27  }
0xe3: {  	[tilespmem:s29+$0x330] =	vst.add.f32.msk $0xffff, v28  }
0xe4: {  	[tilespmem:s29+$0x380] =	vst.add.f32.msk $0xffff, v29;
	(v2sf) =	vpush v0, $0xB  }
0xe5: {  	[tilespmem:s29+$0x390] =	vst.add.f32.msk $0xffff, v30  }
0xe6: {  	s28 =	sadd.s32 $0x10, s28;
	[tilespmem:s29+$0x3A0] =	vst.add.f32.msk $0xffff, v31  }
0xe7: {  	p0 =	slt.u32 s28, $0x180;
	[tilespmem:s29+$0x3B0] =	vst.add.f32.msk $0xffff, v32;
	s31 =	spop (v2sf)  }
0xe8: {  	v22 =	vld [tilespmem:s31+$0x0];
	(v2sf) =	vpush v0, $0xC  }
0xe9: {  	v23 =	vld [tilespmem:s31+$0x10]  }
0xea: {  	v24 =	vld [tilespmem:s31+$0x20]  }
0xeb: {  	v25 =	vld [tilespmem:s31+$0x30];
	s31 =	spop (v2sf)  }
0xec: {  	v26 =	vld [tilespmem:s31+$0x0];
	(v2sf) =	vpush v0, $0xD  }
0xed: {  	v27 =	vld [tilespmem:s31+$0x10]  }
0xee: {  	v28 =	vld [tilespmem:s31+$0x20]  }
0xef: {  	v29 =	vld [tilespmem:s31+$0x30];
	s31 =	spop (v2sf)  }
0xf0: {  	v30 =	vld [tilespmem:s31+$0x0];
	(v2sf) =	vpush v0, $0xE  }
0xf1: {  	v1 =	vld [tilespmem:s31+$0x10]  }
0xf2: {  	v2 =	vld [tilespmem:s31+$0x20]  }
0xf3: {  	v3 =	vld [tilespmem:s31+$0x30];
	s31 =	spop (v2sf);
	(v2sf) =	vpush v0, $0xF  }
0xf4: {  	v11 =	vld [tilespmem:s31+$0x0]  }
0xf5: {  	v0 =	vld [tilespmem:s31+$0x10]  }
0xf6: {  	v5 =	vld [tilespmem:s31+$0x20]  }
0xf7: {  	v4 =	vld [tilespmem:s31+$0x30];
	s31 =	spop (v2sf)  }
0xf8: {  	v7 =	vld [tilespmem:s31+$0x0]  }
0xf9: {  	v8 =	vld [tilespmem:s31+$0x10]  }
0xfa: {  	v9 =	vld [tilespmem:s31+$0x20]  }
0xfb: {  	v6 =	vld [tilespmem:s31+$0x30];
	s31 =	spop (v2sf)  }
0xfc: {  	v12 =	vld [tilespmem:s31+$0x0]  }
0xfd: {  	v13 =	vld [tilespmem:s31+$0x10]  }
0xfe: {  	v14 =	vld [tilespmem:s31+$0x20]  }
0xff: {  	v10 =	vld [tilespmem:s31+$0x30];
	s31 =	spop (v2sf)  }
0x100: {  	v15 =	vld [tilespmem:s31+$0x0]  }
0x101: {  	v16 =	vld [tilespmem:s31+$0x10]  }
0x102: {  	v17 =	vld [tilespmem:s31+$0x20];
	s0 =	spop (v2sf)  }
0x103: {  	v31 =	vld [tilespmem:s0+$0x30]  }
0x104: {  	v20 =	vld [tilespmem:s31+$0x30]  }
0x105: {  	v21 =	vld [tilespmem:s0+$0x0]  }
0x106: {  	v19 =	vld [tilespmem:s0+$0x10]  }
0x107: {  	v18 =	vld [tilespmem:s0+$0x20]  }
0x108: {  	[tilespmem:s29+$0x7B0] =	vst.add.f32.msk $0xffff, v31  }
0x109: {  	[tilespmem:s29+$0x400] =	vst.add.f32.msk $0xffff, v22  }
0x10a: {  	[tilespmem:s29+$0x410] =	vst.add.f32.msk $0xffff, v23  }
0x10b: {  	[tilespmem:s29+$0x420] =	vst.add.f32.msk $0xffff, v24  }
0x10c: {  	[tilespmem:s29+$0x430] =	vst.add.f32.msk $0xffff, v25  }
.Ltmp0:
0x10d: {  	[tilespmem:s29+$0x480] =	vst.add.f32.msk $0xffff, v26;
	(pc) =	sbr.rel @p0 .LBB2_3-.Ltmp0, $4  }
0x10e: {  	[tilespmem:s29+$0x490] =	vst.add.f32.msk $0xffff, v27  }
0x10f: {  	[tilespmem:s29+$0x4A0] =	vst.add.f32.msk $0xffff, v28  }
0x110: {  	[tilespmem:s29+$0x4B0] =	vst.add.f32.msk $0xffff, v29  }
0x111: {  	s30 =	sadd.s32 $0x10, s30;
	[tilespmem:s29+$0x500] =	vst.add.f32.msk $0xffff, v30  }
0x112: {  	[tilespmem:s29+$0x510] =	vst.add.f32.msk $0xffff, v1  }
0x113: {  	[tilespmem:s29+$0x520] =	vst.add.f32.msk $0xffff, v2  }
0x114: {  	[tilespmem:s29+$0x530] =	vst.add.f32.msk $0xffff, v3  }
0x115: {  	[tilespmem:s29+$0x580] =	vst.add.f32.msk $0xffff, v11  }
0x116: {  	[tilespmem:s29+$0x590] =	vst.add.f32.msk $0xffff, v0  }
0x117: {  	[tilespmem:s29+$0x5A0] =	vst.add.f32.msk $0xffff, v5  }
0x118: {  	[tilespmem:s29+$0x5B0] =	vst.add.f32.msk $0xffff, v4  }
0x119: {  	[tilespmem:s29+$0x600] =	vst.add.f32.msk $0xffff, v7  }
0x11a: {  	[tilespmem:s29+$0x610] =	vst.add.f32.msk $0xffff, v8  }
0x11b: {  	[tilespmem:s29+$0x620] =	vst.add.f32.msk $0xffff, v9  }
0x11c: {  	[tilespmem:s29+$0x630] =	vst.add.f32.msk $0xffff, v6  }
0x11d: {  	[tilespmem:s29+$0x680] =	vst.add.f32.msk $0xffff, v12  }
0x11e: {  	[tilespmem:s29+$0x690] =	vst.add.f32.msk $0xffff, v13  }
0x11f: {  	[tilespmem:s29+$0x6A0] =	vst.add.f32.msk $0xffff, v14  }
0x120: {  	[tilespmem:s29+$0x6B0] =	vst.add.f32.msk $0xffff, v10  }
0x121: {  	[tilespmem:s29+$0x700] =	vst.add.f32.msk $0xffff, v15  }
0x122: {  	[tilespmem:s29+$0x710] =	vst.add.f32.msk $0xffff, v16  }
0x123: {  	[tilespmem:s29+$0x720] =	vst.add.f32.msk $0xffff, v17;
	s28 =	smul.u32 $0x320, s26  }
0x124: {  	[tilespmem:s29+$0x730] =	vst.add.f32.msk $0xffff, v20  }
0x125: {  	[tilespmem:s29+$0x780] =	vst.add.f32.msk $0xffff, v21;
	s0 =	sadd.s32 s5, s28  }
0x126: {  	[tilespmem:s29+$0x790] =	vst.add.f32.msk $0xffff, v19;
	s0 =	sshll.u32 s0, $0x4  }
0x127: {  	[tilespmem:s29+$0x7A0] =	vst.add.f32.msk $0xffff, v18;
	p0 =	seq.s32 s26, $0xB;
	s0 =	sadd.s32 s7, s0  }
0x128: {  	[hbm4b:s0+s2] =	stream.linear.scatter [tilespmem:s18], [sflag:$0x3], $0xC800, $0x38;
	[tilespmem:$0x1B400] =	vst v63  }
0x129: {  	s0 =	simm.s32 @!p0 $0x3  }
0x12a: {  	_ =	swait.ge @!p0 [sflag:s0], $0xC800  }
0x12b: {  	s29 =	sadd.s32 @!p0 s28, s13;
	[sflag:s0] =	ssyncset.done @!p0 $0x0  }
0x12c: {  	[sflag:s0] =	ssyncadd.s32 @!p0 $0xFFFF3800;
	s0 =	sshrl.u32 @!p0 s29, $0x3  }
0x12d: {  	s30 =	simm.s32 @!p0 $0x0;
	s31 =	simm.s32 @!p0 $0x2000;
	s0 =	sadd.s32 @!p0 s6, s0  }
0x12e: {  	[tilespmem:s31], [sflag:$0x1] =	stream.linear.gather @!p0 [hbm4b:s0+s30], $0x190, $0x38;
	[tilespmem:$0x1B400] =	vst v63  }
0x12f: {  	s0 =	sshll.u32 @!p0 s29, $0x4  }
0x130: {  	s29 =	simm.s32 @!p0 $0x2400;
	s0 =	sadd.s32 @!p0 s4, s0  }
0x131: {  	[tilespmem:s29], [sflag:$0x1] =	stream.linear.gather @!p0 [hbm4b:s0+s30], $0xC800, $0x38;
	[tilespmem:$0x1B400] =	vst v63  }
0x132: {  	_ =	swait.ge [sflag:s22], $0x190  }
0x133: {  	[sflag:s22] =	ssyncset.done $0x0  }
0x134: {  	[sflag:s22] =	ssyncadd.s32 $0xFFFFFE70  }
0x135: {  	_ =	swait.ge [sflag:s22], $0xC800  }
0x136: {  	[sflag:s22] =	ssyncset.done $0x0  }
0x137: {  	s1 =	simm.s32 $0x2200;
	[sflag:s22] =	ssyncadd.s32 $0xFFFF3800  }
0x138: {  	v0 =	vld [tilespmem:s1+$0x0];
	_ =	sdelay $0x4  }
0x139: {  	v0 =	vshll.u32 v0, $0x9  }
0x13a: {  	v0 =	vshra.s32 v0, $0x2  }
0x13b: {  	(v2sf) =	vpush v0, $0x0;
	_ =	sdelay $0x3  }
0x13c: {  	(v2sf) =	vpush v0, $0x1;
	_ =	sdelay $0x3  }
0x13d: {  	(v2sf) =	vpush v0, $0x2;
	_ =	sdelay $0x3  }
0x13e: {  	(v2sf) =	vpush v0, $0x3;
	_ =	sdelay $0x2  }
0x13f: {  	s1 =	spop (v2sf)  }
0x140: {  	(v2sf) =	vpush v0, $0x4;
	v1 =	vld [tilespmem:s1+$0x0]  }
0x141: {  	v2 =	vld [tilespmem:s1+$0x10]  }
0x142: {  	v3 =	vld [tilespmem:s1+$0x20]  }
0x143: {  	v4 =	vld [tilespmem:s1+$0x30];
	s1 =	spop (v2sf)  }
0x144: {  	(v2sf) =	vpush v0, $0x5;
	v5 =	vld [tilespmem:s1+$0x0]  }
0x145: {  	v6 =	vld [tilespmem:s1+$0x10]  }
0x146: {  	v7 =	vld [tilespmem:s1+$0x20]  }
0x147: {  	v8 =	vld [tilespmem:s1+$0x30];
	s1 =	spop (v2sf)  }
0x148: {  	(v2sf) =	vpush v0, $0x6;
	v9 =	vld [tilespmem:s1+$0x0]  }
0x149: {  	v10 =	vld [tilespmem:s1+$0x10]  }
0x14a: {  	v11 =	vld [tilespmem:s1+$0x20]  }
0x14b: {  	v12 =	vld [tilespmem:s1+$0x30];
	s1 =	spop (v2sf)  }
0x14c: {  	(v2sf) =	vpush v0, $0x7;
	v13 =	vld [tilespmem:s1+$0x0]  }
0x14d: {  	v14 =	vld [tilespmem:s1+$0x10]  }
0x14e: {  	v15 =	vld [tilespmem:s1+$0x20]  }
0x14f: {  	v16 =	vld [tilespmem:s1+$0x30];
	s1 =	spop (v2sf)  }
0x150: {  	v17 =	vld [tilespmem:s1+$0x0]  }
0x151: {  	v18 =	vld [tilespmem:s1+$0x10]  }
0x152: {  	v19 =	vld [tilespmem:s1+$0x20]  }
0x153: {  	v20 =	vld [tilespmem:s1+$0x30];
	s1 =	spop (v2sf)  }
0x154: {  	v21 =	vld [tilespmem:s1+$0x0]  }
0x155: {  	v22 =	vld [tilespmem:s1+$0x10]  }
0x156: {  	v23 =	vld [tilespmem:s1+$0x20]  }
0x157: {  	v24 =	vld [tilespmem:s1+$0x30];
	s1 =	spop (v2sf)  }
0x158: {  	v25 =	vld [tilespmem:s1+$0x0]  }
0x159: {  	v26 =	vld [tilespmem:s1+$0x10]  }
0x15a: {  	v27 =	vld [tilespmem:s1+$0x20]  }
0x15b: {  	v28 =	vld [tilespmem:s1+$0x30];
	s1 =	spop (v2sf)  }
0x15c: {  	v29 =	vld [tilespmem:s1+$0x0]  }
0x15d: {  	v30 =	vld [tilespmem:s1+$0x10]  }
0x15e: {  	v31 =	vld [tilespmem:s1+$0x20]  }
0x15f: {  	s29 =	simm.s32 $0xEC00;
	v32 =	vld [tilespmem:s1+$0x30]  }
0x160: {  	[tilespmem:s29+$0x0] =	vst.add.f32.msk $0xffff, v1  }
0x161: {  	[tilespmem:s29+$0x10] =	vst.add.f32.msk $0xffff, v2  }
0x162: {  	[tilespmem:s29+$0x20] =	vst.add.f32.msk $0xffff, v3  }
0x163: {  	[tilespmem:s29+$0x30] =	vst.add.f32.msk $0xffff, v4  }
0x164: {  	[tilespmem:s29+$0x80] =	vst.add.f32.msk $0xffff, v5  }
0x165: {  	[tilespmem:s29+$0x90] =	vst.add.f32.msk $0xffff, v6  }
0x166: {  	[tilespmem:s29+$0xA0] =	vst.add.f32.msk $0xffff, v7  }
0x167: {  	[tilespmem:s29+$0xB0] =	vst.add.f32.msk $0xffff, v8  }
0x168: {  	[tilespmem:s29+$0x100] =	vst.add.f32.msk $0xffff, v9  }
0x169: {  	[tilespmem:s29+$0x110] =	vst.add.f32.msk $0xffff, v10  }
0x16a: {  	[tilespmem:s29+$0x120] =	vst.add.f32.msk $0xffff, v11  }
0x16b: {  	[tilespmem:s29+$0x130] =	vst.add.f32.msk $0xffff, v12  }
0x16c: {  	[tilespmem:s29+$0x180] =	vst.add.f32.msk $0xffff, v13  }
0x16d: {  	[tilespmem:s29+$0x190] =	vst.add.f32.msk $0xffff, v14  }
0x16e: {  	[tilespmem:s29+$0x1A0] =	vst.add.f32.msk $0xffff, v15  }
0x16f: {  	[tilespmem:s29+$0x1B0] =	vst.add.f32.msk $0xffff, v16  }
0x170: {  	(v2sf) =	vpush v0, $0x8;
	[tilespmem:s29+$0x200] =	vst.add.f32.msk $0xffff, v17  }
0x171: {  	[tilespmem:s29+$0x210] =	vst.add.f32.msk $0xffff, v18  }
0x172: {  	[tilespmem:s29+$0x220] =	vst.add.f32.msk $0xffff, v19  }
0x173: {  	[tilespmem:s29+$0x230] =	vst.add.f32.msk $0xffff, v20  }
0x174: {  	(v2sf) =	vpush v0, $0x9;
	[tilespmem:s29+$0x280] =	vst.add.f32.msk $0xffff, v21  }
0x175: {  	[tilespmem:s29+$0x290] =	vst.add.f32.msk $0xffff, v22  }
0x176: {  	[tilespmem:s29+$0x2A0] =	vst.add.f32.msk $0xffff, v23  }
0x177: {  	[tilespmem:s29+$0x2B0] =	vst.add.f32.msk $0xffff, v24  }
0x178: {  	(v2sf) =	vpush v0, $0xA;
	[tilespmem:s29+$0x300] =	vst.add.f32.msk $0xffff, v25  }
0x179: {  	[tilespmem:s29+$0x310] =	vst.add.f32.msk $0xffff, v26  }
0x17a: {  	[tilespmem:s29+$0x320] =	vst.add.f32.msk $0xffff, v27  }
0x17b: {  	[tilespmem:s29+$0x330] =	vst.add.f32.msk $0xffff, v28  }
0x17c: {  	(v2sf) =	vpush v0, $0xB;
	[tilespmem:s29+$0x380] =	vst.add.f32.msk $0xffff, v29  }
0x17d: {  	[tilespmem:s29+$0x390] =	vst.add.f32.msk $0xffff, v30  }
0x17e: {  	[tilespmem:s29+$0x3A0] =	vst.add.f32.msk $0xffff, v31  }
0x17f: {  	[tilespmem:s29+$0x3B0] =	vst.add.f32.msk $0xffff, v32;
	s1 =	spop (v2sf)  }
0x180: {  	(v2sf) =	vpush v0, $0xC;
	v22 =	vld [tilespmem:s1+$0x0]  }
0x181: {  	v23 =	vld [tilespmem:s1+$0x10]  }
0x182: {  	v24 =	vld [tilespmem:s1+$0x20]  }
0x183: {  	v25 =	vld [tilespmem:s1+$0x30];
	s1 =	spop (v2sf)  }
0x184: {  	(v2sf) =	vpush v0, $0xD;
	v26 =	vld [tilespmem:s1+$0x0]  }
0x185: {  	v27 =	vld [tilespmem:s1+$0x10]  }
0x186: {  	v28 =	vld [tilespmem:s1+$0x20]  }
0x187: {  	v29 =	vld [tilespmem:s1+$0x30];
	s1 =	spop (v2sf)  }
0x188: {  	(v2sf) =	vpush v0, $0xE;
	v30 =	vld [tilespmem:s1+$0x0]  }
0x189: {  	v1 =	vld [tilespmem:s1+$0x10]  }
0x18a: {  	v2 =	vld [tilespmem:s1+$0x20]  }
0x18b: {  	v3 =	vld [tilespmem:s1+$0x30];
	s1 =	spop (v2sf)  }
0x18c: {  	(v2sf) =	vpush v0, $0xF;
	v11 =	vld [tilespmem:s1+$0x0]  }
0x18d: {  	v0 =	vld [tilespmem:s1+$0x10]  }
0x18e: {  	v5 =	vld [tilespmem:s1+$0x20]  }
0x18f: {  	v4 =	vld [tilespmem:s1+$0x30];
	s1 =	spop (v2sf)  }
0x190: {  	v7 =	vld [tilespmem:s1+$0x0]  }
0x191: {  	v8 =	vld [tilespmem:s1+$0x10]  }
0x192: {  	v9 =	vld [tilespmem:s1+$0x20]  }
0x193: {  	v6 =	vld [tilespmem:s1+$0x30];
	s1 =	spop (v2sf)  }
0x194: {  	v12 =	vld [tilespmem:s1+$0x0]  }
0x195: {  	v13 =	vld [tilespmem:s1+$0x10]  }
0x196: {  	v14 =	vld [tilespmem:s1+$0x20]  }
0x197: {  	v10 =	vld [tilespmem:s1+$0x30];
	s1 =	spop (v2sf)  }
0x198: {  	v15 =	vld [tilespmem:s1+$0x0]  }
0x199: {  	v16 =	vld [tilespmem:s1+$0x10]  }
0x19a: {  	v17 =	vld [tilespmem:s1+$0x20]  }
0x19b: {  	s30 =	spop (v2sf);
	v20 =	vld [tilespmem:s1+$0x30]  }
0x19c: {  	v31 =	vld [tilespmem:s30+$0x30]  }
0x19d: {  	v21 =	vld [tilespmem:s30+$0x0]  }
0x19e: {  	v19 =	vld [tilespmem:s30+$0x10]  }
0x19f: {  	v18 =	vld [tilespmem:s30+$0x20]  }
0x1a0: {  	[tilespmem:s29+$0x400] =	vst.add.f32.msk $0xffff, v22  }
0x1a1: {  	[tilespmem:s29+$0x410] =	vst.add.f32.msk $0xffff, v23  }
0x1a2: {  	[tilespmem:s29+$0x420] =	vst.add.f32.msk $0xffff, v24  }
0x1a3: {  	[tilespmem:s29+$0x430] =	vst.add.f32.msk $0xffff, v25  }
0x1a4: {  	[tilespmem:s29+$0x480] =	vst.add.f32.msk $0xffff, v26  }
0x1a5: {  	[tilespmem:s29+$0x490] =	vst.add.f32.msk $0xffff, v27  }
0x1a6: {  	[tilespmem:s29+$0x4A0] =	vst.add.f32.msk $0xffff, v28  }
0x1a7: {  	[tilespmem:s29+$0x4B0] =	vst.add.f32.msk $0xffff, v29  }
0x1a8: {  	[tilespmem:s29+$0x500] =	vst.add.f32.msk $0xffff, v30  }
0x1a9: {  	s26 =	sadd.s32 $0x1, s26;
	s31 =	simm.s32 $0x2210;
	s30 =	simm.s32 $0x0;
	[tilespmem:s29+$0x7B0] =	vst.add.f32.msk $0xffff, v31  }
.LBB2_5:
0x1aa: {  	v22 =	vld [tilespmem:s31+$0x0]  }
0x1ab: {  	[tilespmem:s29+$0x510] =	vst.add.f32.msk $0xffff, v1  }
0x1ac: {  	[tilespmem:s29+$0x520] =	vst.add.f32.msk $0xffff, v2  }
0x1ad: {  	[tilespmem:s29+$0x530] =	vst.add.f32.msk $0xffff, v3  }
0x1ae: {  	[tilespmem:s29+$0x580] =	vst.add.f32.msk $0xffff, v11  }
0x1af: {  	v1 =	vshll.u32 v22, $0x9;
	[tilespmem:s29+$0x590] =	vst.add.f32.msk $0xffff, v0  }
0x1b0: {  	v0 =	vshra.s32 v1, $0x2;
	[tilespmem:s29+$0x5A0] =	vst.add.f32.msk $0xffff, v5  }
0x1b1: {  	(v2sf) =	vpush v0, $0x0;
	[tilespmem:s29+$0x5B0] =	vst.add.f32.msk $0xffff, v4  }
0x1b2: {  	[tilespmem:s29+$0x600] =	vst.add.f32.msk $0xffff, v7  }
0x1b3: {  	[tilespmem:s29+$0x610] =	vst.add.f32.msk $0xffff, v8  }
0x1b4: {  	[tilespmem:s29+$0x620] =	vst.add.f32.msk $0xffff, v9  }
0x1b5: {  	(v2sf) =	vpush v0, $0x1;
	[tilespmem:s29+$0x630] =	vst.add.f32.msk $0xffff, v6  }
0x1b6: {  	[tilespmem:s29+$0x680] =	vst.add.f32.msk $0xffff, v12  }
0x1b7: {  	[tilespmem:s29+$0x690] =	vst.add.f32.msk $0xffff, v13  }
0x1b8: {  	[tilespmem:s29+$0x6A0] =	vst.add.f32.msk $0xffff, v14  }
0x1b9: {  	(v2sf) =	vpush v0, $0x2;
	[tilespmem:s29+$0x6B0] =	vst.add.f32.msk $0xffff, v10  }
0x1ba: {  	[tilespmem:s29+$0x700] =	vst.add.f32.msk $0xffff, v15  }
0x1bb: {  	[tilespmem:s29+$0x710] =	vst.add.f32.msk $0xffff, v16  }
0x1bc: {  	[tilespmem:s29+$0x720] =	vst.add.f32.msk $0xffff, v17  }
0x1bd: {  	(v2sf) =	vpush v0, $0x3;
	[tilespmem:s29+$0x730] =	vst.add.f32.msk $0xffff, v20  }
0x1be: {  	[tilespmem:s29+$0x780] =	vst.add.f32.msk $0xffff, v21  }
0x1bf: {  	[tilespmem:s29+$0x790] =	vst.add.f32.msk $0xffff, v19  }
0x1c0: {  	s0 =	spop (v2sf);
	[tilespmem:s29+$0x7A0] =	vst.add.f32.msk $0xffff, v18  }
0x1c1: {  	v1 =	vld [tilespmem:s0+$0x0];
	(v2sf) =	vpush v0, $0x4  }
0x1c2: {  	v2 =	vld [tilespmem:s0+$0x10]  }
0x1c3: {  	v3 =	vld [tilespmem:s0+$0x20]  }
0x1c4: {  	v4 =	vld [tilespmem:s0+$0x30];
	s0 =	spop (v2sf)  }
0x1c5: {  	v5 =	vld [tilespmem:s0+$0x0];
	(v2sf) =	vpush v0, $0x5  }
0x1c6: {  	v6 =	vld [tilespmem:s0+$0x10]  }
0x1c7: {  	v7 =	vld [tilespmem:s0+$0x20]  }
0x1c8: {  	v8 =	vld [tilespmem:s0+$0x30];
	s0 =	spop (v2sf)  }
0x1c9: {  	v9 =	vld [tilespmem:s0+$0x0];
	(v2sf) =	vpush v0, $0x6  }
0x1ca: {  	v10 =	vld [tilespmem:s0+$0x10]  }
0x1cb: {  	v11 =	vld [tilespmem:s0+$0x20]  }
0x1cc: {  	v12 =	vld [tilespmem:s0+$0x30];
	s0 =	spop (v2sf)  }
0x1cd: {  	v13 =	vld [tilespmem:s0+$0x0];
	(v2sf) =	vpush v0, $0x7  }
0x1ce: {  	v14 =	vld [tilespmem:s0+$0x10]  }
0x1cf: {  	v15 =	vld [tilespmem:s0+$0x20]  }
0x1d0: {  	v16 =	vld [tilespmem:s0+$0x30];
	s0 =	spop (v2sf)  }
0x1d1: {  	v17 =	vld [tilespmem:s0+$0x0]  }
0x1d2: {  	v18 =	vld [tilespmem:s0+$0x10]  }
0x1d3: {  	v19 =	vld [tilespmem:s0+$0x20]  }
0x1d4: {  	v20 =	vld [tilespmem:s0+$0x30];
	s0 =	spop (v2sf)  }
0x1d5: {  	v21 =	vld [tilespmem:s0+$0x0]  }
0x1d6: {  	v22 =	vld [tilespmem:s0+$0x10]  }
0x1d7: {  	v23 =	vld [tilespmem:s0+$0x20]  }
0x1d8: {  	v24 =	vld [tilespmem:s0+$0x30];
	s0 =	spop (v2sf)  }
0x1d9: {  	v25 =	vld [tilespmem:s0+$0x0]  }
0x1da: {  	v26 =	vld [tilespmem:s0+$0x10]  }
0x1db: {  	v27 =	vld [tilespmem:s0+$0x20]  }
0x1dc: {  	v28 =	vld [tilespmem:s0+$0x30];
	s0 =	spop (v2sf)  }
0x1dd: {  	v29 =	vld [tilespmem:s0+$0x0]  }
0x1de: {  	v30 =	vld [tilespmem:s0+$0x10]  }
0x1df: {  	v31 =	vld [tilespmem:s0+$0x20]  }
0x1e0: {  	s29 =	sadd.s32 $0x800, s29;
	v32 =	vld [tilespmem:s0+$0x30]  }
0x1e1: {  	[tilespmem:s29+$0x0] =	vst.add.f32.msk $0xffff, v1  }
0x1e2: {  	[tilespmem:s29+$0x10] =	vst.add.f32.msk $0xffff, v2  }
0x1e3: {  	[tilespmem:s29+$0x20] =	vst.add.f32.msk $0xffff, v3  }
0x1e4: {  	[tilespmem:s29+$0x30] =	vst.add.f32.msk $0xffff, v4  }
0x1e5: {  	[tilespmem:s29+$0x80] =	vst.add.f32.msk $0xffff, v5  }
0x1e6: {  	[tilespmem:s29+$0x90] =	vst.add.f32.msk $0xffff, v6  }
0x1e7: {  	[tilespmem:s29+$0xA0] =	vst.add.f32.msk $0xffff, v7  }
0x1e8: {  	[tilespmem:s29+$0xB0] =	vst.add.f32.msk $0xffff, v8  }
0x1e9: {  	[tilespmem:s29+$0x100] =	vst.add.f32.msk $0xffff, v9  }
0x1ea: {  	[tilespmem:s29+$0x110] =	vst.add.f32.msk $0xffff, v10  }
0x1eb: {  	[tilespmem:s29+$0x120] =	vst.add.f32.msk $0xffff, v11  }
0x1ec: {  	[tilespmem:s29+$0x130] =	vst.add.f32.msk $0xffff, v12  }
0x1ed: {  	[tilespmem:s29+$0x180] =	vst.add.f32.msk $0xffff, v13  }
0x1ee: {  	[tilespmem:s29+$0x190] =	vst.add.f32.msk $0xffff, v14  }
0x1ef: {  	[tilespmem:s29+$0x1A0] =	vst.add.f32.msk $0xffff, v15  }
0x1f0: {  	[tilespmem:s29+$0x1B0] =	vst.add.f32.msk $0xffff, v16  }
0x1f1: {  	[tilespmem:s29+$0x200] =	vst.add.f32.msk $0xffff, v17;
	(v2sf) =	vpush v0, $0x8  }
0x1f2: {  	[tilespmem:s29+$0x210] =	vst.add.f32.msk $0xffff, v18  }
0x1f3: {  	[tilespmem:s29+$0x220] =	vst.add.f32.msk $0xffff, v19  }
0x1f4: {  	[tilespmem:s29+$0x230] =	vst.add.f32.msk $0xffff, v20  }
0x1f5: {  	[tilespmem:s29+$0x280] =	vst.add.f32.msk $0xffff, v21;
	(v2sf) =	vpush v0, $0x9  }
0x1f6: {  	[tilespmem:s29+$0x290] =	vst.add.f32.msk $0xffff, v22  }
0x1f7: {  	[tilespmem:s29+$0x2A0] =	vst.add.f32.msk $0xffff, v23  }
0x1f8: {  	[tilespmem:s29+$0x2B0] =	vst.add.f32.msk $0xffff, v24  }
0x1f9: {  	[tilespmem:s29+$0x300] =	vst.add.f32.msk $0xffff, v25;
	(v2sf) =	vpush v0, $0xA  }
0x1fa: {  	[tilespmem:s29+$0x310] =	vst.add.f32.msk $0xffff, v26  }
0x1fb: {  	[tilespmem:s29+$0x320] =	vst.add.f32.msk $0xffff, v27  }
0x1fc: {  	[tilespmem:s29+$0x330] =	vst.add.f32.msk $0xffff, v28  }
0x1fd: {  	[tilespmem:s29+$0x380] =	vst.add.f32.msk $0xffff, v29;
	(v2sf) =	vpush v0, $0xB  }
0x1fe: {  	[tilespmem:s29+$0x390] =	vst.add.f32.msk $0xffff, v30  }
0x1ff: {  	s30 =	sadd.s32 $0x10, s30;
	[tilespmem:s29+$0x3A0] =	vst.add.f32.msk $0xffff, v31  }
0x200: {  	p1 =	slt.u32 s30, $0x180;
	[tilespmem:s29+$0x3B0] =	vst.add.f32.msk $0xffff, v32;
	s0 =	spop (v2sf)  }
0x201: {  	v22 =	vld [tilespmem:s0+$0x0];
	(v2sf) =	vpush v0, $0xC  }
0x202: {  	v23 =	vld [tilespmem:s0+$0x10]  }
0x203: {  	v24 =	vld [tilespmem:s0+$0x20]  }
0x204: {  	v25 =	vld [tilespmem:s0+$0x30];
	s0 =	spop (v2sf)  }
0x205: {  	v26 =	vld [tilespmem:s0+$0x0];
	(v2sf) =	vpush v0, $0xD  }
0x206: {  	v27 =	vld [tilespmem:s0+$0x10]  }
0x207: {  	v28 =	vld [tilespmem:s0+$0x20]  }
0x208: {  	v29 =	vld [tilespmem:s0+$0x30];
	s0 =	spop (v2sf)  }
0x209: {  	v30 =	vld [tilespmem:s0+$0x0];
	(v2sf) =	vpush v0, $0xE  }
0x20a: {  	v1 =	vld [tilespmem:s0+$0x10]  }
0x20b: {  	v2 =	vld [tilespmem:s0+$0x20]  }
0x20c: {  	v3 =	vld [tilespmem:s0+$0x30];
	s0 =	spop (v2sf);
	(v2sf) =	vpush v0, $0xF  }
0x20d: {  	v11 =	vld [tilespmem:s0+$0x0]  }
0x20e: {  	v0 =	vld [tilespmem:s0+$0x10]  }
0x20f: {  	v5 =	vld [tilespmem:s0+$0x20]  }
0x210: {  	v4 =	vld [tilespmem:s0+$0x30];
	s0 =	spop (v2sf)  }
0x211: {  	v7 =	vld [tilespmem:s0+$0x0]  }
0x212: {  	v8 =	vld [tilespmem:s0+$0x10]  }
0x213: {  	v9 =	vld [tilespmem:s0+$0x20]  }
0x214: {  	v6 =	vld [tilespmem:s0+$0x30];
	s0 =	spop (v2sf)  }
0x215: {  	v12 =	vld [tilespmem:s0+$0x0]  }
0x216: {  	v13 =	vld [tilespmem:s0+$0x10]  }
0x217: {  	v14 =	vld [tilespmem:s0+$0x20]  }
0x218: {  	v10 =	vld [tilespmem:s0+$0x30];
	s0 =	spop (v2sf)  }
0x219: {  	v15 =	vld [tilespmem:s0+$0x0]  }
0x21a: {  	v16 =	vld [tilespmem:s0+$0x10]  }
0x21b: {  	v17 =	vld [tilespmem:s0+$0x20];
	s1 =	spop (v2sf)  }
0x21c: {  	v31 =	vld [tilespmem:s1+$0x30]  }
0x21d: {  	v20 =	vld [tilespmem:s0+$0x30]  }
0x21e: {  	v21 =	vld [tilespmem:s1+$0x0]  }
0x21f: {  	v19 =	vld [tilespmem:s1+$0x10]  }
0x220: {  	v18 =	vld [tilespmem:s1+$0x20]  }
0x221: {  	[tilespmem:s29+$0x7B0] =	vst.add.f32.msk $0xffff, v31  }
0x222: {  	[tilespmem:s29+$0x400] =	vst.add.f32.msk $0xffff, v22  }
0x223: {  	[tilespmem:s29+$0x410] =	vst.add.f32.msk $0xffff, v23  }
0x224: {  	[tilespmem:s29+$0x420] =	vst.add.f32.msk $0xffff, v24  }
0x225: {  	[tilespmem:s29+$0x430] =	vst.add.f32.msk $0xffff, v25  }
.Ltmp1:
0x226: {  	[tilespmem:s29+$0x480] =	vst.add.f32.msk $0xffff, v26;
	(pc) =	sbr.rel @p1 .LBB2_5-.Ltmp1, $4  }
0x227: {  	[tilespmem:s29+$0x490] =	vst.add.f32.msk $0xffff, v27  }
0x228: {  	[tilespmem:s29+$0x4A0] =	vst.add.f32.msk $0xffff, v28  }
0x229: {  	[tilespmem:s29+$0x4B0] =	vst.add.f32.msk $0xffff, v29  }
0x22a: {  	s31 =	sadd.s32 $0x10, s31;
	[tilespmem:s29+$0x500] =	vst.add.f32.msk $0xffff, v30  }
0x22b: {  	[tilespmem:s29+$0x510] =	vst.add.f32.msk $0xffff, v1  }
0x22c: {  	[tilespmem:s29+$0x520] =	vst.add.f32.msk $0xffff, v2  }
0x22d: {  	[tilespmem:s29+$0x530] =	vst.add.f32.msk $0xffff, v3  }
0x22e: {  	[tilespmem:s29+$0x580] =	vst.add.f32.msk $0xffff, v11  }
0x22f: {  	[tilespmem:s29+$0x590] =	vst.add.f32.msk $0xffff, v0  }
0x230: {  	[tilespmem:s29+$0x5A0] =	vst.add.f32.msk $0xffff, v5  }
0x231: {  	[tilespmem:s29+$0x5B0] =	vst.add.f32.msk $0xffff, v4  }
0x232: {  	[tilespmem:s29+$0x600] =	vst.add.f32.msk $0xffff, v7  }
0x233: {  	[tilespmem:s29+$0x610] =	vst.add.f32.msk $0xffff, v8  }
0x234: {  	[tilespmem:s29+$0x620] =	vst.add.f32.msk $0xffff, v9  }
0x235: {  	[tilespmem:s29+$0x630] =	vst.add.f32.msk $0xffff, v6  }
0x236: {  	[tilespmem:s29+$0x680] =	vst.add.f32.msk $0xffff, v12  }
0x237: {  	[tilespmem:s29+$0x690] =	vst.add.f32.msk $0xffff, v13  }
0x238: {  	[tilespmem:s29+$0x6A0] =	vst.add.f32.msk $0xffff, v14  }
0x239: {  	[tilespmem:s29+$0x6B0] =	vst.add.f32.msk $0xffff, v10  }
0x23a: {  	[tilespmem:s29+$0x700] =	vst.add.f32.msk $0xffff, v15  }
0x23b: {  	[tilespmem:s29+$0x710] =	vst.add.f32.msk $0xffff, v16  }
0x23c: {  	[tilespmem:s29+$0x720] =	vst.add.f32.msk $0xffff, v17  }
0x23d: {  	[tilespmem:s29+$0x730] =	vst.add.f32.msk $0xffff, v20  }
0x23e: {  	[tilespmem:s29+$0x780] =	vst.add.f32.msk $0xffff, v21;
	s0 =	sadd.s32 s28, s9  }
0x23f: {  	[tilespmem:s29+$0x790] =	vst.add.f32.msk $0xffff, v19;
	s0 =	sshll.u32 s0, $0x4  }
0x240: {  	[tilespmem:s29+$0x7A0] =	vst.add.f32.msk $0xffff, v18;
	s0 =	sadd.s32 s7, s0  }
0x241: {  	[hbm4b:s0+s2] =	stream.linear.scatter [tilespmem:s20], [sflag:$0x4], $0xC800, $0x38;
	[tilespmem:$0x1B400] =	vst v63  }
0x242: {  	s0 =	simm.s32 @!p0 $0x4  }
0x243: {  	_ =	swait.ge @!p0 [sflag:s0], $0xC800  }
0x244: {  	s1 =	sadd.s32 @!p0 s28, s14;
	[sflag:s0] =	ssyncset.done @!p0 $0x0  }
0x245: {  	[sflag:s0] =	ssyncadd.s32 @!p0 $0xFFFF3800;
	s0 =	sshrl.u32 @!p0 s1, $0x3  }
0x246: {  	s28 =	simm.s32 @!p0 $0x0;
	s29 =	simm.s32 @!p0 $0x2200;
	s0 =	sadd.s32 @!p0 s6, s0  }
0x247: {  	[tilespmem:s29], [sflag:$0x2] =	stream.linear.gather @!p0 [hbm4b:s0+s28], $0x190, $0x38;
	[tilespmem:$0x1B400] =	vst v63  }
0x248: {  	s0 =	sshll.u32 @!p0 s1, $0x4  }
0x249: {  	p1 =	sne.s32 @!p0 s26, $0xC;
	s1 =	simm.s32 @!p0 $0xEC00;
	s0 =	sadd.s32 @!p0 s4, s0  }
0x24a: {  	[tilespmem:s1], [sflag:$0x2] =	stream.linear.gather @!p0 [hbm4b:s0+s28], $0xC800, $0x38;
	[tilespmem:$0x1B400] =	vst v63  }
0x24b: {  	p0 =	por p0, !p1  }
.Ltmp2:
0x24c: {  	_ = 	snop;
	(pc) =	sbr.rel @!p0 .LBB2_2-.Ltmp2, $1  }
0x24d: {  	_ =	sdelay $0x3  }
0x24e: {  	s25 =	sadd.s32 $0x1, s25  }
0x24f: {  	_ =	swait.ge [sflag:s23], $0xC800;
	p0 =	sne.s32 s25, s15  }
.Ltmp3:
0x250: {  	[sflag:s23] =	ssyncset.done $0x0;
	(pc) =	sbr.rel @p0 .LBB2_1-.Ltmp3, $4  }
0x251: {  	[sflag:s23] =	ssyncadd.s32 $0xFFFF3800  }
0x252: {  	_ =	swait.ge [sflag:s24], $0xC800  }
0x253: {  	[sflag:s24] =	ssyncset.done $0x0  }
0x254: {  	[sflag:s24] =	ssyncadd.s32 $0xFFFF3800  }
0x255: {  	_ =	sfence.sel $0x180000  }
0x256: {  	[bflag:$0x0] =	sbarrier.arrive $0xFFFF  }
0x257: {  	_ =	strace $0x9000004A  }
0x258: {  	s0 =	stileid.u32;
	[bflag:$0x2] =	sbarrier.arrive $0xFFFF  }
0x259: {  	p0 =	sne.s32 s0, $0x0;
	s0 =	rddreg [dreg:$0x1]  }
0x25a: {  	s0 =	sadd.s32 @!p0 $0x100000, s0  }
0x25b: {  	[sflag:s0] =	ssyncadd.tile.s32 @!p0 $0x1;
	_ =	shalt  }
.Lfunc_end2:
_tile_overlayer_lowered:
.L_overlay_start_2:
0x25c: {  	(tag) =	ssettag $0x2  }
0x25d: {  	s0 =	rddreg [dreg:$0x0];
	s2 =	stileid.u32  }
0x25e: {  	s1 =	rddreg [dreg:$0x1];
	p0 =	sne.s32 s2, $0x0  }
0x25f: {  	s3 =	rddreg [dreg:$0x2];
	[bflag:$0x3] =	sbarrier.arrive $0xFFFF;
	s2 =	simm.s32 @!p0 $0x1C05  }
0x260: {  	[timem:s3], [sflag:s2] =	dma.local @!p0 [hbm:s0], s1  }
0x261: {  	s0 =	simm.s32 @!p0 $0x5  }
0x262: {  	_ =	swait.ge @!p0 [sflag:s0], s1  }
0x263: {  	s1 =	ssub.s32 @!p0 $0x0, s1;
	[sflag:s0] =	ssyncset.done @!p0 $0x0  }
0x264: {  	[sflag:s0] =	ssyncadd.s32 @!p0 s1  }
0x265: {  	[bflag:$0x3] =	sbarrier.arrive $0xFFFF  }
0x266: {  	_ =	shalt  }

// kernel: sparse-core-data-format-call.1.cloned.1.call-start
scs
called_computation.1_lowered:
.L_overlay_start_0:
0x0: {  	s2 =	sld [smem:$0x3FD9]  }
0x1: {  	s3 =	sld [smem:$0x3FFE];
	_ =	sdelay $0x1  }
0x2: {  	s1 =	srdreg.scid  }
0x3: {  	s0 =	sand.u32 $0x1, s1  }
0x4: {  	s18 =	sshll.u32 s0, $0xA;
	s2 =	sadd.s32 s3, s2  }
0x5: {  	s2 =	sadd.s32 s2, s18  }
0x6: {  	[smem:$0x3FC3] =	sst s2  }
0x7: {  	_ = 	snop  }
0x8: {  	s2 =	sld [smem:$0x3FC9];
	(tm) =	ssettm $0x1  }
0x9: {  	s19 =	sld [smem:$0x3FFB];
	_ =	sdelay $0x3  }
0xa: {  	_ =	strace s19  }
0xb: {  	s3 =	sld [smem:$0x3FFC];
	_ =	sdelay $0x3  }
0xc: {  	_ =	strace s3  }
0xd: {  	s3 =	sld [smem:$0x3FFD];
	_ =	sdelay $0x3  }
0xe: {  	_ =	strace s3  }
0xf: {  	_ =	strace $0x8FFFFFFF  }
0x10: {  	s20 =	sld [smem:$0x3FDB];
	_ =	sdelay $0x1  }
0x11: {  	s4 =	simm.s32 $_scs_section_size  }
0x12: {  	s5 =	simm.s32 $_size__tile_overlayer_lowered;
	s6 =	simm.s32 $_tile_overlayer_lowered  }
0x13: {  	s23 =	simm.s32 $0x1BFF;
	s22 =	sshll.u32 s6, $0x1;
	s3 =	sadd.s32 s4, s20  }
0x14: {  	s7 =	simm.s32 $0x0;
	s21 =	sshll.u32 s5, $0x1;
	s5 =	sadd.s32 s22, s3  }
0x15: {  	[timem:s7], [sflag:s23] =	dma.local [hbm:s5], s21  }
0x16: {  	_ =	swait.ge [sflag:s23], s21  }
0x17: {  	s4 =	ssub.s32 $0x0, s21;
	[sflag:s23] =	ssyncset.done $0x0  }
0x18: {  	[sflag:s23] =	ssyncadd.s32 s4;
	_ =	sdelay $0x1  }
0x19: {  	s24 =	simm.s32 $0x1B8B  }
0x1a: {  	_ =	swait.ge [sflag:s24], $0x1  }
0x1b: {  	[sflag:s24] =	ssyncset.done $0x0  }
0x1c: {  	s26 =	simm.s32 $0x1B8E;
	s25 =	sld [smem:$0x3FFE];
	[sflag:s24] =	ssyncadd.s32 $0xFFFFFFFF  }
0x1d: {  	s27 =	simm.s32 $execute0_lowered;
	[smem:$0x3FD2] =	sst s26  }
0x1e: {  	s5 =	sshll.u32 s27, $0x1;
	_ =	strace $0x80000046;
	[dreg:$0x1] =	wrdreg $0xFFFFFFFF  }
0x1f: {  	s28 =	simm.s32 $_size_execute0_lowered;
	s3 =	sadd.s32 s3, s5;
	[dreg:$0x0] =	wrdreg $0x0  }
0x20: {  	s5 =	sshll.u32 s28, $0x1;
	[dreg:$0x2] =	wrdreg s3  }
0x21: {  	[dreg:$0x3] =	wrdreg s5  }
0x22: {  	[dreg:$0x4] =	wrdreg $0xC0  }
0x23: {  	_ =	task [dreg:s7], $0x5FFFF  }
0x24: {  	[dreg:$0x1] =	wrdreg $0xFFFFFFFF  }
0x25: {  	[dreg:$0x0] =	wrdreg $0x60  }
0x26: {  	[dreg:$0x2] =	wrdreg s2  }
0x27: {  	[dreg:$0x3] =	wrdreg s25  }
0x28: {  	[dreg:$0x4] =	wrdreg $0x9  }
0x29: {  	_ =	task.clear_ibuf [dreg:s7], $0x5FFFF;
	_ =	strace $0x90000046  }
0x2a: {  	s29 =	simm.s32 $0x9;
	_ =	strace $0x80000048  }
0x2b: {  	_ =	swait.ge [sflag:s29], $0x1  }
0x2c: {  	[sflag:s29] =	ssyncadd.s32 $0xFFFFFFFF  }
0x2d: {  	_ =	strace $0x90000048  }
0x2e: {  	_ =	sfence  }
0x2f: {  	s30 =	sld [smem:$0x0];
	_ =	sdelay $0x2  }
0x30: {  	s31 =	sshll.u32 s1, $0xD;
	s1 =	sshrl.u32 s1, $0x2  }
0x31: {  	s3 =	sand.u32 $0x4000, s31;
	s1 =	sadd.s32 s1, s30  }
0x32: {  	s0 =	sor.u32 s3, s0;
	s1 =	sshll.u32 s1, $0x11  }
0x33: {  	s0 =	sor.u32 s1, s0  }
0x34: {  	s0 =	sadd.s32 $0x8F2B, s0  }
0x35: {  	[sflag:s0] =	ssyncadd.remote.s32 $0x1  }
0x36: {  	_ =	sfence.sel $0xFFFF  }
0x37: {  	[dreg:$0x0] =	wrdreg $0xFFFFFFFF;
	(pc) =	sbr.abs _section_cstart, $3  }
0x38: {  	[dreg:$0x1] =	wrdreg $0xFFFFFFFF  }
0x39: {  	_ =	task.clear_ibuf [dreg:s7], $0x2FFFF;
	_ =	strace $0x9FFFFFFF  }
0x3a: {  	(tm) =	ssettm $0x7FFFFFFF  }
0x3b: {  	_ =	shalt  }
tec
execute0_lowered:
.L_overlay_start_1:
0x0: {  	(tag) =	ssettag $0x1  }
0x1: {  	s0 =	srdreg.scid  }
0x2: {  	s1 =	sshll.u32 s0, $0x4  }
0x3: {  	s3 =	rddreg [dreg:$0x0];
	s0 =	stileid.u32;
	s1 =	sand.u32 $0x10, s1  }
0x4: {  	s6 =	rddreg [dreg:$0x1];
	s1 =	sor.u32 s0, s1  }
0x5: {  	s5 =	simm.s32 $0x1;
	s31 =	simm.s32 $0x2;
	s2 =	sshll.u32 s1, $0x8  }
0x6: {  	s14 =	simm.s32 $0x0;
	s8 =	simm.s32 $0x1C00;
	s4 =	ssub.s32 $0x4000, s2  }
0x7: {  	s13 =	simm.s32 $0x0;
	s15 =	simm.s32 $0x0;
	s30 =	sand.u32 $0x1F00, s4  }
0x8: {  	s10 =	simm.s32 $0x0;
	s11 =	simm.s32 $0x0;
	p0 =	sne.s32 s30, $0x0  }
.Ltmp0:
0x9: {  	s7 =	sshrl.u32 s4, $0xD;
	s5 =	simm.s32 @!p0 $0x0;
	(pc) =	sbr.rel .LBB1_1-.Ltmp0, $4  }
0xa: {  	s12 =	simm.s32 $0x0;
	s1 =	rddreg [dreg:$0x2];
	s5 =	sadd.s32 s5, s7  }
0xb: {  	_ =	strace $0x80000047;
	s4 =	simm.s32 $0x1;
	s5 =	smul.u32 $0x32, s5  }
0xc: {  	s6 =	sadd.s32 $0x1C00, s6;
	s9 =	smov.u32 s2;
	[sflag:s4] =	ssyncpa.u1 $0x0  }
0xd: {  	[sflag:s31] =	ssyncpa.u1 $0x0;
	p0 =	por $0x0, $0x0;
	s7 =	sor.u32 $0x1, s5  }
.LBB1_4:
0xe: {  	_ =	sdelay $0x3  }
0xf: {  	s23 =	sor.u32 s26, s25;
	v47 =	vld.idx.msk [tilespmem:v0+s18+$0x470 ss:$0x1], $0xffff  }
0x10: {  	v57 =	vld.idx.msk [tilespmem:v0+s23+$0x410 ss:$0x1], $0xffff  }
0x11: {  	[tilespmem:s20+$0x1860 ss:$0x41] =	vst.msk $0xffff, v8;
	v58 =	vld.idx.msk [tilespmem:v0+s23+$0x420 ss:$0x1], $0xffff  }
0x12: {  	[tilespmem:s20+$0x1C70 ss:$0x41] =	vst.msk $0xffff, v7;
	v59 =	vld.idx.msk [tilespmem:v0+s23+$0x430 ss:$0x1], $0xffff  }
0x13: {  	[tilespmem:s20+$0x2490 ss:$0x41] =	vst.msk $0xffff, v1;
	v60 =	vld.idx.msk [tilespmem:v0+s23+$0x440 ss:$0x1], $0xffff  }
0x14: {  	[tilespmem:s20+$0x28A0 ss:$0x41] =	vst.msk $0xffff, v2;
	s24 =	sand.u32 $0x3B00, s23;
	v61 =	vld.idx.msk [tilespmem:v0+s23+$0x450 ss:$0x1], $0xffff  }
0x15: {  	s22 =	sand.u32 $0x80, s22;
	[tilespmem:s20+$0x2CB0 ss:$0x41] =	vst.msk $0xffff, v3;
	v62 =	vld.idx.msk [tilespmem:v0+s23+$0x460 ss:$0x1], $0xffff;
	s17 =	sadd.s32 s24, s17  }
0x16: {  	[tilespmem:s20+$0x30C0 ss:$0x41] =	vst.msk $0xffff, v4;
	v63 =	vld.idx.msk [tilespmem:v0+s23+$0x470 ss:$0x1], $0xffff;
	s17 =	sadd.s32 s22, s17  }
0x17: {  	[tilespmem:s20+$0x34D0 ss:$0x41] =	vst.msk $0xffff, v5;
	v48 =	vld [tilespmem:s17+$0x400]  }
0x18: {  	s26 =	sshra.s32 s21, $0x2;
	[tilespmem:s20+$0x38E0 ss:$0x41] =	vst.msk $0xffff, v6;
	v49 =	vld [tilespmem:s17+$0x0]  }
0x19: {  	s18 =	sadd.s32 s26, s19;
	v50 =	vld [tilespmem:s17+$0x10];
	[tilespmem:s20+$0x3CF0 ss:$0x41] =	vst.msk $0xffff, v47  }
0x1a: {  	v51 =	vld [tilespmem:s17+$0x20];
	[tilespmem:s18+$0x2490 ss:$0x41] =	vst.msk $0xffff, v57  }
0x1b: {  	v52 =	vld [tilespmem:s17+$0x30];
	[tilespmem:s18+$0x28A0 ss:$0x41] =	vst.msk $0xffff, v58  }
0x1c: {  	v53 =	vld [tilespmem:s17+$0x40];
	[tilespmem:s18+$0x2CB0 ss:$0x41] =	vst.msk $0xffff, v59  }
0x1d: {  	v54 =	vld [tilespmem:s17+$0x50];
	[tilespmem:s18+$0x30C0 ss:$0x41] =	vst.msk $0xffff, v60  }
0x1e: {  	s15 =	sshll.u32 s15, $0x7;
	s27 =	sshll.u32 s13, $0x3;
	v55 =	vld [tilespmem:s17+$0x60];
	[tilespmem:s18+$0x34D0 ss:$0x41] =	vst.msk $0xffff, v61  }
0x1f: {  	s28 =	sand.u32 $0xFFFFFC00, s15;
	v56 =	vld [tilespmem:s17+$0x70];
	s17 =	sand.u32 $0xFFFFFC00, s27;
	[tilespmem:s18+$0x38E0 ss:$0x41] =	vst.msk $0xffff, v62  }
0x20: {  	s15 =	sand.u32 $0x380, s15;
	s17 =	sadd.s32 s28, s17;
	[tilespmem:s18+$0x3CF0 ss:$0x41] =	vst.msk $0xffff, v63  }
0x21: {  	s15 =	sor.u32 s15, s17;
	[tilespmem:s18+$0x2080 ss:$0x41] =	vst.msk $0xffff, v48  }
0x22: {  	s15 =	sshrl.u32 s15, $0x7;
	[tilespmem:s18+$0x0 ss:$0x41] =	vst.msk $0xffff, v49  }
0x23: {  	s29 =	smulhi.u32 $0x4924925, s15;
	[tilespmem:s18+$0x410 ss:$0x41] =	vst.msk $0xffff, v50  }
0x24: {  	s14 =	smul.u32 $0x380, s14;
	[tilespmem:s18+$0x820 ss:$0x41] =	vst.msk $0xffff, v51  }
0x25: {  	[tilespmem:s18+$0xC30 ss:$0x41] =	vst.msk $0xffff, v52;
	s17 =	smul.u32 $0x38, s29  }
0x26: {  	s30 =	sshrl.u32 s13, $0x3;
	s31 =	sand.u32 $0x7, s13;
	[tilespmem:s18+$0x1040 ss:$0x41] =	vst.msk $0xffff, v53  }
0x27: {  	s14 =	sadd.s32 s6, s14;
	[tilespmem:s18+$0x1450 ss:$0x41] =	vst.msk $0xffff, v54;
	s15 =	ssub.s32 s15, s17;
	s17 =	sand.u32 $0xF, s30  }
0x28: {  	s13 =	sshll.u32 s31, $0x12;
	[tilespmem:s18+$0x1860 ss:$0x41] =	vst.msk $0xffff, v55;
	s15 =	sshll.u32 s15, $0x4;
	s14 =	sadd.s32 s17, s14  }
0x29: {  	s13 =	sor.u32 $0x40, s13;
	[tilespmem:s18+$0x1C70 ss:$0x41] =	vst.msk $0xffff, v56;
	s14 =	sadd.s32 s15, s14  }
0x2a: {  	[hbm4b:s14+s13] =	stream.strided.scatter [tilespmem:s16], [sflag:$0x2], $0x4000, s8, s13, $0x18;
	[tilespmem:$0x10200] =	vst v63  }
.LBB1_5:
0x2b: {  	s16 =	sadd.s32 $0x2000, s9  }
0x2c: {  	s13 =	sadd.s32 $0x40, s10;
	s17 =	smov.u32 s10;
	p2 =	sgt.s32 s16, $0x3FFF  }
0x2d: {  	s17 =	smov.u32 @p2 s13  }
0x2e: {  	s13 =	simm.s32 $0x1;
	p3 =	sgt.s32 s17, $0x3F  }
0x2f: {  	s13 =	simm.s32 @!p3 $0x0  }
0x30: {  	s19 =	sadd.s32 s13, s11  }
0x31: {  	s16 =	smov.u32 @p2 s2;
	p2 =	sgt.s32 s19, $0x31  }
0x32: {  	p1 =	slt.u32 s12, $0x2;
	s19 =	simm.s32 @p2 $0x0;
	p2 =	sne.s32 s12, s7  }
.Ltmp1:
0x33: {  	s18 =	simm.s32 @!p1 $0x2;
	(pc) =	sbr.rel @!p2 .LBB1_6-.Ltmp1, $4  }
0x34: {  	s14 =	smov.u32 s9;
	s15 =	smov.u32 s11;
	_ =	swait.ge @!p1 [sflag:s18], $0x4000  }
0x35: {  	p0 =	por !p0, !p0;
	[sflag:s18] =	ssyncset.done @!p1 $0x0;
	s9 =	smov.u32 s16  }
0x36: {  	s17 =	simm.s32 @p3 $0x0;
	[sflag:s18] =	ssyncadd.s32 @!p1 $0xFFFFC000;
	s13 =	smov.u32 s10  }
0x37: {  	s10 =	smov.u32 s17;
	s12 =	sadd.s32 $0x1, s12;
	s11 =	smov.u32 s19  }
.LBB1_1:
0x38: {  	p1 =	sge.u32 s12, s5;
	s31 =	sadd.s32 $0xFFFFFFFF, s12  }
0x39: {  	s16 =	sxor.u32 @!p1 $0xFFFFFFFF, s12;
	s17 =	sand.u32 @!p1 $0x78, s9;
	s18 =	sshll.u32 @!p1 s10, $0xE  }
0x3a: {  	s19 =	sshll.u32 @!p1 s10, $0x7;
	s20 =	sshll.u32 @!p1 s9, $0x3;
	s16 =	sshll.u32 @!p1 s16, $0xE  }
0x3b: {  	s18 =	sand.u32 @!p1 $0xE0000, s18;
	s19 =	sand.u32 @!p1 $0x380, s19;
	s16 =	sand.u32 @!p1 $0x4000, s16  }
0x3c: {  	s18 =	sadd.s32 @!p1 s18, s20;
	s20 =	sand.u32 @!p1 $0x3C00, s20;
	s17 =	sor.u32 @!p1 s19, s17  }
0x3d: {  	s19 =	sshll.u32 @!p1 s11, $0x11;
	s17 =	sor.u32 @!p1 s20, s17;
	s18 =	sshrl.u32 @!p1 s18, $0x3  }
0x3e: {  	s19 =	sadd.s32 @!p1 s3, s19;
	s20 =	sand.u32 @!p1 $0x7, s9;
	s18 =	sand.u32 @!p1 $0x1F800, s18  }
0x3f: {  	s17 =	sshrl.u32 @!p1 s17, $0x3;
	s18 =	sadd.s32 @!p1 s18, s19;
	s19 =	sshll.u32 @!p1 s20, $0x12  }
0x40: {  	s17 =	sadd.s32 @!p1 s17, s18;
	s18 =	sor.u32 @!p1 $0x800, s19;
	s19 =	simm.s32 @!p1 $0x20000  }
0x41: {  	[tilespmem:s16], [sflag:$0x1] =	stream.strided.gather @!p1 [hbm4b:s17+s18], $0x4000, s19, s18, $0x38;
	[tilespmem:$0x10200] =	vst v63  }
0x42: {  	p1 =	sge.u32 s31, s5  }
.Ltmp2:
0x43: {  	_ = 	snop;
	(pc) =	sbr.rel @p1 .LBB1_5-.Ltmp2, $1  }
0x44: {  	_ =	sdelay $0x3  }
0x45: {  	s19 =	simm.s32 $0x0  }
0x46: {  	s18 =	sand.u32 $0x3800, s19;
	s20 =	sand.u32 $0x380, s19  }
0x47: {  	s16 =	sand.u32 $0x1, s12;
	s18 =	sor.u32 s20, s18  }
0x48: {  	_ =	swait.ge [sflag:s4], $0x4000;
	s17 =	sshll.u32 s16, $0xE;
	s20 =	sand.u32 $0x3B00, s18  }
0x49: {  	[sflag:s4] =	ssyncset.done $0x0;
	s19 =	sand.u32 $0x80, s19;
	s20 =	sadd.s32 s20, s17  }
0x4a: {  	[sflag:s4] =	ssyncadd.s32 $0xFFFFC000;
	s22 =	sadd.s32 s19, s20  }
0x4b: {  	v4 =	vld [tilespmem:s22+$0x400]  }
0x4c: {  	s21 =	simm.s32 $0x1;
	v5 =	vld [tilespmem:s22+$0x0]  }
0x4d: {  	s21 =	simm.s32 @!p0 $0x0;
	v6 =	vld [tilespmem:s22+$0x10]  }
0x4e: {  	v0 =	vmov s17;
	s31 =	smul.u32 $0x10400, s21;
	v7 =	vld [tilespmem:s22+$0x20]  }
0x4f: {  	v9 =	vld [tilespmem:s22+$0x30]  }
0x50: {  	s19 =	sshrl.u32 s31, $0x2;
	v10 =	vld [tilespmem:s22+$0x40]  }
0x51: {  	s19 =	sor.u32 $0x8000, s19;
	v11 =	vld [tilespmem:s22+$0x50]  }
0x52: {  	v8 =	vld [tilespmem:s22+$0x60];
	s20 =	sadd.s32 $0x0, s19  }
0x53: {  	v1 =	vld.idx.msk [tilespmem:v0+s18+$0x410 ss:$0x1], $0xffff;
	[tilespmem:s20+$0x2080 ss:$0x41] =	vst.msk $0xffff, v4  }
0x54: {  	v2 =	vld.idx.msk [tilespmem:v0+s18+$0x420 ss:$0x1], $0xffff;
	[tilespmem:s20+$0x0 ss:$0x41] =	vst.msk $0xffff, v5  }
0x55: {  	v3 =	vld.idx.msk [tilespmem:v0+s18+$0x430 ss:$0x1], $0xffff;
	[tilespmem:s20+$0x410 ss:$0x41] =	vst.msk $0xffff, v6  }
0x56: {  	s16 =	smul.u32 $0x10400, s16;
	[tilespmem:s20+$0x820 ss:$0x41] =	vst.msk $0xffff, v7;
	v7 =	vld [tilespmem:s22+$0x70]  }
0x57: {  	s23 =	simm.s32 $0x100;
	s24 =	simm.s32 $0x8;
	[tilespmem:s20+$0xC30 ss:$0x41] =	vst.msk $0xffff, v9;
	v4 =	vld.idx.msk [tilespmem:v0+s18+$0x440 ss:$0x1], $0xffff  }
0x58: {  	s25 =	sand.u32 $0x3800, s23;
	s16 =	sshrl.u32 s16, $0x2;
	[tilespmem:s20+$0x1040 ss:$0x41] =	vst.msk $0xffff, v10;
	v5 =	vld.idx.msk [tilespmem:v0+s18+$0x450 ss:$0x1], $0xffff;
	s22 =	simm.s32 $0x80  }
0x59: {  	s21 =	simm.s32 $0x4;
	s16 =	sor.u32 $0x8000, s16;
	[tilespmem:s20+$0x1450 ss:$0x41] =	vst.msk $0xffff, v11;
	v6 =	vld.idx.msk [tilespmem:v0+s18+$0x460 ss:$0x1], $0xffff;
	s26 =	sand.u32 $0x380, s22  }
.LBB1_3:
0x5a: {  	p1 =	sne.s32 s24, $0xFC;
	[tilespmem:s20+$0x1860 ss:$0x41] =	vst.msk $0xffff, v8;
	v8 =	vld.idx.msk [tilespmem:v0+s18+$0x470 ss:$0x1], $0xffff;
	s18 =	sor.u32 s26, s25  }
0x5b: {  	s25 =	sand.u32 $0x3B00, s18;
	v9 =	vld.idx.msk [tilespmem:v0+s18+$0x410 ss:$0x1], $0xffff;
	[tilespmem:s20+$0x1C70 ss:$0x41] =	vst.msk $0xffff, v7  }
0x5c: {  	s26 =	sand.u32 $0x80, s22;
	s25 =	sadd.s32 s25, s17;
	v7 =	vld.idx.msk [tilespmem:v0+s18+$0x420 ss:$0x1], $0xffff;
	[tilespmem:s20+$0x2490 ss:$0x41] =	vst.msk $0xffff, v1  }
0x5d: {  	s25 =	sadd.s32 s26, s25;
	v10 =	vld.idx.msk [tilespmem:v0+s18+$0x430 ss:$0x1], $0xffff;
	[tilespmem:s20+$0x28A0 ss:$0x41] =	vst.msk $0xffff, v2  }
0x5e: {  	v11 =	vld [tilespmem:s25+$0x400];
	[tilespmem:s20+$0x2CB0 ss:$0x41] =	vst.msk $0xffff, v3  }
0x5f: {  	v12 =	vld [tilespmem:s25+$0x0];
	[tilespmem:s20+$0x30C0 ss:$0x41] =	vst.msk $0xffff, v4  }
0x60: {  	v4 =	vld [tilespmem:s25+$0x10];
	[tilespmem:s20+$0x34D0 ss:$0x41] =	vst.msk $0xffff, v5  }
0x61: {  	s26 =	sshra.s32 s21, $0x2;
	s21 =	smov.u32 s24;
	v1 =	vmov v9;
	v5 =	vld [tilespmem:s25+$0x20];
	[tilespmem:s20+$0x38E0 ss:$0x41] =	vst.msk $0xffff, v6  }
0x62: {  	v2 =	vmov v7;
	v6 =	vld [tilespmem:s25+$0x30];
	[tilespmem:s20+$0x3CF0 ss:$0x41] =	vst.msk $0xffff, v8;
	s20 =	sadd.s32 s26, s19  }
0x63: {  	v3 =	vmov v10;
	v9 =	vld [tilespmem:s25+$0x40];
	[tilespmem:s20+$0x2080 ss:$0x41] =	vst.msk $0xffff, v11  }
0x64: {  	[tilespmem:s20+$0x0 ss:$0x41] =	vst.msk $0xffff, v12;
	v10 =	vld [tilespmem:s25+$0x50]  }
.Ltmp3:
0x65: {  	[tilespmem:s20+$0x410 ss:$0x41] =	vst.msk $0xffff, v4;
	v8 =	vld [tilespmem:s25+$0x60];
	(pc) =	sbr.rel @p1 .LBB1_3-.Ltmp3, $4  }
0x66: {  	[tilespmem:s20+$0x820 ss:$0x41] =	vst.msk $0xffff, v5;
	v7 =	vld [tilespmem:s25+$0x70]  }
0x67: {  	[tilespmem:s20+$0xC30 ss:$0x41] =	vst.msk $0xffff, v6;
	v4 =	vld.idx.msk [tilespmem:v0+s18+$0x440 ss:$0x1], $0xffff  }
0x68: {  	s22 =	sadd.s32 $0x80, s22;
	s23 =	sadd.s32 $0x100, s23;
	[tilespmem:s20+$0x1040 ss:$0x41] =	vst.msk $0xffff, v9;
	v5 =	vld.idx.msk [tilespmem:v0+s18+$0x450 ss:$0x1], $0xffff  }
0x69: {  	s24 =	sadd.s32 $0x4, s24;
	s26 =	sand.u32 $0x380, s22;
	s25 =	sand.u32 $0x3800, s23;
	[tilespmem:s20+$0x1450 ss:$0x41] =	vst.msk $0xffff, v10;
	v6 =	vld.idx.msk [tilespmem:v0+s18+$0x460 ss:$0x1], $0xffff  }
.Ltmp4:
0x6a: {  	_ = 	snop;
	(pc) =	sbr.rel .LBB1_4-.Ltmp4, $1  }
0x6b: {  	_ =	sdelay $0x3  }
.LBB1_6:
0x6c: {  	_ =	sfence.sel $0x180000  }
0x6d: {  	s2 =	simm.s32 $0x1;
	[bflag:$0x0] =	sbarrier.arrive $0xFFFF  }
0x6e: {  	s31 =	simm.s32 $0x2;
	[sflag:s2] =	ssyncpa.u1 $0x1  }
0x6f: {  	[sflag:s31] =	ssyncpa.u1 $0x1  }
0x70: {  	p0 =	sne.s32 s0, $0x0;
	_ =	strace $0x90000047  }
0x71: {  	s0 =	sadd.s32 @!p0 $0x100000, s1;
	[bflag:$0x2] =	sbarrier.arrive $0xFFFF  }
0x72: {  	[sflag:s0] =	ssyncadd.tile.s32 @!p0 $0x1;
	_ =	shalt  }
.Lfunc_end1:
_tile_overlayer_lowered:
.L_overlay_start_2:
0x73: {  	(tag) =	ssettag $0x2  }
0x74: {  	s0 =	rddreg [dreg:$0x0];
	s2 =	stileid.u32  }
0x75: {  	s1 =	rddreg [dreg:$0x1];
	p0 =	sne.s32 s2, $0x0  }
0x76: {  	s3 =	rddreg [dreg:$0x2];
	[bflag:$0x3] =	sbarrier.arrive $0xFFFF;
	s2 =	simm.s32 @!p0 $0x1C01  }
0x77: {  	[timem:s3], [sflag:s2] =	dma.local @!p0 [hbm:s0], s1  }
0x78: {  	s0 =	simm.s32 @!p0 $0x1  }
0x79: {  	_ =	swait.ge @!p0 [sflag:s0], s1  }
0x7a: {  	s1 =	ssub.s32 @!p0 $0x0, s1;
	[sflag:s0] =	ssyncset.done @!p0 $0x0  }
0x7b: {  	[sflag:s0] =	ssyncadd.s32 @!p0 s1  }
0x7c: {  	[bflag:$0x3] =	sbarrier.arrive $0xFFFF  }
0x7d: {  	_ =	shalt  }

// kernel: sparse-core-data-format-call.cloned.1.call-start
scs
called_computation_lowered:
.L_overlay_start_0:
0x0: {  	s2 =	sld [smem:$0x3FD9]  }
0x1: {  	s3 =	sld [smem:$0x3FFE];
	_ =	sdelay $0x1  }
0x2: {  	s1 =	srdreg.scid  }
0x3: {  	s0 =	sand.u32 $0x1, s1  }
0x4: {  	s18 =	sshll.u32 s0, $0xA;
	s2 =	sadd.s32 s3, s2  }
0x5: {  	s2 =	sadd.s32 s2, s18  }
0x6: {  	[smem:$0x3FC3] =	sst s2  }
0x7: {  	_ = 	snop  }
0x8: {  	s2 =	sld [smem:$0x3FD0];
	(tm) =	ssettm $0x1  }
0x9: {  	s19 =	sld [smem:$0x3FFB];
	_ =	sdelay $0x3  }
0xa: {  	_ =	strace s19  }
0xb: {  	s3 =	sld [smem:$0x3FFC];
	_ =	sdelay $0x3  }
0xc: {  	_ =	strace s3  }
0xd: {  	s3 =	sld [smem:$0x3FFD];
	_ =	sdelay $0x3  }
0xe: {  	_ =	strace s3  }
0xf: {  	_ =	strace $0x8FFFFFFF  }
0x10: {  	s20 =	sld [smem:$0x3FDB];
	_ =	sdelay $0x1  }
0x11: {  	s4 =	simm.s32 $_scs_section_size  }
0x12: {  	s5 =	simm.s32 $_size__tile_overlayer_lowered;
	s6 =	simm.s32 $_tile_overlayer_lowered  }
0x13: {  	s23 =	simm.s32 $0x1BFF;
	s22 =	sshll.u32 s6, $0x1;
	s3 =	sadd.s32 s4, s20  }
0x14: {  	s7 =	simm.s32 $0x0;
	s21 =	sshll.u32 s5, $0x1;
	s5 =	sadd.s32 s22, s3  }
0x15: {  	[timem:s7], [sflag:s23] =	dma.local [hbm:s5], s21  }
0x16: {  	_ =	swait.ge [sflag:s23], s21  }
0x17: {  	s4 =	ssub.s32 $0x0, s21;
	[sflag:s23] =	ssyncset.done $0x0  }
0x18: {  	[sflag:s23] =	ssyncadd.s32 s4;
	_ =	sdelay $0x1  }
0x19: {  	s24 =	simm.s32 $0x1B8B  }
0x1a: {  	_ =	swait.ge [sflag:s24], $0x1  }
0x1b: {  	[sflag:s24] =	ssyncset.done $0x0  }
0x1c: {  	s26 =	simm.s32 $0x1B8E;
	s25 =	sld [smem:$0x3FFE];
	[sflag:s24] =	ssyncadd.s32 $0xFFFFFFFF  }
0x1d: {  	s27 =	simm.s32 $execute0_lowered;
	[smem:$0x3FD2] =	sst s26  }
0x1e: {  	s5 =	sshll.u32 s27, $0x1;
	_ =	strace $0x8000004C;
	[dreg:$0x1] =	wrdreg $0xFFFFFFFF  }
0x1f: {  	s28 =	simm.s32 $_size_execute0_lowered;
	s3 =	sadd.s32 s3, s5;
	[dreg:$0x0] =	wrdreg $0x0  }
0x20: {  	s5 =	sshll.u32 s28, $0x1;
	[dreg:$0x2] =	wrdreg s3  }
0x21: {  	[dreg:$0x3] =	wrdreg s5  }
0x22: {  	[dreg:$0x4] =	wrdreg $0xC0  }
0x23: {  	_ =	task [dreg:s7], $0x5FFFF  }
0x24: {  	[dreg:$0x1] =	wrdreg $0xFFFFFFFF  }
0x25: {  	[dreg:$0x0] =	wrdreg $0x60  }
0x26: {  	[dreg:$0x2] =	wrdreg s25  }
0x27: {  	[dreg:$0x3] =	wrdreg s2  }
0x28: {  	[dreg:$0x4] =	wrdreg $0x9  }
0x29: {  	_ =	task.clear_ibuf [dreg:s7], $0x5FFFF;
	_ =	strace $0x9000004C  }
0x2a: {  	s29 =	simm.s32 $0x9;
	_ =	strace $0x8000004E  }
0x2b: {  	_ =	swait.ge [sflag:s29], $0x1  }
0x2c: {  	[sflag:s29] =	ssyncadd.s32 $0xFFFFFFFF  }
0x2d: {  	_ =	strace $0x9000004E  }
0x2e: {  	_ =	sfence  }
0x2f: {  	s30 =	sld [smem:$0x0];
	_ =	sdelay $0x2  }
0x30: {  	s31 =	sshll.u32 s1, $0xD;
	s1 =	sshrl.u32 s1, $0x2  }
0x31: {  	s3 =	sand.u32 $0x4000, s31;
	s1 =	sadd.s32 s1, s30  }
0x32: {  	s0 =	sor.u32 s3, s0;
	s1 =	sshll.u32 s1, $0x11  }
0x33: {  	s0 =	sor.u32 s1, s0  }
0x34: {  	s0 =	sadd.s32 $0x8F2B, s0  }
0x35: {  	[sflag:s0] =	ssyncadd.remote.s32 $0x1  }
0x36: {  	_ =	sfence.sel $0xFFFF  }
0x37: {  	[dreg:$0x0] =	wrdreg $0xFFFFFFFF;
	(pc) =	sbr.abs _section_cstart, $3  }
0x38: {  	[dreg:$0x1] =	wrdreg $0xFFFFFFFF  }
0x39: {  	_ =	task.clear_ibuf [dreg:s7], $0x2FFFF;
	_ =	strace $0x9FFFFFFF  }
0x3a: {  	(tm) =	ssettm $0x7FFFFFFF  }
0x3b: {  	_ =	shalt  }
tec
execute0_lowered:
.L_overlay_start_1:
0x0: {  	(tag) =	ssettag $0x1  }
0x1: {  	s0 =	srdreg.scid  }
0x2: {  	s1 =	sshll.u32 s0, $0x4  }
0x3: {  	s0 =	stileid.u32;
	s1 =	sand.u32 $0x10, s1  }
0x4: {  	s1 =	sor.u32 s0, s1  }
0x5: {  	s6 =	rddreg [dreg:$0x0];
	s4 =	simm.s32 $0x1;
	s2 =	sshll.u32 s1, $0x7  }
0x6: {  	s7 =	simm.s32 $0x2;
	s12 =	simm.s32 $0x0;
	s1 =	ssub.s32 $0x4000, s2  }
0x7: {  	s8 =	simm.s32 $0x20000;
	s13 =	simm.s32 $0x0;
	s3 =	sand.u32 $0xF80, s1  }
0x8: {  	s9 =	simm.s32 $0x0;
	s5 =	sshrl.u32 s1, $0xC;
	p0 =	sne.s32 s3, $0x0  }
.Ltmp0:
0x9: {  	s1 =	rddreg [dreg:$0x2];
	s4 =	simm.s32 @!p0 $0x0;
	(pc) =	sbr.rel .LBB1_1-.Ltmp0, $4  }
0xa: {  	s11 =	simm.s32 $0x0;
	s3 =	rddreg [dreg:$0x1];
	s5 =	sadd.s32 s4, s5  }
0xb: {  	_ =	strace $0x8000004D;
	s4 =	simm.s32 $0x1;
	s5 =	smul.u32 $0x32, s5  }
0xc: {  	s6 =	sadd.s32 $0xC81C00, s6;
	s10 =	smov.u32 s2;
	[sflag:s4] =	ssyncpa.u1 $0x0  }
0xd: {  	p0 =	por $0x0, $0x0;
	[sflag:s7] =	ssyncpa.u1 $0x0;
	s7 =	sor.u32 $0x1, s5  }
.LBB1_4:
0xe: {  	s16 =	sshll.u32 s13, $0x3;
	s17 =	sand.u32 $0x78, s13  }
0xf: {  	s30 =	sand.u32 $0x1F800, s13;
	s12 =	sshll.u32 s12, $0x11;
	s16 =	sand.u32 $0x3C00, s16  }
0x10: {  	[tilespmem:s15+$0x810 ss:$0x81] =	vst.msk $0xffff, v2;
	s31 =	sand.u32 $0x7, s13;
	s16 =	sor.u32 s17, s16;
	s17 =	sadd.s32 s3, s30  }
0x11: {  	[tilespmem:s15+$0x1020 ss:$0x81] =	vst.msk $0xffff, v0;
	s13 =	sshll.u32 s31, $0x12;
	s12 =	sadd.s32 s12, s17;
	s16 =	sshrl.u32 s16, $0x3  }
0x12: {  	[tilespmem:s15+$0x0 ss:$0x81] =	vst.msk $0xffff, v1;
	s13 =	sor.u32 $0x400, s13;
	s12 =	sadd.s32 s16, s12  }
0x13: {  	[hbm4b:s12+s13] =	stream.strided.scatter [tilespmem:s14], [sflag:$0x2], $0x2000, s8, s13, $0x20;
	[tilespmem:$0x8080] =	vst v63  }
.LBB1_5:
0x14: {  	s14 =	sadd.s32 $0x1, s9  }
0x15: {  	s12 =	sadd.s32 $0x1000, s10;
	s16 =	smov.u32 s10;
	p2 =	sgt.s32 s14, $0x31  }
0x16: {  	s16 =	smov.u32 @p2 s12  }
0x17: {  	s14 =	simm.s32 @p2 $0x0;
	p2 =	sgt.s32 s16, $0x3FFF  }
0x18: {  	s16 =	smov.u32 @p2 s2;
	p2 =	sne.s32 s11, s7  }
.Ltmp1:
0x19: {  	p1 =	slt.u32 s11, $0x2;
	(pc) =	sbr.rel @!p2 .LBB1_6-.Ltmp1, $4  }
0x1a: {  	s15 =	simm.s32 @!p1 $0x2  }
0x1b: {  	s13 =	smov.u32 s10;
	p0 =	por !p0, !p0;
	_ =	swait.ge @!p1 [sflag:s15], $0x2000  }
0x1c: {  	s12 =	smov.u32 s9;
	[sflag:s15] =	ssyncset.done @!p1 $0x0;
	s9 =	smov.u32 s14  }
0x1d: {  	s11 =	sadd.s32 $0x1, s11;
	[sflag:s15] =	ssyncadd.s32 @!p1 $0xFFFFE000;
	s10 =	smov.u32 s16  }
.LBB1_1:
0x1e: {  	p1 =	sge.u32 s11, s5  }
0x1f: {  	s14 =	sand.u32 @!p1 $0x1FFFFFF, s9  }
0x20: {  	s15 =	smulhi.u32 @!p1 $0x4924925, s14;
	_ =	sdelay $0x1  }
0x21: {  	s15 =	smul.u32 @!p1 $0x38, s15  }
0x22: {  	s16 =	sxor.u32 @!p1 $0xFFFFFFFF, s11;
	s17 =	smul.u32 @!p1 $0x380, s10  }
0x23: {  	s31 =	sadd.s32 $0xFFFFFFFF, s11;
	s16 =	sshll.u32 @!p1 s16, $0xD;
	s14 =	ssub.s32 @!p1 s14, s15  }
0x24: {  	s15 =	sand.u32 @!p1 $0x2000, s16;
	s16 =	sadd.s32 @!p1 s6, s17;
	s14 =	sshll.u32 @!p1 s14, $0x4  }
0x25: {  	s17 =	simm.s32 @!p1 $0x1C00;
	s14 =	sadd.s32 @!p1 s14, s16;
	s16 =	simm.s32 @!p1 $0x40  }
0x26: {  	[tilespmem:s15], [sflag:$0x1] =	stream.strided.gather @!p1 [hbm4b:s14+s16], $0x2000, s17, s16, $0x38;
	[tilespmem:$0x8080] =	vst v63  }
0x27: {  	p1 =	sge.u32 s31, s5  }
.Ltmp2:
0x28: {  	_ = 	snop;
	(pc) =	sbr.rel @p1 .LBB1_5-.Ltmp2, $1  }
0x29: {  	_ =	sdelay $0x3  }
0x2a: {  	s14 =	simm.s32 $0x1  }
0x2b: {  	_ =	swait.ge [sflag:s4], $0x2000;
	s14 =	simm.s32 @!p0 $0x0  }
0x2c: {  	[sflag:s4] =	ssyncset.done $0x0;
	s15 =	sshll.u32 s14, $0xD  }
0x2d: {  	[sflag:s4] =	ssyncadd.s32 $0xFFFFE000;
	s18 =	sor.u32 $0x20, s15  }
0x2e: {  	s14 =	smul.u32 $0x8100, s14;
	v3 =	vld [tilespmem:s18+$0x10]  }
0x2f: {  	s30 =	sand.u32 $0x1, s11;
	v2 =	vld [tilespmem:s18+$0xFFFFFFF0]  }
0x30: {  	s15 =	smul.u32 $0x8100, s30;
	s14 =	sshrl.u32 s14, $0x2;
	v0 =	vld [tilespmem:s18+$0x0]  }
0x31: {  	v1 =	vld [tilespmem:s18+$0xFFFFFFE0];
	s16 =	sor.u32 $0x4000, s14  }
0x32: {  	s31 =	sshrl.u32 s15, $0x2;
	s15 =	sadd.s32 $0x0, s16  }
0x33: {  	s17 =	simm.s32 $0x4;
	s18 =	sadd.s32 $0x40, s18;
	s14 =	sor.u32 $0x4000, s31;
	[tilespmem:s15+$0x1830 ss:$0x81] =	vst.msk $0xffff, v3  }
.LBB1_3:
0x34: {  	v3 =	vld [tilespmem:s18+$0x10];
	p1 =	sne.s32 s17, $0x1FC;
	[tilespmem:s15+$0x810 ss:$0x81] =	vst.msk $0xffff, v2;
	s19 =	smov.u32 s17;
	s17 =	sadd.s32 $0x4, s17  }
.Ltmp3:
0x35: {  	v2 =	vld [tilespmem:s18+$0xFFFFFFF0];
	[tilespmem:s15+$0x1020 ss:$0x81] =	vst.msk $0xffff, v0;
	(pc) =	sbr.rel @p1 .LBB1_3-.Ltmp3, $4  }
0x36: {  	v0 =	vld [tilespmem:s18+$0x0];
	[tilespmem:s15+$0x0 ss:$0x81] =	vst.msk $0xffff, v1  }
0x37: {  	s15 =	sshra.s32 s19, $0x2;
	v1 =	vld [tilespmem:s18+$0xFFFFFFE0]  }
0x38: {  	s15 =	sadd.s32 s15, s16  }
0x39: {  	s18 =	sadd.s32 $0x40, s18;
	[tilespmem:s15+$0x1830 ss:$0x81] =	vst.msk $0xffff, v3  }
.Ltmp4:
0x3a: {  	_ = 	snop;
	(pc) =	sbr.rel .LBB1_4-.Ltmp4, $1  }
0x3b: {  	_ =	sdelay $0x3  }
.LBB1_6:
0x3c: {  	_ =	sfence.sel $0x180000  }
0x3d: {  	s2 =	simm.s32 $0x1;
	[bflag:$0x0] =	sbarrier.arrive $0xFFFF  }
0x3e: {  	s31 =	simm.s32 $0x2;
	[sflag:s2] =	ssyncpa.u1 $0x1  }
0x3f: {  	[sflag:s31] =	ssyncpa.u1 $0x1  }
0x40: {  	p0 =	sne.s32 s0, $0x0;
	_ =	strace $0x9000004D  }
0x41: {  	s0 =	sadd.s32 @!p0 $0x100000, s1;
	[bflag:$0x2] =	sbarrier.arrive $0xFFFF  }
0x42: {  	[sflag:s0] =	ssyncadd.tile.s32 @!p0 $0x1;
	_ =	shalt  }
.Lfunc_end1:
_tile_overlayer_lowered:
.L_overlay_start_2:
0x43: {  	(tag) =	ssettag $0x2  }
0x44: {  	s0 =	rddreg [dreg:$0x0];
	s2 =	stileid.u32  }
0x45: {  	s1 =	rddreg [dreg:$0x1];
	p0 =	sne.s32 s2, $0x0  }
0x46: {  	s3 =	rddreg [dreg:$0x2];
	[bflag:$0x3] =	sbarrier.arrive $0xFFFF;
	s2 =	simm.s32 @!p0 $0x1C01  }
0x47: {  	[timem:s3], [sflag:s2] =	dma.local @!p0 [hbm:s0], s1  }
0x48: {  	s0 =	simm.s32 @!p0 $0x1  }
0x49: {  	_ =	swait.ge @!p0 [sflag:s0], s1  }
0x4a: {  	s1 =	ssub.s32 @!p0 $0x0, s1;
	[sflag:s0] =	ssyncset.done @!p0 $0x0  }
0x4b: {  	[sflag:s0] =	ssyncadd.s32 @!p0 s1  }
0x4c: {  	[bflag:$0x3] =	sbarrier.arrive $0xFFFF  }
0x4d: {  	_ =	shalt  }

</sc_bundles>
